<compile_context>
chip_gen: v7x
topology: tpu7x:2x2x1
jax: 0.10.2.dev20260603
libtpu: 0.0.44.dev20260713+nightly
codegen_flags: <defaults>
</compile_context>

<pallas_src>
import functools

import jax
import jax.numpy as jnp
from jax import lax
from jax.experimental import pallas as pl
from jax.experimental.pallas import tpu as pltpu
from jax.experimental.pallas import tpu_sc as plsc

E = 16
TOP_K = 2
D = 1024
F = 2048
V = 64
T = 2048
C = 384
TEMP = 2.0

NC = 2
NS = 16
NW = NC * NS


def _make_sc_gather(n_rows_table, d, b, rows_per_chunk):
    del n_rows_table
    b_per_w = b // NW
    assert b % (8 * NW) == 0
    assert b_per_w % rows_per_chunk == 0
    n_chunks = b_per_w // rows_per_chunk
    mesh = plsc.VectorSubcoreMesh(core_axis_name="c", subcore_axis_name="s")

    @functools.partial(
        pl.kernel,
        mesh=mesh,
        out_type=jax.ShapeDtypeStruct((b, d), jnp.float32),
        scratch_types=[
            pltpu.VMEM((rows_per_chunk,), jnp.int32),
            pltpu.VMEM((rows_per_chunk, d), jnp.float32),
            pltpu.SemaphoreType.DMA,
        ],
    )
    def gather_kernel(table_hbm, idx_hbm, out_hbm, idx_v, rows_v, sem):
        wid = lax.axis_index("s") * NC + lax.axis_index("c")
        base = wid * b_per_w
        for j in range(n_chunks):
            off = base + j * rows_per_chunk
            pltpu.sync_copy(idx_hbm.at[pl.ds(off, rows_per_chunk)], idx_v)
            pltpu.async_copy(table_hbm.at[idx_v], rows_v, sem).wait()
            pltpu.sync_copy(rows_v, out_hbm.at[pl.ds(off, rows_per_chunk)])

    return gather_kernel


def _router_body(x_ref, wr_ref, br_ref, sel_ref, gsel_ref, cidx_ref,
                 cmask_ref, m_ref, g_ref, p_ref):
    x = x_ref[...]
    logits = jnp.dot(x, wr_ref[...], preferred_element_type=jnp.float32)
    logits = logits + br_ref[...]
    z = logits * (1.0 / TEMP)
    z = z - jnp.max(z, axis=-1, keepdims=True)
    ez = jnp.exp(z)
    probs = ez / jnp.sum(ez, axis=-1, keepdims=True)

    iota_e = lax.broadcasted_iota(jnp.int32, (1, E), 1).astype(jnp.float32)
    v1 = jnp.max(probs, axis=-1, keepdims=True)
    i1 = jnp.min(jnp.where(probs == v1, iota_e, 1e9), axis=-1, keepdims=True)
    oh1 = (iota_e == i1).astype(jnp.float32)
    probs2 = jnp.where(oh1 > 0, -1.0, probs)
    v2 = jnp.max(probs2, axis=-1, keepdims=True)
    i2 = jnp.min(jnp.where(probs2 == v2, iota_e, 1e9), axis=-1, keepdims=True)
    oh2 = (iota_e == i2).astype(jnp.float32)

    s = v1 + v2
    g1 = v1 / s
    g2 = v2 / s
    m_ref[...] = oh1 + oh2
    g_ref[...] = g1 * oh1 + g2 * oh2

    R = 256
    rows = lax.broadcasted_iota(jnp.int32, (R, R), 0)
    cols = lax.broadcasted_iota(jnp.int32, (R, R), 1)
    tri = (rows > cols).astype(jnp.float32)

    def chunk_body(c, base):
        off = pl.multiple_of(c * R, R)
        mc = m_ref[pl.ds(off, R), :]
        p_ref[pl.ds(off, R), :] = (
            jnp.dot(tri, mc, preferred_element_type=jnp.float32) + base
        )
        return base + jnp.sum(mc, axis=0, keepdims=True)

    lax.fori_loop(0, T // R, chunk_body, jnp.zeros((1, E), jnp.float32))

    iota_t = lax.broadcasted_iota(jnp.int32, (T, 1), 0).astype(jnp.float32)
    qcol = jnp.floor(iota_t * 0.125)
    rcol = iota_t - 8.0 * qcol
    iota_c = lax.broadcasted_iota(jnp.int32, (1, C), 1).astype(jnp.float32)
    for e in range(E):
        pcol = p_ref[:, e : e + 1]
        mcol = m_ref[:, e : e + 1]
        gcol = g_ref[:, e : e + 1]
        key = jnp.where(mcol > 0, pcol, jnp.float32(C))
        oh = (key == iota_c).astype(jnp.float32)
        a = jnp.concatenate([qcol, rcol, gcol], axis=1)
        res = lax.dot_general(
            oh, a, (((0,), (0,)), ((), ())),
            preferred_element_type=jnp.float32,
        )
        sel_ref[:, e : e + 1] = (
            8.0 * res[:, 0:1] + res[:, 1:2]
        ).astype(jnp.int32)
        gsel_ref[:, e : e + 1] = res[:, 2:3]

    p = p_ref[...]
    ps1 = jnp.sum(jnp.where(oh1 > 0, p, 0.0), axis=-1, keepdims=True)
    ps2 = jnp.sum(jnp.where(oh2 > 0, p, 0.0), axis=-1, keepdims=True)
    ok1 = ps1 < C
    ok2 = ps2 < C
    cidx_ref[:, 0:1] = jnp.where(ok1, i1 * C + ps1, 0.0).astype(jnp.int32)
    cidx_ref[:, 1:2] = jnp.where(ok2, i2 * C + ps2, 0.0).astype(jnp.int32)
    cmask_ref[:, 0:1] = ok1.astype(jnp.float32)
    cmask_ref[:, 1:2] = ok2.astype(jnp.float32)


def _router(x, wr, br2):
    return pl.pallas_call(
        _router_body,
        out_shape=(
            jax.ShapeDtypeStruct((C, E), jnp.int32),
            jax.ShapeDtypeStruct((C, E), jnp.float32),
            jax.ShapeDtypeStruct((T, 2), jnp.int32),
            jax.ShapeDtypeStruct((T, 2), jnp.float32),
        ),
        scratch_shapes=[
            pltpu.VMEM((T, E), jnp.float32),
            pltpu.VMEM((T, E), jnp.float32),
            pltpu.VMEM((T, E), jnp.float32),
        ],
    )(x, wr, br2)


FT = 1024
NF = F // FT


def _ffn_body(xg_ref, w1_ref, b1_ref, w2_ref, b2_ref, g_ref, out_ref):
    f = pl.program_id(1)
    h = jnp.dot(xg_ref[...], w1_ref[0], preferred_element_type=jnp.float32)
    h = jax.nn.gelu(h + b1_ref[0])
    y = jnp.dot(h, w2_ref[0], preferred_element_type=jnp.float32)

    @pl.when(f == 0)
    def _init():
        out_ref[...] = y

    @pl.when(f > 0)
    def _acc():
        out_ref[...] = out_ref[...] + y

    @pl.when(f == NF - 1)
    def _fin():
        out_ref[...] = (out_ref[...] + b2_ref[0]) * g_ref[...]


def _ffn(xg, w1, b1, w2, b2, gcolv):
    return pl.pallas_call(
        _ffn_body,
        grid=(E, NF),
        in_specs=[
            pl.BlockSpec((C, D), lambda e, f: (e, 0)),
            pl.BlockSpec((1, D, FT), lambda e, f: (e, 0, f)),
            pl.BlockSpec((1, 1, FT), lambda e, f: (e, 0, f)),
            pl.BlockSpec((1, FT, D), lambda e, f: (e, f, 0)),
            pl.BlockSpec((1, 1, D), lambda e, f: (e, 0, 0)),
            pl.BlockSpec((C, 1), lambda e, f: (e, 0)),
        ],
        out_specs=pl.BlockSpec((C, D), lambda e, f: (e, 0)),
        out_shape=jax.ShapeDtypeStruct((E * C, D), jnp.float32),
    )(xg, w1, b1.reshape(E, 1, F), w2, b2.reshape(E, 1, D), gcolv)


RT = 512
NR = T // RT


def _head_body(x_ref, y0_ref, y1_ref, cm_ref, wlm_ref, blm_ref, out_ref):
    cm = cm_ref[...]
    cog = x_ref[...] + y0_ref[...] * cm[:, 0:1] + y1_ref[...] * cm[:, 1:2]
    out_ref[...] = (
        jnp.dot(cog, wlm_ref[...], preferred_element_type=jnp.float32)
        + blm_ref[...]
    )


def _head(x, y01, cmask, wlm, blm2):
    return pl.pallas_call(
        _head_body,
        grid=(NR,),
        in_specs=[
            pl.BlockSpec((RT, D), lambda r: (r, 0)),
            pl.BlockSpec((RT, D), lambda r: (r, 0)),
            pl.BlockSpec((RT, D), lambda r: (r + NR, 0)),
            pl.BlockSpec((RT, 2), lambda r: (r, 0)),
            pl.BlockSpec((D, V), lambda r: (0, 0)),
            pl.BlockSpec((1, V), lambda r: (0, 0)),
        ],
        out_specs=pl.BlockSpec((RT, V), lambda r: (r, 0)),
        out_shape=jax.ShapeDtypeStruct((T, V), jnp.float32),
    )(x, y01, y01, cmask, wlm, blm2)


def _lazy(maker):
    cache = []

    def call(table, idx):
        if not cache:
            cache.append(maker())
        return cache[0](table, idx)

    return call


_embed_gather = _lazy(lambda: _make_sc_gather(V, D, T, 64))
_dispatch_gather = _lazy(lambda: _make_sc_gather(T, D, E * C, 96))
_combine_gather = _lazy(lambda: _make_sc_gather(E * C, D, 2 * T, 64))


def kernel(input_tensor, embed, Wr, br, W1, b1, W2, b2, Wlm, blm):
    idx = input_tensor.astype(jnp.int32)
    x = _embed_gather(embed, idx)
    sel, gsel, cidx, cmask = _router(x, Wr, br.reshape(1, E))
    xg = _dispatch_gather(x, sel.T.reshape(E * C))
    yg = _ffn(xg, W1, b1, W2, b2, gsel.T.reshape(E * C, 1))
    y01 = _combine_gather(yg, cidx.T.reshape(2 * T))
    return _head(x, y01, cmask, Wlm, blm.reshape(1, V))

# --- scband reference (transcript-rebuilt; emitter-appended) ---
"""Pipeline reference for scband-agismall-language-model-8615704396102 (READ-ONLY COPY).

The authoritative reference and input builder live on the scoring server;
editing this copy changes nothing except your own understanding.
"""

import jax, jax.numpy as jnp
import numpy as np

E = 16
TOP_K = 2
D_MODEL = 1024
D_FF = 2048
VOCAB = 64
SEQ = 2048
CAPACITY = 384  # per-expert token capacity (~1.5x uniform load)
ROUTER_TEMP = 2.0


def setup_inputs(seed: int = 0) -> dict:
    key = jax.random.key(seed)
    ks = jax.random.split(key, 8)
    input_tensor = jax.random.randint(ks[0], (SEQ,), 0, VOCAB)
    embed = jax.random.normal(ks[1], (VOCAB, D_MODEL), dtype=jnp.float32) * 0.02
    Wr = jax.random.normal(ks[2], (D_MODEL, E), dtype=jnp.float32) * 0.02
    br = jnp.zeros((E,), dtype=jnp.float32)
    W1 = jax.random.normal(ks[3], (E, D_MODEL, D_FF), dtype=jnp.float32) * 0.02
    b1 = jnp.zeros((E, D_FF), dtype=jnp.float32)
    W2 = jax.random.normal(ks[4], (E, D_FF, D_MODEL), dtype=jnp.float32) * 0.02
    b2 = jnp.zeros((E, D_MODEL), dtype=jnp.float32)
    Wlm = jax.random.normal(ks[5], (D_MODEL, VOCAB), dtype=jnp.float32) * 0.02
    blm = jnp.zeros((VOCAB,), dtype=jnp.float32)
    return {"input_tensor": input_tensor, "embed": embed, "Wr": Wr, "br": br,
            "W1": W1, "b1": b1, "W2": W2, "b2": b2, "Wlm": Wlm, "blm": blm}


def _moe_core(x, Wr, br, W1, b1, W2, b2):
    # Top-k MoE 'brain' (NeuralArchitecture use_moe=True, num_experts=16, router_temp=2.0)
    T = x.shape[0]
    router_logits = x @ Wr + br                       # [T, E]
    probs = jax.nn.softmax(router_logits / ROUTER_TEMP, axis=-1)
    topv, topi = jax.lax.top_k(probs, TOP_K)          # [T, k]
    topv = topv / jnp.sum(topv, axis=-1, keepdims=True)
    out = jnp.zeros_like(x)
    x_pad = jnp.concatenate([x, jnp.zeros((1, x.shape[1]), x.dtype)], axis=0)
    for e in range(E):
        mask = (topi == e)                            # [T, k]
        gate_e = jnp.sum(topv * mask, axis=-1)        # [T]
        sel = jnp.nonzero(jnp.any(mask, axis=-1), size=CAPACITY, fill_value=T)[0]
        xe = x_pad[sel]                               # [capacity, d_model]
        h = jax.nn.gelu(xe @ W1[e] + b1[e])
        ye = h @ W2[e] + b2[e]
        safe = jnp.minimum(sel, T - 1)
        g = jnp.where(sel < T, gate_e[safe], 0.0)
        out = out.at[safe].add(ye * g[:, None])
    return out


def reference(input_tensor, embed, Wr, br, W1, b1, W2, b2, Wlm, blm):
    # embeddings = self.embedding(input_tensor)
    x = jnp.take(embed, input_tensor, axis=0)         # [T, d_model]
    # per-step brain.forward(embeddings[t]) is token-wise -> vectorized
    cog = x + _moe_core(x, Wr, br, W1, b1, W2, b2)
    # step_logits = self.lm_head(cognitive_out); torch.stack(logits)
    logits = cog @ Wlm + blm                          # [T, vocab]
    return logits

if __name__ == "__main__":
    import jax
    _d = setup_inputs()
    print(jax.jit(kernel)(*tuple(_d.values())))

</pallas_src>

<mosaic_0001>
#map = affine_map<(d0, d1) -> (0, 0)>
#map1 = affine_map<(d0, d1) -> (0)>
module attributes {stable_mosaic.version = 14 : i64} {
  func.func @gather_kernel(%arg0: i32, %arg1: i32, %arg2: memref<6144x1024xf32, #tpu.memory_space<hbm>>, %arg3: memref<4096xi32, #tpu.memory_space<hbm>>, %arg4: memref<4096x1024xf32, #tpu.memory_space<hbm>>, %arg5: memref<64xi32, #tpu.memory_space<vmem>>, %arg6: memref<64x1024xf32, #tpu.memory_space<vmem>>, %arg7: memref<!tpu.dma_semaphore, #tpu.memory_space<semaphore_mem>>) attributes {dimension_semantics = [#tpu.dimension_semantics<core_parallel>, #tpu.dimension_semantics<subcore_parallel>], iteration_bounds = array<i64: 2, 16>, scalar_prefetch = 0 : i64, scratch_operands = 3 : i64, tpu.core_type = #tpu.core_type<sc_vector_subcore>, window_params = [{transform_indices = #map}, {transform_indices = #map1}, {transform_indices = #map}]} {
    %mul3A = arith.constant 2 : i32
    %mul3A_0 = arith.muli %arg1, %mul3A : i32
    %add3A = arith.addi %mul3A_0, %arg0 : i32
    %mul3A_1 = arith.constant 128 : i32
    %mul3A_2 = arith.muli %add3A, %mul3A_1 : i32
    %add3A_3 = arith.constant 0 : i32
    %add3A_4 = arith.addi %mul3A_2, %add3A_3 : i32
    "tpu.region"() ({
      %run_scoped3A = tpu.sem_alloc : memref<!tpu.dma_semaphore, #tpu.memory_space<semaphore_mem>>
      %dma_start3A_17 = tpu.memref_slice %arg3[%add3A_4] : memref<4096xi32, #tpu.memory_space<hbm>> -> memref<64xi32, #tpu.memory_space<hbm>>
      %dma_start3A_18 = tpu.memref_slice %arg3[%add3A_4] : memref<4096xi32, #tpu.memory_space<hbm>> -> memref<64xi32, #tpu.memory_space<hbm>>
      tpu.enqueue_dma source(%dma_start3A_18 : memref<64xi32, #tpu.memory_space<hbm>>) target(%arg5 : memref<64xi32, #tpu.memory_space<vmem>>) target_semaphore(%run_scoped3A : memref<!tpu.dma_semaphore, #tpu.memory_space<semaphore_mem>>)
      %dma_wait3A_19 = tpu.memref_slice %arg3[%add3A_4] : memref<4096xi32, #tpu.memory_space<hbm>> -> memref<64xi32, #tpu.memory_space<hbm>>
      %dma_wait3A_20 = tpu.memref_slice %arg3[%add3A_4] : memref<4096xi32, #tpu.memory_space<hbm>> -> memref<64xi32, #tpu.memory_space<hbm>>
      tpu.wait_dma2 semaphore(%run_scoped3A : memref<!tpu.dma_semaphore, #tpu.memory_space<semaphore_mem>>) src(%dma_wait3A_20 : memref<64xi32, #tpu.memory_space<hbm>>) dst(%arg5 : memref<64xi32, #tpu.memory_space<vmem>>)
      tpu.yield
    }) : () -> ()
    %dma_start3A = arith.constant 0 : i32
    %dma_start3A_5 = arith.constant 0 : i32
    %dma_start3A_6 = tpu.memref_slice %arg2[%dma_start3A, %dma_start3A_5] : memref<6144x1024xf32, #tpu.memory_space<hbm>> -> memref<6144x1024xf32, #tpu.memory_space<hbm>>
    tpu.enqueue_indirect_dma source(%dma_start3A_6 : memref<6144x1024xf32, #tpu.memory_space<hbm>>) target(%arg6 : memref<64x1024xf32, #tpu.memory_space<vmem>>) offsets(%arg5 : memref<64xi32, #tpu.memory_space<vmem>>) semaphore(%arg7 : memref<!tpu.dma_semaphore, #tpu.memory_space<semaphore_mem>>)
    %dma_wait3A = arith.constant 0 : i32
    %dma_wait3A_7 = arith.constant 0 : i32
    %dma_wait3A_8 = tpu.memref_slice %arg2[%dma_wait3A, %dma_wait3A_7] : memref<6144x1024xf32, #tpu.memory_space<hbm>> -> memref<6144x1024xf32, #tpu.memory_space<hbm>>
    tpu.wait_indirect_dma semaphore(%arg7 : memref<!tpu.dma_semaphore, #tpu.memory_space<semaphore_mem>>) src(%dma_wait3A_8 : memref<6144x1024xf32, #tpu.memory_space<hbm>>) dst(%arg6 : memref<64x1024xf32, #tpu.memory_space<vmem>>)
    "tpu.region"() ({
      %run_scoped3A = tpu.sem_alloc : memref<!tpu.dma_semaphore, #tpu.memory_space<semaphore_mem>>
      %dma_start3A_17 = arith.constant 0 : i32
      %dma_start3A_18 = tpu.memref_slice %arg4[%add3A_4, %dma_start3A_17] : memref<4096x1024xf32, #tpu.memory_space<hbm>> -> memref<64x1024xf32, #tpu.memory_space<hbm>>
      %dma_start3A_19 = arith.constant 0 : i32
      %dma_start3A_20 = tpu.memref_slice %arg4[%add3A_4, %dma_start3A_19] : memref<4096x1024xf32, #tpu.memory_space<hbm>> -> memref<64x1024xf32, #tpu.memory_space<hbm>>
      tpu.enqueue_dma source(%arg6 : memref<64x1024xf32, #tpu.memory_space<vmem>>) target(%dma_start3A_20 : memref<64x1024xf32, #tpu.memory_space<hbm>>) target_semaphore(%run_scoped3A : memref<!tpu.dma_semaphore, #tpu.memory_space<semaphore_mem>>)
      %dma_wait3A_21 = arith.constant 0 : i32
      %dma_wait3A_22 = tpu.memref_slice %arg4[%add3A_4, %dma_wait3A_21] : memref<4096x1024xf32, #tpu.memory_space<hbm>> -> memref<64x1024xf32, #tpu.memory_space<hbm>>
      %dma_wait3A_23 = arith.constant 0 : i32
      %dma_wait3A_24 = tpu.memref_slice %arg4[%add3A_4, %dma_wait3A_23] : memref<4096x1024xf32, #tpu.memory_space<hbm>> -> memref<64x1024xf32, #tpu.memory_space<hbm>>
      tpu.wait_dma2 semaphore(%run_scoped3A : memref<!tpu.dma_semaphore, #tpu.memory_space<semaphore_mem>>) src(%arg6 : memref<64x1024xf32, #tpu.memory_space<vmem>>) dst(%dma_wait3A_24 : memref<64x1024xf32, #tpu.memory_space<hbm>>)
      tpu.yield
    }) : () -> ()
    %add3A_9 = arith.constant 64 : i32
    %add3A_10 = arith.addi %mul3A_2, %add3A_9 : i32
    "tpu.region"() ({
      %run_scoped3A = tpu.sem_alloc : memref<!tpu.dma_semaphore, #tpu.memory_space<semaphore_mem>>
      %dma_start3A_17 = tpu.memref_slice %arg3[%add3A_10] : memref<4096xi32, #tpu.memory_space<hbm>> -> memref<64xi32, #tpu.memory_space<hbm>>
      %dma_start3A_18 = tpu.memref_slice %arg3[%add3A_10] : memref<4096xi32, #tpu.memory_space<hbm>> -> memref<64xi32, #tpu.memory_space<hbm>>
      tpu.enqueue_dma source(%dma_start3A_18 : memref<64xi32, #tpu.memory_space<hbm>>) target(%arg5 : memref<64xi32, #tpu.memory_space<vmem>>) target_semaphore(%run_scoped3A : memref<!tpu.dma_semaphore, #tpu.memory_space<semaphore_mem>>)
      %dma_wait3A_19 = tpu.memref_slice %arg3[%add3A_10] : memref<4096xi32, #tpu.memory_space<hbm>> -> memref<64xi32, #tpu.memory_space<hbm>>
      %dma_wait3A_20 = tpu.memref_slice %arg3[%add3A_10] : memref<4096xi32, #tpu.memory_space<hbm>> -> memref<64xi32, #tpu.memory_space<hbm>>
      tpu.wait_dma2 semaphore(%run_scoped3A : memref<!tpu.dma_semaphore, #tpu.memory_space<semaphore_mem>>) src(%dma_wait3A_20 : memref<64xi32, #tpu.memory_space<hbm>>) dst(%arg5 : memref<64xi32, #tpu.memory_space<vmem>>)
      tpu.yield
    }) : () -> ()
    %dma_start3A_11 = arith.constant 0 : i32
    %dma_start3A_12 = arith.constant 0 : i32
    %dma_start3A_13 = tpu.memref_slice %arg2[%dma_start3A_11, %dma_start3A_12] : memref<6144x1024xf32, #tpu.memory_space<hbm>> -> memref<6144x1024xf32, #tpu.memory_space<hbm>>
    tpu.enqueue_indirect_dma source(%dma_start3A_13 : memref<6144x1024xf32, #tpu.memory_space<hbm>>) target(%arg6 : memref<64x1024xf32, #tpu.memory_space<vmem>>) offsets(%arg5 : memref<64xi32, #tpu.memory_space<vmem>>) semaphore(%arg7 : memref<!tpu.dma_semaphore, #tpu.memory_space<semaphore_mem>>)
    %dma_wait3A_14 = arith.constant 0 : i32
    %dma_wait3A_15 = arith.constant 0 : i32
    %dma_wait3A_16 = tpu.memref_slice %arg2[%dma_wait3A_14, %dma_wait3A_15] : memref<6144x1024xf32, #tpu.memory_space<hbm>> -> memref<6144x1024xf32, #tpu.memory_space<hbm>>
    tpu.wait_indirect_dma semaphore(%arg7 : memref<!tpu.dma_semaphore, #tpu.memory_space<semaphore_mem>>) src(%dma_wait3A_16 : memref<6144x1024xf32, #tpu.memory_space<hbm>>) dst(%arg6 : memref<64x1024xf32, #tpu.memory_space<vmem>>)
    "tpu.region"() ({
      %run_scoped3A = tpu.sem_alloc : memref<!tpu.dma_semaphore, #tpu.memory_space<semaphore_mem>>
      %dma_start3A_17 = arith.constant 0 : i32
      %dma_start3A_18 = tpu.memref_slice %arg4[%add3A_10, %dma_start3A_17] : memref<4096x1024xf32, #tpu.memory_space<hbm>> -> memref<64x1024xf32, #tpu.memory_space<hbm>>
      %dma_start3A_19 = arith.constant 0 : i32
      %dma_start3A_20 = tpu.memref_slice %arg4[%add3A_10, %dma_start3A_19] : memref<4096x1024xf32, #tpu.memory_space<hbm>> -> memref<64x1024xf32, #tpu.memory_space<hbm>>
      tpu.enqueue_dma source(%arg6 : memref<64x1024xf32, #tpu.memory_space<vmem>>) target(%dma_start3A_20 : memref<64x1024xf32, #tpu.memory_space<hbm>>) target_semaphore(%run_scoped3A : memref<!tpu.dma_semaphore, #tpu.memory_space<semaphore_mem>>)
      %dma_wait3A_21 = arith.constant 0 : i32
      %dma_wait3A_22 = tpu.memref_slice %arg4[%add3A_10, %dma_wait3A_21] : memref<4096x1024xf32, #tpu.memory_space<hbm>> -> memref<64x1024xf32, #tpu.memory_space<hbm>>
      %dma_wait3A_23 = arith.constant 0 : i32
      %dma_wait3A_24 = tpu.memref_slice %arg4[%add3A_10, %dma_wait3A_23] : memref<4096x1024xf32, #tpu.memory_space<hbm>> -> memref<64x1024xf32, #tpu.memory_space<hbm>>
      tpu.wait_dma2 semaphore(%run_scoped3A : memref<!tpu.dma_semaphore, #tpu.memory_space<semaphore_mem>>) src(%arg6 : memref<64x1024xf32, #tpu.memory_space<vmem>>) dst(%dma_wait3A_24 : memref<64x1024xf32, #tpu.memory_space<hbm>>)
      tpu.yield
    }) : () -> ()
    return
  }
}

#map = affine_map<(d0, d1) -> (0, 0)>
#map1 = affine_map<(d0, d1) -> (0)>
module attributes {stable_mosaic.version = 14 : i64} {
  func.func @gather_kernel(%arg0: i32, %arg1: i32, %arg2: memref<2048x1024xf32, #tpu.memory_space<hbm>>, %arg3: memref<6144xi32, #tpu.memory_space<hbm>>, %arg4: memref<6144x1024xf32, #tpu.memory_space<hbm>>, %arg5: memref<96xi32, #tpu.memory_space<vmem>>, %arg6: memref<96x1024xf32, #tpu.memory_space<vmem>>, %arg7: memref<!tpu.dma_semaphore, #tpu.memory_space<semaphore_mem>>) attributes {dimension_semantics = [#tpu.dimension_semantics<core_parallel>, #tpu.dimension_semantics<subcore_parallel>], iteration_bounds = array<i64: 2, 16>, scalar_prefetch = 0 : i64, scratch_operands = 3 : i64, tpu.core_type = #tpu.core_type<sc_vector_subcore>, window_params = [{transform_indices = #map}, {transform_indices = #map1}, {transform_indices = #map}]} {
    %mul3A = arith.constant 2 : i32
    %mul3A_0 = arith.muli %arg1, %mul3A : i32
    %add3A = arith.addi %mul3A_0, %arg0 : i32
    %mul3A_1 = arith.constant 192 : i32
    %mul3A_2 = arith.muli %add3A, %mul3A_1 : i32
    %add3A_3 = arith.constant 0 : i32
    %add3A_4 = arith.addi %mul3A_2, %add3A_3 : i32
    "tpu.region"() ({
      %run_scoped3A = tpu.sem_alloc : memref<!tpu.dma_semaphore, #tpu.memory_space<semaphore_mem>>
      %dma_start3A_17 = tpu.memref_slice %arg3[%add3A_4] : memref<6144xi32, #tpu.memory_space<hbm>> -> memref<96xi32, #tpu.memory_space<hbm>>
      %dma_start3A_18 = tpu.memref_slice %arg3[%add3A_4] : memref<6144xi32, #tpu.memory_space<hbm>> -> memref<96xi32, #tpu.memory_space<hbm>>
      tpu.enqueue_dma source(%dma_start3A_18 : memref<96xi32, #tpu.memory_space<hbm>>) target(%arg5 : memref<96xi32, #tpu.memory_space<vmem>>) target_semaphore(%run_scoped3A : memref<!tpu.dma_semaphore, #tpu.memory_space<semaphore_mem>>)
      %dma_wait3A_19 = tpu.memref_slice %arg3[%add3A_4] : memref<6144xi32, #tpu.memory_space<hbm>> -> memref<96xi32, #tpu.memory_space<hbm>>
      %dma_wait3A_20 = tpu.memref_slice %arg3[%add3A_4] : memref<6144xi32, #tpu.memory_space<hbm>> -> memref<96xi32, #tpu.memory_space<hbm>>
      tpu.wait_dma2 semaphore(%run_scoped3A : memref<!tpu.dma_semaphore, #tpu.memory_space<semaphore_mem>>) src(%dma_wait3A_20 : memref<96xi32, #tpu.memory_space<hbm>>) dst(%arg5 : memref<96xi32, #tpu.memory_space<vmem>>)
      tpu.yield
    }) : () -> ()
    %dma_start3A = arith.constant 0 : i32
    %dma_start3A_5 = arith.constant 0 : i32
    %dma_start3A_6 = tpu.memref_slice %arg2[%dma_start3A, %dma_start3A_5] : memref<2048x1024xf32, #tpu.memory_space<hbm>> -> memref<2048x1024xf32, #tpu.memory_space<hbm>>
    tpu.enqueue_indirect_dma source(%dma_start3A_6 : memref<2048x1024xf32, #tpu.memory_space<hbm>>) target(%arg6 : memref<96x1024xf32, #tpu.memory_space<vmem>>) offsets(%arg5 : memref<96xi32, #tpu.memory_space<vmem>>) semaphore(%arg7 : memref<!tpu.dma_semaphore, #tpu.memory_space<semaphore_mem>>)
    %dma_wait3A = arith.constant 0 : i32
    %dma_wait3A_7 = arith.constant 0 : i32
    %dma_wait3A_8 = tpu.memref_slice %arg2[%dma_wait3A, %dma_wait3A_7] : memref<2048x1024xf32, #tpu.memory_space<hbm>> -> memref<2048x1024xf32, #tpu.memory_space<hbm>>
    tpu.wait_indirect_dma semaphore(%arg7 : memref<!tpu.dma_semaphore, #tpu.memory_space<semaphore_mem>>) src(%dma_wait3A_8 : memref<2048x1024xf32, #tpu.memory_space<hbm>>) dst(%arg6 : memref<96x1024xf32, #tpu.memory_space<vmem>>)
    "tpu.region"() ({
      %run_scoped3A = tpu.sem_alloc : memref<!tpu.dma_semaphore, #tpu.memory_space<semaphore_mem>>
      %dma_start3A_17 = arith.constant 0 : i32
      %dma_start3A_18 = tpu.memref_slice %arg4[%add3A_4, %dma_start3A_17] : memref<6144x1024xf32, #tpu.memory_space<hbm>> -> memref<96x1024xf32, #tpu.memory_space<hbm>>
      %dma_start3A_19 = arith.constant 0 : i32
      %dma_start3A_20 = tpu.memref_slice %arg4[%add3A_4, %dma_start3A_19] : memref<6144x1024xf32, #tpu.memory_space<hbm>> -> memref<96x1024xf32, #tpu.memory_space<hbm>>
      tpu.enqueue_dma source(%arg6 : memref<96x1024xf32, #tpu.memory_space<vmem>>) target(%dma_start3A_20 : memref<96x1024xf32, #tpu.memory_space<hbm>>) target_semaphore(%run_scoped3A : memref<!tpu.dma_semaphore, #tpu.memory_space<semaphore_mem>>)
      %dma_wait3A_21 = arith.constant 0 : i32
      %dma_wait3A_22 = tpu.memref_slice %arg4[%add3A_4, %dma_wait3A_21] : memref<6144x1024xf32, #tpu.memory_space<hbm>> -> memref<96x1024xf32, #tpu.memory_space<hbm>>
      %dma_wait3A_23 = arith.constant 0 : i32
      %dma_wait3A_24 = tpu.memref_slice %arg4[%add3A_4, %dma_wait3A_23] : memref<6144x1024xf32, #tpu.memory_space<hbm>> -> memref<96x1024xf32, #tpu.memory_space<hbm>>
      tpu.wait_dma2 semaphore(%run_scoped3A : memref<!tpu.dma_semaphore, #tpu.memory_space<semaphore_mem>>) src(%arg6 : memref<96x1024xf32, #tpu.memory_space<vmem>>) dst(%dma_wait3A_24 : memref<96x1024xf32, #tpu.memory_space<hbm>>)
      tpu.yield
    }) : () -> ()
    %add3A_9 = arith.constant 96 : i32
    %add3A_10 = arith.addi %mul3A_2, %add3A_9 : i32
    "tpu.region"() ({
      %run_scoped3A = tpu.sem_alloc : memref<!tpu.dma_semaphore, #tpu.memory_space<semaphore_mem>>
      %dma_start3A_17 = tpu.memref_slice %arg3[%add3A_10] : memref<6144xi32, #tpu.memory_space<hbm>> -> memref<96xi32, #tpu.memory_space<hbm>>
      %dma_start3A_18 = tpu.memref_slice %arg3[%add3A_10] : memref<6144xi32, #tpu.memory_space<hbm>> -> memref<96xi32, #tpu.memory_space<hbm>>
      tpu.enqueue_dma source(%dma_start3A_18 : memref<96xi32, #tpu.memory_space<hbm>>) target(%arg5 : memref<96xi32, #tpu.memory_space<vmem>>) target_semaphore(%run_scoped3A : memref<!tpu.dma_semaphore, #tpu.memory_space<semaphore_mem>>)
      %dma_wait3A_19 = tpu.memref_slice %arg3[%add3A_10] : memref<6144xi32, #tpu.memory_space<hbm>> -> memref<96xi32, #tpu.memory_space<hbm>>
      %dma_wait3A_20 = tpu.memref_slice %arg3[%add3A_10] : memref<6144xi32, #tpu.memory_space<hbm>> -> memref<96xi32, #tpu.memory_space<hbm>>
      tpu.wait_dma2 semaphore(%run_scoped3A : memref<!tpu.dma_semaphore, #tpu.memory_space<semaphore_mem>>) src(%dma_wait3A_20 : memref<96xi32, #tpu.memory_space<hbm>>) dst(%arg5 : memref<96xi32, #tpu.memory_space<vmem>>)
      tpu.yield
    }) : () -> ()
    %dma_start3A_11 = arith.constant 0 : i32
    %dma_start3A_12 = arith.constant 0 : i32
    %dma_start3A_13 = tpu.memref_slice %arg2[%dma_start3A_11, %dma_start3A_12] : memref<2048x1024xf32, #tpu.memory_space<hbm>> -> memref<2048x1024xf32, #tpu.memory_space<hbm>>
    tpu.enqueue_indirect_dma source(%dma_start3A_13 : memref<2048x1024xf32, #tpu.memory_space<hbm>>) target(%arg6 : memref<96x1024xf32, #tpu.memory_space<vmem>>) offsets(%arg5 : memref<96xi32, #tpu.memory_space<vmem>>) semaphore(%arg7 : memref<!tpu.dma_semaphore, #tpu.memory_space<semaphore_mem>>)
    %dma_wait3A_14 = arith.constant 0 : i32
    %dma_wait3A_15 = arith.constant 0 : i32
    %dma_wait3A_16 = tpu.memref_slice %arg2[%dma_wait3A_14, %dma_wait3A_15] : memref<2048x1024xf32, #tpu.memory_space<hbm>> -> memref<2048x1024xf32, #tpu.memory_space<hbm>>
    tpu.wait_indirect_dma semaphore(%arg7 : memref<!tpu.dma_semaphore, #tpu.memory_space<semaphore_mem>>) src(%dma_wait3A_16 : memref<2048x1024xf32, #tpu.memory_space<hbm>>) dst(%arg6 : memref<96x1024xf32, #tpu.memory_space<vmem>>)
    "tpu.region"() ({
      %run_scoped3A = tpu.sem_alloc : memref<!tpu.dma_semaphore, #tpu.memory_space<semaphore_mem>>
      %dma_start3A_17 = arith.constant 0 : i32
      %dma_start3A_18 = tpu.memref_slice %arg4[%add3A_10, %dma_start3A_17] : memref<6144x1024xf32, #tpu.memory_space<hbm>> -> memref<96x1024xf32, #tpu.memory_space<hbm>>
      %dma_start3A_19 = arith.constant 0 : i32
      %dma_start3A_20 = tpu.memref_slice %arg4[%add3A_10, %dma_start3A_19] : memref<6144x1024xf32, #tpu.memory_space<hbm>> -> memref<96x1024xf32, #tpu.memory_space<hbm>>
      tpu.enqueue_dma source(%arg6 : memref<96x1024xf32, #tpu.memory_space<vmem>>) target(%dma_start3A_20 : memref<96x1024xf32, #tpu.memory_space<hbm>>) target_semaphore(%run_scoped3A : memref<!tpu.dma_semaphore, #tpu.memory_space<semaphore_mem>>)
      %dma_wait3A_21 = arith.constant 0 : i32
      %dma_wait3A_22 = tpu.memref_slice %arg4[%add3A_10, %dma_wait3A_21] : memref<6144x1024xf32, #tpu.memory_space<hbm>> -> memref<96x1024xf32, #tpu.memory_space<hbm>>
      %dma_wait3A_23 = arith.constant 0 : i32
      %dma_wait3A_24 = tpu.memref_slice %arg4[%add3A_10, %dma_wait3A_23] : memref<6144x1024xf32, #tpu.memory_space<hbm>> -> memref<96x1024xf32, #tpu.memory_space<hbm>>
      tpu.wait_dma2 semaphore(%run_scoped3A : memref<!tpu.dma_semaphore, #tpu.memory_space<semaphore_mem>>) src(%arg6 : memref<96x1024xf32, #tpu.memory_space<vmem>>) dst(%dma_wait3A_24 : memref<96x1024xf32, #tpu.memory_space<hbm>>)
      tpu.yield
    }) : () -> ()
    return
  }
}

#map = affine_map<(d0, d1) -> (0, 0)>
#map1 = affine_map<(d0, d1) -> (0)>
module attributes {stable_mosaic.version = 14 : i64} {
  func.func @gather_kernel(%arg0: i32, %arg1: i32, %arg2: memref<64x1024xf32, #tpu.memory_space<hbm>>, %arg3: memref<2048xi32, #tpu.memory_space<hbm>>, %arg4: memref<2048x1024xf32, #tpu.memory_space<hbm>>, %arg5: memref<64xi32, #tpu.memory_space<vmem>>, %arg6: memref<64x1024xf32, #tpu.memory_space<vmem>>, %arg7: memref<!tpu.dma_semaphore, #tpu.memory_space<semaphore_mem>>) attributes {dimension_semantics = [#tpu.dimension_semantics<core_parallel>, #tpu.dimension_semantics<subcore_parallel>], iteration_bounds = array<i64: 2, 16>, scalar_prefetch = 0 : i64, scratch_operands = 3 : i64, tpu.core_type = #tpu.core_type<sc_vector_subcore>, window_params = [{transform_indices = #map}, {transform_indices = #map1}, {transform_indices = #map}]} {
    %mul3A = arith.constant 2 : i32
    %mul3A_0 = arith.muli %arg1, %mul3A : i32
    %add3A = arith.addi %mul3A_0, %arg0 : i32
    %mul3A_1 = arith.constant 64 : i32
    %mul3A_2 = arith.muli %add3A, %mul3A_1 : i32
    %add3A_3 = arith.constant 0 : i32
    %add3A_4 = arith.addi %mul3A_2, %add3A_3 : i32
    "tpu.region"() ({
      %run_scoped3A = tpu.sem_alloc : memref<!tpu.dma_semaphore, #tpu.memory_space<semaphore_mem>>
      %dma_start3A_9 = tpu.memref_slice %arg3[%add3A_4] : memref<2048xi32, #tpu.memory_space<hbm>> -> memref<64xi32, #tpu.memory_space<hbm>>
      %dma_start3A_10 = tpu.memref_slice %arg3[%add3A_4] : memref<2048xi32, #tpu.memory_space<hbm>> -> memref<64xi32, #tpu.memory_space<hbm>>
      tpu.enqueue_dma source(%dma_start3A_10 : memref<64xi32, #tpu.memory_space<hbm>>) target(%arg5 : memref<64xi32, #tpu.memory_space<vmem>>) target_semaphore(%run_scoped3A : memref<!tpu.dma_semaphore, #tpu.memory_space<semaphore_mem>>)
      %dma_wait3A_11 = tpu.memref_slice %arg3[%add3A_4] : memref<2048xi32, #tpu.memory_space<hbm>> -> memref<64xi32, #tpu.memory_space<hbm>>
      %dma_wait3A_12 = tpu.memref_slice %arg3[%add3A_4] : memref<2048xi32, #tpu.memory_space<hbm>> -> memref<64xi32, #tpu.memory_space<hbm>>
      tpu.wait_dma2 semaphore(%run_scoped3A : memref<!tpu.dma_semaphore, #tpu.memory_space<semaphore_mem>>) src(%dma_wait3A_12 : memref<64xi32, #tpu.memory_space<hbm>>) dst(%arg5 : memref<64xi32, #tpu.memory_space<vmem>>)
      tpu.yield
    }) : () -> ()
    %dma_start3A = arith.constant 0 : i32
    %dma_start3A_5 = arith.constant 0 : i32
    %dma_start3A_6 = tpu.memref_slice %arg2[%dma_start3A, %dma_start3A_5] : memref<64x1024xf32, #tpu.memory_space<hbm>> -> memref<64x1024xf32, #tpu.memory_space<hbm>>
    tpu.enqueue_indirect_dma source(%dma_start3A_6 : memref<64x1024xf32, #tpu.memory_space<hbm>>) target(%arg6 : memref<64x1024xf32, #tpu.memory_space<vmem>>) offsets(%arg5 : memref<64xi32, #tpu.memory_space<vmem>>) semaphore(%arg7 : memref<!tpu.dma_semaphore, #tpu.memory_space<semaphore_mem>>)
    %dma_wait3A = arith.constant 0 : i32
    %dma_wait3A_7 = arith.constant 0 : i32
    %dma_wait3A_8 = tpu.memref_slice %arg2[%dma_wait3A, %dma_wait3A_7] : memref<64x1024xf32, #tpu.memory_space<hbm>> -> memref<64x1024xf32, #tpu.memory_space<hbm>>
    tpu.wait_indirect_dma semaphore(%arg7 : memref<!tpu.dma_semaphore, #tpu.memory_space<semaphore_mem>>) src(%dma_wait3A_8 : memref<64x1024xf32, #tpu.memory_space<hbm>>) dst(%arg6 : memref<64x1024xf32, #tpu.memory_space<vmem>>)
    "tpu.region"() ({
      %run_scoped3A = tpu.sem_alloc : memref<!tpu.dma_semaphore, #tpu.memory_space<semaphore_mem>>
      %dma_start3A_9 = arith.constant 0 : i32
      %dma_start3A_10 = tpu.memref_slice %arg4[%add3A_4, %dma_start3A_9] : memref<2048x1024xf32, #tpu.memory_space<hbm>> -> memref<64x1024xf32, #tpu.memory_space<hbm>>
      %dma_start3A_11 = arith.constant 0 : i32
      %dma_start3A_12 = tpu.memref_slice %arg4[%add3A_4, %dma_start3A_11] : memref<2048x1024xf32, #tpu.memory_space<hbm>> -> memref<64x1024xf32, #tpu.memory_space<hbm>>
      tpu.enqueue_dma source(%arg6 : memref<64x1024xf32, #tpu.memory_space<vmem>>) target(%dma_start3A_12 : memref<64x1024xf32, #tpu.memory_space<hbm>>) target_semaphore(%run_scoped3A : memref<!tpu.dma_semaphore, #tpu.memory_space<semaphore_mem>>)
      %dma_wait3A_13 = arith.constant 0 : i32
      %dma_wait3A_14 = tpu.memref_slice %arg4[%add3A_4, %dma_wait3A_13] : memref<2048x1024xf32, #tpu.memory_space<hbm>> -> memref<64x1024xf32, #tpu.memory_space<hbm>>
      %dma_wait3A_15 = arith.constant 0 : i32
      %dma_wait3A_16 = tpu.memref_slice %arg4[%add3A_4, %dma_wait3A_15] : memref<2048x1024xf32, #tpu.memory_space<hbm>> -> memref<64x1024xf32, #tpu.memory_space<hbm>>
      tpu.wait_dma2 semaphore(%run_scoped3A : memref<!tpu.dma_semaphore, #tpu.memory_space<semaphore_mem>>) src(%arg6 : memref<64x1024xf32, #tpu.memory_space<vmem>>) dst(%dma_wait3A_16 : memref<64x1024xf32, #tpu.memory_space<hbm>>)
      tpu.yield
    }) : () -> ()
    return
  }
}

module attributes {stable_mosaic.version = 14 : i64} {
  func.func @_router_body(%arg0: memref<2048x1024xf32, #tpu.memory_space<vmem>>, %arg1: memref<1024x16xf32, #tpu.memory_space<vmem>>, %arg2: memref<1x16xf32, #tpu.memory_space<vmem>>, %arg3: memref<384x16xi32, #tpu.memory_space<vmem>>, %arg4: memref<384x16xf32, #tpu.memory_space<vmem>>, %arg5: memref<2048x2xi32, #tpu.memory_space<vmem>>, %arg6: memref<2048x2xf32, #tpu.memory_space<vmem>>, %arg7: memref<2048x16xf32, #tpu.memory_space<vmem>>, %arg8: memref<2048x16xf32, #tpu.memory_space<vmem>>, %arg9: memref<2048x16xf32, #tpu.memory_space<vmem>>) attributes {dimension_semantics = [], scalar_prefetch = 0 : i64, scratch_operands = 3 : i64, tpu.core_type = #tpu.core_type<tc>} {
    %get3A = arith.constant 0 : index
    %get3A_0 = arith.constant 0 : index
    %get3A_1 = vector.load %arg0[%get3A, %get3A_0] : memref<2048x1024xf32, #tpu.memory_space<vmem>>, vector<2048x1024xf32>
    %get3A_2 = arith.constant 0 : index
    %get3A_3 = arith.constant 0 : index
    %get3A_4 = vector.load %arg1[%get3A_2, %get3A_3] : memref<1024x16xf32, #tpu.memory_space<vmem>>, vector<1024x16xf32>
    %dot_general3A = arith.constant dense<0.000000e+00> : vector<2048x16xf32>
    %dot_general3A_5 = tpu.matmul %get3A_1, %get3A_4, %dot_general3A {dimension_numbers = #tpu.dot_dimension_numbers<[1], [0], [0], [1], [0, 0, 1, 1], [], []>, transpose_lhs_hint = false} : vector<2048x1024xf32>, vector<1024x16xf32>, vector<2048x16xf32> -> vector<2048x16xf32>
    %get3A_6 = arith.constant 0 : index
    %get3A_7 = arith.constant 0 : index
    %get3A_8 = vector.load %arg2[%get3A_6, %get3A_7] : memref<1x16xf32, #tpu.memory_space<vmem>>, vector<1x16xf32>
    %add3A = vector.broadcast %get3A_8 : vector<1x16xf32> to vector<2048x16xf32>
    %add3A_9 = arith.addf %dot_general3A_5, %add3A : vector<2048x16xf32>
    %mul3A = arith.constant 5.000000e-01 : f32
    %mul3A_10 = vector.broadcast %mul3A : f32 to vector<2048x16xf32>
    %mul3A_11 = arith.mulf %add3A_9, %mul3A_10 : vector<2048x16xf32>
    %reduce_max3A = arith.constant dense<0xFF800000> : vector<2048xf32>
    %reduce_max3A_12 = vector.multi_reduction <maximumf>, %mul3A_11, %reduce_max3A [1] : vector<2048x16xf32> to vector<2048xf32>
    %broadcast_in_dim3A = vector.shape_cast %reduce_max3A_12 : vector<2048xf32> to vector<2048x1xf32>
    %sub3A = vector.broadcast %broadcast_in_dim3A : vector<2048x1xf32> to vector<2048x16xf32>
    %sub3A_13 = arith.subf %mul3A_11, %sub3A : vector<2048x16xf32>
    %exp3A = math.exp %sub3A_13 : vector<2048x16xf32>
    %reduce_sum3A = arith.constant dense<0.000000e+00> : vector<2048xf32>
    %reduce_sum3A_14 = vector.multi_reduction <add>, %exp3A, %reduce_sum3A [1] : vector<2048x16xf32> to vector<2048xf32>
    %broadcast_in_dim3A_15 = vector.shape_cast %reduce_sum3A_14 : vector<2048xf32> to vector<2048x1xf32>
    %div3A = vector.broadcast %broadcast_in_dim3A_15 : vector<2048x1xf32> to vector<2048x16xf32>
    %div3A_16 = arith.divf %exp3A, %div3A : vector<2048x16xf32>
    %iota3A = tpu.iota {dimensions = array<i32: 1>} : vector<1x16xi32>
    %convert_element_type3A = arith.sitofp %iota3A : vector<1x16xi32> to vector<1x16xf32>
    %reduce_max3A_17 = arith.constant dense<0xFF800000> : vector<2048xf32>
    %reduce_max3A_18 = vector.multi_reduction <maximumf>, %div3A_16, %reduce_max3A_17 [1] : vector<2048x16xf32> to vector<2048xf32>
    %broadcast_in_dim3A_19 = vector.shape_cast %reduce_max3A_18 : vector<2048xf32> to vector<2048x1xf32>
    %eq3A = vector.broadcast %broadcast_in_dim3A_19 : vector<2048x1xf32> to vector<2048x16xf32>
    %eq3A_20 = arith.cmpf oeq, %div3A_16, %eq3A : vector<2048x16xf32>
    %jit3A = arith.constant 1.000000e+09 : f32
    %broadcast_in_dim3A_21 = vector.shape_cast %convert_element_type3A : vector<1x16xf32> to vector<1x16xf32>
    %broadcast_in_dim3A_22 = vector.broadcast %broadcast_in_dim3A_21 : vector<1x16xf32> to vector<2048x16xf32>
    %broadcast_in_dim3A_23 = vector.broadcast %jit3A : f32 to vector<2048x16xf32>
    %select_n3A = arith.select %eq3A_20, %broadcast_in_dim3A_22, %broadcast_in_dim3A_23 : vector<2048x16xi1>, vector<2048x16xf32>
    %reduce_min3A = arith.constant dense<0x7F800000> : vector<2048xf32>
    %reduce_min3A_24 = vector.multi_reduction <minimumf>, %select_n3A, %reduce_min3A [1] : vector<2048x16xf32> to vector<2048xf32>
    %broadcast_in_dim3A_25 = vector.shape_cast %reduce_min3A_24 : vector<2048xf32> to vector<2048x1xf32>
    %eq3A_26 = vector.broadcast %convert_element_type3A : vector<1x16xf32> to vector<2048x16xf32>
    %eq3A_27 = vector.broadcast %broadcast_in_dim3A_25 : vector<2048x1xf32> to vector<2048x16xf32>
    %eq3A_28 = arith.cmpf oeq, %eq3A_26, %eq3A_27 : vector<2048x16xf32>
    %convert_element_type3A_29 = arith.extui %eq3A_28 : vector<2048x16xi1> to vector<2048x16xi32>
    %convert_element_type3A_30 = arith.sitofp %convert_element_type3A_29 : vector<2048x16xi32> to vector<2048x16xf32>
    %gt3A = arith.constant 0.000000e+00 : f32
    %gt3A_31 = vector.broadcast %gt3A : f32 to vector<2048x16xf32>
    %gt3A_32 = arith.cmpf ogt, %convert_element_type3A_30, %gt3A_31 : vector<2048x16xf32>
    %jit3A_33 = arith.constant -1.000000e+00 : f32
    %broadcast_in_dim3A_34 = vector.broadcast %jit3A_33 : f32 to vector<2048x16xf32>
    %select_n3A_35 = arith.select %gt3A_32, %broadcast_in_dim3A_34, %div3A_16 : vector<2048x16xi1>, vector<2048x16xf32>
    %reduce_max3A_36 = arith.constant dense<0xFF800000> : vector<2048xf32>
    %reduce_max3A_37 = vector.multi_reduction <maximumf>, %select_n3A_35, %reduce_max3A_36 [1] : vector<2048x16xf32> to vector<2048xf32>
    %broadcast_in_dim3A_38 = vector.shape_cast %reduce_max3A_37 : vector<2048xf32> to vector<2048x1xf32>
    %eq3A_39 = vector.broadcast %broadcast_in_dim3A_38 : vector<2048x1xf32> to vector<2048x16xf32>
    %eq3A_40 = arith.cmpf oeq, %select_n3A_35, %eq3A_39 : vector<2048x16xf32>
    %jit3A_41 = arith.constant 1.000000e+09 : f32
    %broadcast_in_dim3A_42 = vector.shape_cast %convert_element_type3A : vector<1x16xf32> to vector<1x16xf32>
    %broadcast_in_dim3A_43 = vector.broadcast %broadcast_in_dim3A_42 : vector<1x16xf32> to vector<2048x16xf32>
    %broadcast_in_dim3A_44 = vector.broadcast %jit3A_41 : f32 to vector<2048x16xf32>
    %select_n3A_45 = arith.select %eq3A_40, %broadcast_in_dim3A_43, %broadcast_in_dim3A_44 : vector<2048x16xi1>, vector<2048x16xf32>
    %reduce_min3A_46 = arith.constant dense<0x7F800000> : vector<2048xf32>
    %reduce_min3A_47 = vector.multi_reduction <minimumf>, %select_n3A_45, %reduce_min3A_46 [1] : vector<2048x16xf32> to vector<2048xf32>
    %broadcast_in_dim3A_48 = vector.shape_cast %reduce_min3A_47 : vector<2048xf32> to vector<2048x1xf32>
    %eq3A_49 = vector.broadcast %convert_element_type3A : vector<1x16xf32> to vector<2048x16xf32>
    %eq3A_50 = vector.broadcast %broadcast_in_dim3A_48 : vector<2048x1xf32> to vector<2048x16xf32>
    %eq3A_51 = arith.cmpf oeq, %eq3A_49, %eq3A_50 : vector<2048x16xf32>
    %convert_element_type3A_52 = arith.extui %eq3A_51 : vector<2048x16xi1> to vector<2048x16xi32>
    %convert_element_type3A_53 = arith.sitofp %convert_element_type3A_52 : vector<2048x16xi32> to vector<2048x16xf32>
    %add3A_54 = arith.addf %broadcast_in_dim3A_19, %broadcast_in_dim3A_38 : vector<2048x1xf32>
    %div3A_55 = arith.divf %broadcast_in_dim3A_19, %add3A_54 : vector<2048x1xf32>
    %div3A_56 = arith.divf %broadcast_in_dim3A_38, %add3A_54 : vector<2048x1xf32>
    %add3A_57 = arith.addf %convert_element_type3A_30, %convert_element_type3A_53 : vector<2048x16xf32>
    %swap3A = arith.constant 0 : index
    %swap3A_58 = arith.constant 0 : index
    %swap3A_59 = vector.load %arg7[%swap3A, %swap3A_58] : memref<2048x16xf32, #tpu.memory_space<vmem>>, vector<2048x16xf32>
    tpu.vector_store %arg7[%swap3A, %swap3A_58], %add3A_57 {strides = array<i32>} : memref<2048x16xf32, #tpu.memory_space<vmem>>, vector<2048x16xf32>,
    %mul3A_60 = vector.broadcast %div3A_55 : vector<2048x1xf32> to vector<2048x16xf32>
    %mul3A_61 = arith.mulf %mul3A_60, %convert_element_type3A_30 : vector<2048x16xf32>
    %mul3A_62 = vector.broadcast %div3A_56 : vector<2048x1xf32> to vector<2048x16xf32>
    %mul3A_63 = arith.mulf %mul3A_62, %convert_element_type3A_53 : vector<2048x16xf32>
    %add3A_64 = arith.addf %mul3A_61, %mul3A_63 : vector<2048x16xf32>
    %swap3A_65 = arith.constant 0 : index
    %swap3A_66 = arith.constant 0 : index
    %swap3A_67 = vector.load %arg8[%swap3A_65, %swap3A_66] : memref<2048x16xf32, #tpu.memory_space<vmem>>, vector<2048x16xf32>
    tpu.vector_store %arg8[%swap3A_65, %swap3A_66], %add3A_64 {strides = array<i32>} : memref<2048x16xf32, #tpu.memory_space<vmem>>, vector<2048x16xf32>,
    %iota3A_68 = tpu.iota {dimensions = array<i32: 0>} : vector<256x256xi32>
    %iota3A_69 = tpu.iota {dimensions = array<i32: 1>} : vector<256x256xi32>
    %gt3A_70 = arith.cmpi sgt, %iota3A_68, %iota3A_69 : vector<256x256xi32>
    %convert_element_type3A_71 = arith.extui %gt3A_70 : vector<256x256xi1> to vector<256x256xi32>
    %convert_element_type3A_72 = arith.sitofp %convert_element_type3A_71 : vector<256x256xi32> to vector<256x256xf32>
    %broadcast_in_dim3A_73 = arith.constant 0.000000e+00 : f32
    %broadcast_in_dim3A_74 = vector.broadcast %broadcast_in_dim3A_73 : f32 to vector<1x16xf32>
    %scan3A = arith.constant 0 : i32
    %scan3A_75 = arith.constant 8 : i32
    %scan3A_76 = arith.addi %scan3A, %scan3A_75 : i32
    %scan3A_77 = arith.constant 1 : i32
    %scan3A_78 = scf.for %scan3A_739 = %scan3A to %scan3A_76 step %scan3A_77 iter_args(%scan3A_740 = %broadcast_in_dim3A_74) -> (vector<1x16xf32>)  : i32 {
      %mul3A_741 = arith.constant 256 : i32
      %mul3A_742 = arith.muli %scan3A_739, %mul3A_741 : i32
      %multiple_of3A = tpu.assume_multiple %mul3A_742, 256 : i32
      %get3A_743 = arith.index_cast %multiple_of3A : i32 to index
      %get3A_744 = arith.constant 0 : index
      %get3A_745 = vector.load %arg7[%get3A_743, %get3A_744] : memref<2048x16xf32, #tpu.memory_space<vmem>>, vector<256x16xf32>
      %dot_general3A_746 = arith.constant dense<0.000000e+00> : vector<256x16xf32>
      %dot_general3A_747 = tpu.matmul %convert_element_type3A_72, %get3A_745, %dot_general3A_746 {dimension_numbers = #tpu.dot_dimension_numbers<[1], [0], [0], [1], [0, 0, 1, 1], [], []>, transpose_lhs_hint = false} : vector<256x256xf32>, vector<256x16xf32>, vector<256x16xf32> -> vector<256x16xf32>
      %add3A_748 = vector.broadcast %scan3A_740 : vector<1x16xf32> to vector<256x16xf32>
      %add3A_749 = arith.addf %dot_general3A_747, %add3A_748 : vector<256x16xf32>
      %swap3A_750 = arith.index_cast %multiple_of3A : i32 to index
      %swap3A_751 = arith.constant 0 : index
      %swap3A_752 = vector.load %arg9[%swap3A_750, %swap3A_751] : memref<2048x16xf32, #tpu.memory_space<vmem>>, vector<256x16xf32>
      tpu.vector_store %arg9[%swap3A_750, %swap3A_751], %add3A_749 {strides = array<i32>} : memref<2048x16xf32, #tpu.memory_space<vmem>>, vector<256x16xf32>,
      %reduce_sum3A_753 = arith.constant dense<0.000000e+00> : vector<16xf32>
      %reduce_sum3A_754 = vector.multi_reduction <add>, %get3A_745, %reduce_sum3A_753 [0] : vector<256x16xf32> to vector<16xf32>
      %broadcast_in_dim3A_755 = vector.shape_cast %reduce_sum3A_754 : vector<16xf32> to vector<1x16xf32>
      %add3A_756 = arith.addf %scan3A_740, %broadcast_in_dim3A_755 : vector<1x16xf32>
      scf.yield %add3A_756 : vector<1x16xf32>
    }
    %scan3A_79 = arith.constant 8 : i32
    %iota3A_80 = tpu.iota {dimensions = array<i32: 0>} : vector<2048x1xi32>
    %convert_element_type3A_81 = arith.sitofp %iota3A_80 : vector<2048x1xi32> to vector<2048x1xf32>
    %mul3A_82 = arith.constant 1.250000e-01 : f32
    %mul3A_83 = vector.broadcast %mul3A_82 : f32 to vector<2048x1xf32>
    %mul3A_84 = arith.mulf %convert_element_type3A_81, %mul3A_83 : vector<2048x1xf32>
    %floor3A = math.floor %mul3A_84 : vector<2048x1xf32>
    %mul3A_85 = arith.constant 8.000000e+00 : f32
    %mul3A_86 = vector.broadcast %mul3A_85 : f32 to vector<2048x1xf32>
    %mul3A_87 = arith.mulf %mul3A_86, %floor3A : vector<2048x1xf32>
    %sub3A_88 = arith.subf %convert_element_type3A_81, %mul3A_87 : vector<2048x1xf32>
    %iota3A_89 = tpu.iota {dimensions = array<i32: 1>} : vector<1x384xi32>
    %convert_element_type3A_90 = arith.sitofp %iota3A_89 : vector<1x384xi32> to vector<1x384xf32>
    %get3A_91 = arith.constant 0 : index
    %get3A_92 = arith.constant 0 : index
    %get3A_93 = vector.load %arg9[%get3A_91, %get3A_92] : memref<2048x16xf32, #tpu.memory_space<vmem>>, vector<2048x1xf32>
    %get3A_94 = arith.constant 0 : index
    %get3A_95 = arith.constant 0 : index
    %get3A_96 = vector.load %arg7[%get3A_94, %get3A_95] : memref<2048x16xf32, #tpu.memory_space<vmem>>, vector<2048x1xf32>
    %get3A_97 = arith.constant 0 : index
    %get3A_98 = arith.constant 0 : index
    %get3A_99 = vector.load %arg8[%get3A_97, %get3A_98] : memref<2048x16xf32, #tpu.memory_space<vmem>>, vector<2048x1xf32>
    %gt3A_100 = arith.constant 0.000000e+00 : f32
    %gt3A_101 = vector.broadcast %gt3A_100 : f32 to vector<2048x1xf32>
    %gt3A_102 = arith.cmpf ogt, %get3A_96, %gt3A_101 : vector<2048x1xf32>
    %jit3A_103 = arith.constant 3.840000e+02 : f32
    %broadcast_in_dim3A_104 = vector.broadcast %jit3A_103 : f32 to vector<2048x1xf32>
    %select_n3A_105 = arith.select %gt3A_102, %get3A_93, %broadcast_in_dim3A_104 : vector<2048x1xi1>, vector<2048x1xf32>
    %eq3A_106 = vector.broadcast %select_n3A_105 : vector<2048x1xf32> to vector<2048x384xf32>
    %eq3A_107 = vector.broadcast %convert_element_type3A_90 : vector<1x384xf32> to vector<2048x384xf32>
    %eq3A_108 = arith.cmpf oeq, %eq3A_106, %eq3A_107 : vector<2048x384xf32>
    %convert_element_type3A_109 = arith.extui %eq3A_108 : vector<2048x384xi1> to vector<2048x384xi32>
    %convert_element_type3A_110 = arith.sitofp %convert_element_type3A_109 : vector<2048x384xi32> to vector<2048x384xf32>
    %concatenate3A = tpu.concatenate %floor3A, %sub3A_88, %get3A_99 in 1 : vector<2048x1xf32>, vector<2048x1xf32>, vector<2048x1xf32> -> vector<2048x3xf32>
    %dot_general3A_111 = arith.constant dense<0.000000e+00> : vector<384x3xf32>
    %dot_general3A_112 = tpu.matmul %convert_element_type3A_110, %concatenate3A, %dot_general3A_111 {dimension_numbers = #tpu.dot_dimension_numbers<[0], [0], [1], [1], [0, 1, 1, 1], [], []>, transpose_lhs_hint = false} : vector<2048x384xf32>, vector<2048x3xf32>, vector<384x3xf32> -> vector<384x3xf32>
    %slice3A = vector.extract_strided_slice %dot_general3A_112 {offsets = [0, 0], sizes = [384, 1], strides = [1, 1]} : vector<384x3xf32> to vector<384x1xf32>
    %mul3A_113 = arith.constant 8.000000e+00 : f32
    %mul3A_114 = vector.broadcast %mul3A_113 : f32 to vector<384x1xf32>
    %mul3A_115 = arith.mulf %mul3A_114, %slice3A : vector<384x1xf32>
    %slice3A_116 = vector.extract_strided_slice %dot_general3A_112 {offsets = [0, 1], sizes = [384, 1], strides = [1, 1]} : vector<384x3xf32> to vector<384x1xf32>
    %add3A_117 = arith.addf %mul3A_115, %slice3A_116 : vector<384x1xf32>
    %convert_element_type3A_118 = arith.fptosi %add3A_117 : vector<384x1xf32> to vector<384x1xi32>
    %swap3A_119 = arith.constant 0 : index
    %swap3A_120 = arith.constant 0 : index
    %swap3A_121 = vector.load %arg3[%swap3A_119, %swap3A_120] : memref<384x16xi32, #tpu.memory_space<vmem>>, vector<384x1xi32>
    tpu.vector_store %arg3[%swap3A_119, %swap3A_120], %convert_element_type3A_118 {strides = array<i32>} : memref<384x16xi32, #tpu.memory_space<vmem>>, vector<384x1xi32>,
    %slice3A_122 = vector.extract_strided_slice %dot_general3A_112 {offsets = [0, 2], sizes = [384, 1], strides = [1, 1]} : vector<384x3xf32> to vector<384x1xf32>
    %swap3A_123 = arith.constant 0 : index
    %swap3A_124 = arith.constant 0 : index
    %swap3A_125 = vector.load %arg4[%swap3A_123, %swap3A_124] : memref<384x16xf32, #tpu.memory_space<vmem>>, vector<384x1xf32>
    tpu.vector_store %arg4[%swap3A_123, %swap3A_124], %slice3A_122 {strides = array<i32>} : memref<384x16xf32, #tpu.memory_space<vmem>>, vector<384x1xf32>,
    %get3A_126 = arith.constant 0 : index
    %get3A_127 = arith.constant 1 : index
    %get3A_128 = vector.load %arg9[%get3A_126, %get3A_127] : memref<2048x16xf32, #tpu.memory_space<vmem>>, vector<2048x1xf32>
    %get3A_129 = arith.constant 0 : index
    %get3A_130 = arith.constant 1 : index
    %get3A_131 = vector.load %arg7[%get3A_129, %get3A_130] : memref<2048x16xf32, #tpu.memory_space<vmem>>, vector<2048x1xf32>
    %get3A_132 = arith.constant 0 : index
    %get3A_133 = arith.constant 1 : index
    %get3A_134 = vector.load %arg8[%get3A_132, %get3A_133] : memref<2048x16xf32, #tpu.memory_space<vmem>>, vector<2048x1xf32>
    %gt3A_135 = arith.constant 0.000000e+00 : f32
    %gt3A_136 = vector.broadcast %gt3A_135 : f32 to vector<2048x1xf32>
    %gt3A_137 = arith.cmpf ogt, %get3A_131, %gt3A_136 : vector<2048x1xf32>
    %jit3A_138 = arith.constant 3.840000e+02 : f32
    %broadcast_in_dim3A_139 = vector.broadcast %jit3A_138 : f32 to vector<2048x1xf32>
    %select_n3A_140 = arith.select %gt3A_137, %get3A_128, %broadcast_in_dim3A_139 : vector<2048x1xi1>, vector<2048x1xf32>
    %eq3A_141 = vector.broadcast %select_n3A_140 : vector<2048x1xf32> to vector<2048x384xf32>
    %eq3A_142 = vector.broadcast %convert_element_type3A_90 : vector<1x384xf32> to vector<2048x384xf32>
    %eq3A_143 = arith.cmpf oeq, %eq3A_141, %eq3A_142 : vector<2048x384xf32>
    %convert_element_type3A_144 = arith.extui %eq3A_143 : vector<2048x384xi1> to vector<2048x384xi32>
    %convert_element_type3A_145 = arith.sitofp %convert_element_type3A_144 : vector<2048x384xi32> to vector<2048x384xf32>
    %concatenate3A_146 = tpu.concatenate %floor3A, %sub3A_88, %get3A_134 in 1 : vector<2048x1xf32>, vector<2048x1xf32>, vector<2048x1xf32> -> vector<2048x3xf32>
    %dot_general3A_147 = arith.constant dense<0.000000e+00> : vector<384x3xf32>
    %dot_general3A_148 = tpu.matmul %convert_element_type3A_145, %concatenate3A_146, %dot_general3A_147 {dimension_numbers = #tpu.dot_dimension_numbers<[0], [0], [1], [1], [0, 1, 1, 1], [], []>, transpose_lhs_hint = false} : vector<2048x384xf32>, vector<2048x3xf32>, vector<384x3xf32> -> vector<384x3xf32>
    %slice3A_149 = vector.extract_strided_slice %dot_general3A_148 {offsets = [0, 0], sizes = [384, 1], strides = [1, 1]} : vector<384x3xf32> to vector<384x1xf32>
    %mul3A_150 = arith.constant 8.000000e+00 : f32
    %mul3A_151 = vector.broadcast %mul3A_150 : f32 to vector<384x1xf32>
    %mul3A_152 = arith.mulf %mul3A_151, %slice3A_149 : vector<384x1xf32>
    %slice3A_153 = vector.extract_strided_slice %dot_general3A_148 {offsets = [0, 1], sizes = [384, 1], strides = [1, 1]} : vector<384x3xf32> to vector<384x1xf32>
    %add3A_154 = arith.addf %mul3A_152, %slice3A_153 : vector<384x1xf32>
    %convert_element_type3A_155 = arith.fptosi %add3A_154 : vector<384x1xf32> to vector<384x1xi32>
    %swap3A_156 = arith.constant 0 : index
    %swap3A_157 = arith.constant 1 : index
    %swap3A_158 = vector.load %arg3[%swap3A_156, %swap3A_157] : memref<384x16xi32, #tpu.memory_space<vmem>>, vector<384x1xi32>
    tpu.vector_store %arg3[%swap3A_156, %swap3A_157], %convert_element_type3A_155 {strides = array<i32>} : memref<384x16xi32, #tpu.memory_space<vmem>>, vector<384x1xi32>,
    %slice3A_159 = vector.extract_strided_slice %dot_general3A_148 {offsets = [0, 2], sizes = [384, 1], strides = [1, 1]} : vector<384x3xf32> to vector<384x1xf32>
    %swap3A_160 = arith.constant 0 : index
    %swap3A_161 = arith.constant 1 : index
    %swap3A_162 = vector.load %arg4[%swap3A_160, %swap3A_161] : memref<384x16xf32, #tpu.memory_space<vmem>>, vector<384x1xf32>
    tpu.vector_store %arg4[%swap3A_160, %swap3A_161], %slice3A_159 {strides = array<i32>} : memref<384x16xf32, #tpu.memory_space<vmem>>, vector<384x1xf32>,
    %get3A_163 = arith.constant 0 : index
    %get3A_164 = arith.constant 2 : index
    %get3A_165 = vector.load %arg9[%get3A_163, %get3A_164] : memref<2048x16xf32, #tpu.memory_space<vmem>>, vector<2048x1xf32>
    %get3A_166 = arith.constant 0 : index
    %get3A_167 = arith.constant 2 : index
    %get3A_168 = vector.load %arg7[%get3A_166, %get3A_167] : memref<2048x16xf32, #tpu.memory_space<vmem>>, vector<2048x1xf32>
    %get3A_169 = arith.constant 0 : index
    %get3A_170 = arith.constant 2 : index
    %get3A_171 = vector.load %arg8[%get3A_169, %get3A_170] : memref<2048x16xf32, #tpu.memory_space<vmem>>, vector<2048x1xf32>
    %gt3A_172 = arith.constant 0.000000e+00 : f32
    %gt3A_173 = vector.broadcast %gt3A_172 : f32 to vector<2048x1xf32>
    %gt3A_174 = arith.cmpf ogt, %get3A_168, %gt3A_173 : vector<2048x1xf32>
    %jit3A_175 = arith.constant 3.840000e+02 : f32
    %broadcast_in_dim3A_176 = vector.broadcast %jit3A_175 : f32 to vector<2048x1xf32>
    %select_n3A_177 = arith.select %gt3A_174, %get3A_165, %broadcast_in_dim3A_176 : vector<2048x1xi1>, vector<2048x1xf32>
    %eq3A_178 = vector.broadcast %select_n3A_177 : vector<2048x1xf32> to vector<2048x384xf32>
    %eq3A_179 = vector.broadcast %convert_element_type3A_90 : vector<1x384xf32> to vector<2048x384xf32>
    %eq3A_180 = arith.cmpf oeq, %eq3A_178, %eq3A_179 : vector<2048x384xf32>
    %convert_element_type3A_181 = arith.extui %eq3A_180 : vector<2048x384xi1> to vector<2048x384xi32>
    %convert_element_type3A_182 = arith.sitofp %convert_element_type3A_181 : vector<2048x384xi32> to vector<2048x384xf32>
    %concatenate3A_183 = tpu.concatenate %floor3A, %sub3A_88, %get3A_171 in 1 : vector<2048x1xf32>, vector<2048x1xf32>, vector<2048x1xf32> -> vector<2048x3xf32>
    %dot_general3A_184 = arith.constant dense<0.000000e+00> : vector<384x3xf32>
    %dot_general3A_185 = tpu.matmul %convert_element_type3A_182, %concatenate3A_183, %dot_general3A_184 {dimension_numbers = #tpu.dot_dimension_numbers<[0], [0], [1], [1], [0, 1, 1, 1], [], []>, transpose_lhs_hint = false} : vector<2048x384xf32>, vector<2048x3xf32>, vector<384x3xf32> -> vector<384x3xf32>
    %slice3A_186 = vector.extract_strided_slice %dot_general3A_185 {offsets = [0, 0], sizes = [384, 1], strides = [1, 1]} : vector<384x3xf32> to vector<384x1xf32>
    %mul3A_187 = arith.constant 8.000000e+00 : f32
    %mul3A_188 = vector.broadcast %mul3A_187 : f32 to vector<384x1xf32>
    %mul3A_189 = arith.mulf %mul3A_188, %slice3A_186 : vector<384x1xf32>
    %slice3A_190 = vector.extract_strided_slice %dot_general3A_185 {offsets = [0, 1], sizes = [384, 1], strides = [1, 1]} : vector<384x3xf32> to vector<384x1xf32>
    %add3A_191 = arith.addf %mul3A_189, %slice3A_190 : vector<384x1xf32>
    %convert_element_type3A_192 = arith.fptosi %add3A_191 : vector<384x1xf32> to vector<384x1xi32>
    %swap3A_193 = arith.constant 0 : index
    %swap3A_194 = arith.constant 2 : index
    %swap3A_195 = vector.load %arg3[%swap3A_193, %swap3A_194] : memref<384x16xi32, #tpu.memory_space<vmem>>, vector<384x1xi32>
    tpu.vector_store %arg3[%swap3A_193, %swap3A_194], %convert_element_type3A_192 {strides = array<i32>} : memref<384x16xi32, #tpu.memory_space<vmem>>, vector<384x1xi32>,
    %slice3A_196 = vector.extract_strided_slice %dot_general3A_185 {offsets = [0, 2], sizes = [384, 1], strides = [1, 1]} : vector<384x3xf32> to vector<384x1xf32>
    %swap3A_197 = arith.constant 0 : index
    %swap3A_198 = arith.constant 2 : index
    %swap3A_199 = vector.load %arg4[%swap3A_197, %swap3A_198] : memref<384x16xf32, #tpu.memory_space<vmem>>, vector<384x1xf32>
    tpu.vector_store %arg4[%swap3A_197, %swap3A_198], %slice3A_196 {strides = array<i32>} : memref<384x16xf32, #tpu.memory_space<vmem>>, vector<384x1xf32>,
    %get3A_200 = arith.constant 0 : index
    %get3A_201 = arith.constant 3 : index
    %get3A_202 = vector.load %arg9[%get3A_200, %get3A_201] : memref<2048x16xf32, #tpu.memory_space<vmem>>, vector<2048x1xf32>
    %get3A_203 = arith.constant 0 : index
    %get3A_204 = arith.constant 3 : index
    %get3A_205 = vector.load %arg7[%get3A_203, %get3A_204] : memref<2048x16xf32, #tpu.memory_space<vmem>>, vector<2048x1xf32>
    %get3A_206 = arith.constant 0 : index
    %get3A_207 = arith.constant 3 : index
    %get3A_208 = vector.load %arg8[%get3A_206, %get3A_207] : memref<2048x16xf32, #tpu.memory_space<vmem>>, vector<2048x1xf32>
    %gt3A_209 = arith.constant 0.000000e+00 : f32
    %gt3A_210 = vector.broadcast %gt3A_209 : f32 to vector<2048x1xf32>
    %gt3A_211 = arith.cmpf ogt, %get3A_205, %gt3A_210 : vector<2048x1xf32>
    %jit3A_212 = arith.constant 3.840000e+02 : f32
    %broadcast_in_dim3A_213 = vector.broadcast %jit3A_212 : f32 to vector<2048x1xf32>
    %select_n3A_214 = arith.select %gt3A_211, %get3A_202, %broadcast_in_dim3A_213 : vector<2048x1xi1>, vector<2048x1xf32>
    %eq3A_215 = vector.broadcast %select_n3A_214 : vector<2048x1xf32> to vector<2048x384xf32>
    %eq3A_216 = vector.broadcast %convert_element_type3A_90 : vector<1x384xf32> to vector<2048x384xf32>
    %eq3A_217 = arith.cmpf oeq, %eq3A_215, %eq3A_216 : vector<2048x384xf32>
    %convert_element_type3A_218 = arith.extui %eq3A_217 : vector<2048x384xi1> to vector<2048x384xi32>
    %convert_element_type3A_219 = arith.sitofp %convert_element_type3A_218 : vector<2048x384xi32> to vector<2048x384xf32>
    %concatenate3A_220 = tpu.concatenate %floor3A, %sub3A_88, %get3A_208 in 1 : vector<2048x1xf32>, vector<2048x1xf32>, vector<2048x1xf32> -> vector<2048x3xf32>
    %dot_general3A_221 = arith.constant dense<0.000000e+00> : vector<384x3xf32>
    %dot_general3A_222 = tpu.matmul %convert_element_type3A_219, %concatenate3A_220, %dot_general3A_221 {dimension_numbers = #tpu.dot_dimension_numbers<[0], [0], [1], [1], [0, 1, 1, 1], [], []>, transpose_lhs_hint = false} : vector<2048x384xf32>, vector<2048x3xf32>, vector<384x3xf32> -> vector<384x3xf32>
    %slice3A_223 = vector.extract_strided_slice %dot_general3A_222 {offsets = [0, 0], sizes = [384, 1], strides = [1, 1]} : vector<384x3xf32> to vector<384x1xf32>
    %mul3A_224 = arith.constant 8.000000e+00 : f32
    %mul3A_225 = vector.broadcast %mul3A_224 : f32 to vector<384x1xf32>
    %mul3A_226 = arith.mulf %mul3A_225, %slice3A_223 : vector<384x1xf32>
    %slice3A_227 = vector.extract_strided_slice %dot_general3A_222 {offsets = [0, 1], sizes = [384, 1], strides = [1, 1]} : vector<384x3xf32> to vector<384x1xf32>
    %add3A_228 = arith.addf %mul3A_226, %slice3A_227 : vector<384x1xf32>
    %convert_element_type3A_229 = arith.fptosi %add3A_228 : vector<384x1xf32> to vector<384x1xi32>
    %swap3A_230 = arith.constant 0 : index
    %swap3A_231 = arith.constant 3 : index
    %swap3A_232 = vector.load %arg3[%swap3A_230, %swap3A_231] : memref<384x16xi32, #tpu.memory_space<vmem>>, vector<384x1xi32>
    tpu.vector_store %arg3[%swap3A_230, %swap3A_231], %convert_element_type3A_229 {strides = array<i32>} : memref<384x16xi32, #tpu.memory_space<vmem>>, vector<384x1xi32>,
    %slice3A_233 = vector.extract_strided_slice %dot_general3A_222 {offsets = [0, 2], sizes = [384, 1], strides = [1, 1]} : vector<384x3xf32> to vector<384x1xf32>
    %swap3A_234 = arith.constant 0 : index
    %swap3A_235 = arith.constant 3 : index
    %swap3A_236 = vector.load %arg4[%swap3A_234, %swap3A_235] : memref<384x16xf32, #tpu.memory_space<vmem>>, vector<384x1xf32>
    tpu.vector_store %arg4[%swap3A_234, %swap3A_235], %slice3A_233 {strides = array<i32>} : memref<384x16xf32, #tpu.memory_space<vmem>>, vector<384x1xf32>,
    %get3A_237 = arith.constant 0 : index
    %get3A_238 = arith.constant 4 : index
    %get3A_239 = vector.load %arg9[%get3A_237, %get3A_238] : memref<2048x16xf32, #tpu.memory_space<vmem>>, vector<2048x1xf32>
    %get3A_240 = arith.constant 0 : index
    %get3A_241 = arith.constant 4 : index
    %get3A_242 = vector.load %arg7[%get3A_240, %get3A_241] : memref<2048x16xf32, #tpu.memory_space<vmem>>, vector<2048x1xf32>
    %get3A_243 = arith.constant 0 : index
    %get3A_244 = arith.constant 4 : index
    %get3A_245 = vector.load %arg8[%get3A_243, %get3A_244] : memref<2048x16xf32, #tpu.memory_space<vmem>>, vector<2048x1xf32>
    %gt3A_246 = arith.constant 0.000000e+00 : f32
    %gt3A_247 = vector.broadcast %gt3A_246 : f32 to vector<2048x1xf32>
    %gt3A_248 = arith.cmpf ogt, %get3A_242, %gt3A_247 : vector<2048x1xf32>
    %jit3A_249 = arith.constant 3.840000e+02 : f32
    %broadcast_in_dim3A_250 = vector.broadcast %jit3A_249 : f32 to vector<2048x1xf32>
    %select_n3A_251 = arith.select %gt3A_248, %get3A_239, %broadcast_in_dim3A_250 : vector<2048x1xi1>, vector<2048x1xf32>
    %eq3A_252 = vector.broadcast %select_n3A_251 : vector<2048x1xf32> to vector<2048x384xf32>
    %eq3A_253 = vector.broadcast %convert_element_type3A_90 : vector<1x384xf32> to vector<2048x384xf32>
    %eq3A_254 = arith.cmpf oeq, %eq3A_252, %eq3A_253 : vector<2048x384xf32>
    %convert_element_type3A_255 = arith.extui %eq3A_254 : vector<2048x384xi1> to vector<2048x384xi32>
    %convert_element_type3A_256 = arith.sitofp %convert_element_type3A_255 : vector<2048x384xi32> to vector<2048x384xf32>
    %concatenate3A_257 = tpu.concatenate %floor3A, %sub3A_88, %get3A_245 in 1 : vector<2048x1xf32>, vector<2048x1xf32>, vector<2048x1xf32> -> vector<2048x3xf32>
    %dot_general3A_258 = arith.constant dense<0.000000e+00> : vector<384x3xf32>
    %dot_general3A_259 = tpu.matmul %convert_element_type3A_256, %concatenate3A_257, %dot_general3A_258 {dimension_numbers = #tpu.dot_dimension_numbers<[0], [0], [1], [1], [0, 1, 1, 1], [], []>, transpose_lhs_hint = false} : vector<2048x384xf32>, vector<2048x3xf32>, vector<384x3xf32> -> vector<384x3xf32>
    %slice3A_260 = vector.extract_strided_slice %dot_general3A_259 {offsets = [0, 0], sizes = [384, 1], strides = [1, 1]} : vector<384x3xf32> to vector<384x1xf32>
    %mul3A_261 = arith.constant 8.000000e+00 : f32
    %mul3A_262 = vector.broadcast %mul3A_261 : f32 to vector<384x1xf32>
    %mul3A_263 = arith.mulf %mul3A_262, %slice3A_260 : vector<384x1xf32>
    %slice3A_264 = vector.extract_strided_slice %dot_general3A_259 {offsets = [0, 1], sizes = [384, 1], strides = [1, 1]} : vector<384x3xf32> to vector<384x1xf32>
    %add3A_265 = arith.addf %mul3A_263, %slice3A_264 : vector<384x1xf32>
    %convert_element_type3A_266 = arith.fptosi %add3A_265 : vector<384x1xf32> to vector<384x1xi32>
    %swap3A_267 = arith.constant 0 : index
    %swap3A_268 = arith.constant 4 : index
    %swap3A_269 = vector.load %arg3[%swap3A_267, %swap3A_268] : memref<384x16xi32, #tpu.memory_space<vmem>>, vector<384x1xi32>
    tpu.vector_store %arg3[%swap3A_267, %swap3A_268], %convert_element_type3A_266 {strides = array<i32>} : memref<384x16xi32, #tpu.memory_space<vmem>>, vector<384x1xi32>,
    %slice3A_270 = vector.extract_strided_slice %dot_general3A_259 {offsets = [0, 2], sizes = [384, 1], strides = [1, 1]} : vector<384x3xf32> to vector<384x1xf32>
    %swap3A_271 = arith.constant 0 : index
    %swap3A_272 = arith.constant 4 : index
    %swap3A_273 = vector.load %arg4[%swap3A_271, %swap3A_272] : memref<384x16xf32, #tpu.memory_space<vmem>>, vector<384x1xf32>
    tpu.vector_store %arg4[%swap3A_271, %swap3A_272], %slice3A_270 {strides = array<i32>} : memref<384x16xf32, #tpu.memory_space<vmem>>, vector<384x1xf32>,
    %get3A_274 = arith.constant 0 : index
    %get3A_275 = arith.constant 5 : index
    %get3A_276 = vector.load %arg9[%get3A_274, %get3A_275] : memref<2048x16xf32, #tpu.memory_space<vmem>>, vector<2048x1xf32>
    %get3A_277 = arith.constant 0 : index
    %get3A_278 = arith.constant 5 : index
    %get3A_279 = vector.load %arg7[%get3A_277, %get3A_278] : memref<2048x16xf32, #tpu.memory_space<vmem>>, vector<2048x1xf32>
    %get3A_280 = arith.constant 0 : index
    %get3A_281 = arith.constant 5 : index
    %get3A_282 = vector.load %arg8[%get3A_280, %get3A_281] : memref<2048x16xf32, #tpu.memory_space<vmem>>, vector<2048x1xf32>
    %gt3A_283 = arith.constant 0.000000e+00 : f32
    %gt3A_284 = vector.broadcast %gt3A_283 : f32 to vector<2048x1xf32>
    %gt3A_285 = arith.cmpf ogt, %get3A_279, %gt3A_284 : vector<2048x1xf32>
    %jit3A_286 = arith.constant 3.840000e+02 : f32
    %broadcast_in_dim3A_287 = vector.broadcast %jit3A_286 : f32 to vector<2048x1xf32>
    %select_n3A_288 = arith.select %gt3A_285, %get3A_276, %broadcast_in_dim3A_287 : vector<2048x1xi1>, vector<2048x1xf32>
    %eq3A_289 = vector.broadcast %select_n3A_288 : vector<2048x1xf32> to vector<2048x384xf32>
    %eq3A_290 = vector.broadcast %convert_element_type3A_90 : vector<1x384xf32> to vector<2048x384xf32>
    %eq3A_291 = arith.cmpf oeq, %eq3A_289, %eq3A_290 : vector<2048x384xf32>
    %convert_element_type3A_292 = arith.extui %eq3A_291 : vector<2048x384xi1> to vector<2048x384xi32>
    %convert_element_type3A_293 = arith.sitofp %convert_element_type3A_292 : vector<2048x384xi32> to vector<2048x384xf32>
    %concatenate3A_294 = tpu.concatenate %floor3A, %sub3A_88, %get3A_282 in 1 : vector<2048x1xf32>, vector<2048x1xf32>, vector<2048x1xf32> -> vector<2048x3xf32>
    %dot_general3A_295 = arith.constant dense<0.000000e+00> : vector<384x3xf32>
    %dot_general3A_296 = tpu.matmul %convert_element_type3A_293, %concatenate3A_294, %dot_general3A_295 {dimension_numbers = #tpu.dot_dimension_numbers<[0], [0], [1], [1], [0, 1, 1, 1], [], []>, transpose_lhs_hint = false} : vector<2048x384xf32>, vector<2048x3xf32>, vector<384x3xf32> -> vector<384x3xf32>
    %slice3A_297 = vector.extract_strided_slice %dot_general3A_296 {offsets = [0, 0], sizes = [384, 1], strides = [1, 1]} : vector<384x3xf32> to vector<384x1xf32>
    %mul3A_298 = arith.constant 8.000000e+00 : f32
    %mul3A_299 = vector.broadcast %mul3A_298 : f32 to vector<384x1xf32>
    %mul3A_300 = arith.mulf %mul3A_299, %slice3A_297 : vector<384x1xf32>
    %slice3A_301 = vector.extract_strided_slice %dot_general3A_296 {offsets = [0, 1], sizes = [384, 1], strides = [1, 1]} : vector<384x3xf32> to vector<384x1xf32>
    %add3A_302 = arith.addf %mul3A_300, %slice3A_301 : vector<384x1xf32>
    %convert_element_type3A_303 = arith.fptosi %add3A_302 : vector<384x1xf32> to vector<384x1xi32>
    %swap3A_304 = arith.constant 0 : index
    %swap3A_305 = arith.constant 5 : index
    %swap3A_306 = vector.load %arg3[%swap3A_304, %swap3A_305] : memref<384x16xi32, #tpu.memory_space<vmem>>, vector<384x1xi32>
    tpu.vector_store %arg3[%swap3A_304, %swap3A_305], %convert_element_type3A_303 {strides = array<i32>} : memref<384x16xi32, #tpu.memory_space<vmem>>, vector<384x1xi32>,
    %slice3A_307 = vector.extract_strided_slice %dot_general3A_296 {offsets = [0, 2], sizes = [384, 1], strides = [1, 1]} : vector<384x3xf32> to vector<384x1xf32>
    %swap3A_308 = arith.constant 0 : index
    %swap3A_309 = arith.constant 5 : index
    %swap3A_310 = vector.load %arg4[%swap3A_308, %swap3A_309] : memref<384x16xf32, #tpu.memory_space<vmem>>, vector<384x1xf32>
    tpu.vector_store %arg4[%swap3A_308, %swap3A_309], %slice3A_307 {strides = array<i32>} : memref<384x16xf32, #tpu.memory_space<vmem>>, vector<384x1xf32>,
    %get3A_311 = arith.constant 0 : index
    %get3A_312 = arith.constant 6 : index
    %get3A_313 = vector.load %arg9[%get3A_311, %get3A_312] : memref<2048x16xf32, #tpu.memory_space<vmem>>, vector<2048x1xf32>
    %get3A_314 = arith.constant 0 : index
    %get3A_315 = arith.constant 6 : index
    %get3A_316 = vector.load %arg7[%get3A_314, %get3A_315] : memref<2048x16xf32, #tpu.memory_space<vmem>>, vector<2048x1xf32>
    %get3A_317 = arith.constant 0 : index
    %get3A_318 = arith.constant 6 : index
    %get3A_319 = vector.load %arg8[%get3A_317, %get3A_318] : memref<2048x16xf32, #tpu.memory_space<vmem>>, vector<2048x1xf32>
    %gt3A_320 = arith.constant 0.000000e+00 : f32
    %gt3A_321 = vector.broadcast %gt3A_320 : f32 to vector<2048x1xf32>
    %gt3A_322 = arith.cmpf ogt, %get3A_316, %gt3A_321 : vector<2048x1xf32>
    %jit3A_323 = arith.constant 3.840000e+02 : f32
    %broadcast_in_dim3A_324 = vector.broadcast %jit3A_323 : f32 to vector<2048x1xf32>
    %select_n3A_325 = arith.select %gt3A_322, %get3A_313, %broadcast_in_dim3A_324 : vector<2048x1xi1>, vector<2048x1xf32>
    %eq3A_326 = vector.broadcast %select_n3A_325 : vector<2048x1xf32> to vector<2048x384xf32>
    %eq3A_327 = vector.broadcast %convert_element_type3A_90 : vector<1x384xf32> to vector<2048x384xf32>
    %eq3A_328 = arith.cmpf oeq, %eq3A_326, %eq3A_327 : vector<2048x384xf32>
    %convert_element_type3A_329 = arith.extui %eq3A_328 : vector<2048x384xi1> to vector<2048x384xi32>
    %convert_element_type3A_330 = arith.sitofp %convert_element_type3A_329 : vector<2048x384xi32> to vector<2048x384xf32>
    %concatenate3A_331 = tpu.concatenate %floor3A, %sub3A_88, %get3A_319 in 1 : vector<2048x1xf32>, vector<2048x1xf32>, vector<2048x1xf32> -> vector<2048x3xf32>
    %dot_general3A_332 = arith.constant dense<0.000000e+00> : vector<384x3xf32>
    %dot_general3A_333 = tpu.matmul %convert_element_type3A_330, %concatenate3A_331, %dot_general3A_332 {dimension_numbers = #tpu.dot_dimension_numbers<[0], [0], [1], [1], [0, 1, 1, 1], [], []>, transpose_lhs_hint = false} : vector<2048x384xf32>, vector<2048x3xf32>, vector<384x3xf32> -> vector<384x3xf32>
    %slice3A_334 = vector.extract_strided_slice %dot_general3A_333 {offsets = [0, 0], sizes = [384, 1], strides = [1, 1]} : vector<384x3xf32> to vector<384x1xf32>
    %mul3A_335 = arith.constant 8.000000e+00 : f32
    %mul3A_336 = vector.broadcast %mul3A_335 : f32 to vector<384x1xf32>
    %mul3A_337 = arith.mulf %mul3A_336, %slice3A_334 : vector<384x1xf32>
    %slice3A_338 = vector.extract_strided_slice %dot_general3A_333 {offsets = [0, 1], sizes = [384, 1], strides = [1, 1]} : vector<384x3xf32> to vector<384x1xf32>
    %add3A_339 = arith.addf %mul3A_337, %slice3A_338 : vector<384x1xf32>
    %convert_element_type3A_340 = arith.fptosi %add3A_339 : vector<384x1xf32> to vector<384x1xi32>
    %swap3A_341 = arith.constant 0 : index
    %swap3A_342 = arith.constant 6 : index
    %swap3A_343 = vector.load %arg3[%swap3A_341, %swap3A_342] : memref<384x16xi32, #tpu.memory_space<vmem>>, vector<384x1xi32>
    tpu.vector_store %arg3[%swap3A_341, %swap3A_342], %convert_element_type3A_340 {strides = array<i32>} : memref<384x16xi32, #tpu.memory_space<vmem>>, vector<384x1xi32>,
    %slice3A_344 = vector.extract_strided_slice %dot_general3A_333 {offsets = [0, 2], sizes = [384, 1], strides = [1, 1]} : vector<384x3xf32> to vector<384x1xf32>
    %swap3A_345 = arith.constant 0 : index
    %swap3A_346 = arith.constant 6 : index
    %swap3A_347 = vector.load %arg4[%swap3A_345, %swap3A_346] : memref<384x16xf32, #tpu.memory_space<vmem>>, vector<384x1xf32>
    tpu.vector_store %arg4[%swap3A_345, %swap3A_346], %slice3A_344 {strides = array<i32>} : memref<384x16xf32, #tpu.memory_space<vmem>>, vector<384x1xf32>,
    %get3A_348 = arith.constant 0 : index
    %get3A_349 = arith.constant 7 : index
    %get3A_350 = vector.load %arg9[%get3A_348, %get3A_349] : memref<2048x16xf32, #tpu.memory_space<vmem>>, vector<2048x1xf32>
    %get3A_351 = arith.constant 0 : index
    %get3A_352 = arith.constant 7 : index
    %get3A_353 = vector.load %arg7[%get3A_351, %get3A_352] : memref<2048x16xf32, #tpu.memory_space<vmem>>, vector<2048x1xf32>
    %get3A_354 = arith.constant 0 : index
    %get3A_355 = arith.constant 7 : index
    %get3A_356 = vector.load %arg8[%get3A_354, %get3A_355] : memref<2048x16xf32, #tpu.memory_space<vmem>>, vector<2048x1xf32>
    %gt3A_357 = arith.constant 0.000000e+00 : f32
    %gt3A_358 = vector.broadcast %gt3A_357 : f32 to vector<2048x1xf32>
    %gt3A_359 = arith.cmpf ogt, %get3A_353, %gt3A_358 : vector<2048x1xf32>
    %jit3A_360 = arith.constant 3.840000e+02 : f32
    %broadcast_in_dim3A_361 = vector.broadcast %jit3A_360 : f32 to vector<2048x1xf32>
    %select_n3A_362 = arith.select %gt3A_359, %get3A_350, %broadcast_in_dim3A_361 : vector<2048x1xi1>, vector<2048x1xf32>
    %eq3A_363 = vector.broadcast %select_n3A_362 : vector<2048x1xf32> to vector<2048x384xf32>
    %eq3A_364 = vector.broadcast %convert_element_type3A_90 : vector<1x384xf32> to vector<2048x384xf32>
    %eq3A_365 = arith.cmpf oeq, %eq3A_363, %eq3A_364 : vector<2048x384xf32>
    %convert_element_type3A_366 = arith.extui %eq3A_365 : vector<2048x384xi1> to vector<2048x384xi32>
    %convert_element_type3A_367 = arith.sitofp %convert_element_type3A_366 : vector<2048x384xi32> to vector<2048x384xf32>
    %concatenate3A_368 = tpu.concatenate %floor3A, %sub3A_88, %get3A_356 in 1 : vector<2048x1xf32>, vector<2048x1xf32>, vector<2048x1xf32> -> vector<2048x3xf32>
    %dot_general3A_369 = arith.constant dense<0.000000e+00> : vector<384x3xf32>
    %dot_general3A_370 = tpu.matmul %convert_element_type3A_367, %concatenate3A_368, %dot_general3A_369 {dimension_numbers = #tpu.dot_dimension_numbers<[0], [0], [1], [1], [0, 1, 1, 1], [], []>, transpose_lhs_hint = false} : vector<2048x384xf32>, vector<2048x3xf32>, vector<384x3xf32> -> vector<384x3xf32>
    %slice3A_371 = vector.extract_strided_slice %dot_general3A_370 {offsets = [0, 0], sizes = [384, 1], strides = [1, 1]} : vector<384x3xf32> to vector<384x1xf32>
    %mul3A_372 = arith.constant 8.000000e+00 : f32
    %mul3A_373 = vector.broadcast %mul3A_372 : f32 to vector<384x1xf32>
    %mul3A_374 = arith.mulf %mul3A_373, %slice3A_371 : vector<384x1xf32>
    %slice3A_375 = vector.extract_strided_slice %dot_general3A_370 {offsets = [0, 1], sizes = [384, 1], strides = [1, 1]} : vector<384x3xf32> to vector<384x1xf32>
    %add3A_376 = arith.addf %mul3A_374, %slice3A_375 : vector<384x1xf32>
    %convert_element_type3A_377 = arith.fptosi %add3A_376 : vector<384x1xf32> to vector<384x1xi32>
    %swap3A_378 = arith.constant 0 : index
    %swap3A_379 = arith.constant 7 : index
    %swap3A_380 = vector.load %arg3[%swap3A_378, %swap3A_379] : memref<384x16xi32, #tpu.memory_space<vmem>>, vector<384x1xi32>
    tpu.vector_store %arg3[%swap3A_378, %swap3A_379], %convert_element_type3A_377 {strides = array<i32>} : memref<384x16xi32, #tpu.memory_space<vmem>>, vector<384x1xi32>,
    %slice3A_381 = vector.extract_strided_slice %dot_general3A_370 {offsets = [0, 2], sizes = [384, 1], strides = [1, 1]} : vector<384x3xf32> to vector<384x1xf32>
    %swap3A_382 = arith.constant 0 : index
    %swap3A_383 = arith.constant 7 : index
    %swap3A_384 = vector.load %arg4[%swap3A_382, %swap3A_383] : memref<384x16xf32, #tpu.memory_space<vmem>>, vector<384x1xf32>
    tpu.vector_store %arg4[%swap3A_382, %swap3A_383], %slice3A_381 {strides = array<i32>} : memref<384x16xf32, #tpu.memory_space<vmem>>, vector<384x1xf32>,
    %get3A_385 = arith.constant 0 : index
    %get3A_386 = arith.constant 8 : index
    %get3A_387 = vector.load %arg9[%get3A_385, %get3A_386] : memref<2048x16xf32, #tpu.memory_space<vmem>>, vector<2048x1xf32>
    %get3A_388 = arith.constant 0 : index
    %get3A_389 = arith.constant 8 : index
    %get3A_390 = vector.load %arg7[%get3A_388, %get3A_389] : memref<2048x16xf32, #tpu.memory_space<vmem>>, vector<2048x1xf32>
    %get3A_391 = arith.constant 0 : index
    %get3A_392 = arith.constant 8 : index
    %get3A_393 = vector.load %arg8[%get3A_391, %get3A_392] : memref<2048x16xf32, #tpu.memory_space<vmem>>, vector<2048x1xf32>
    %gt3A_394 = arith.constant 0.000000e+00 : f32
    %gt3A_395 = vector.broadcast %gt3A_394 : f32 to vector<2048x1xf32>
    %gt3A_396 = arith.cmpf ogt, %get3A_390, %gt3A_395 : vector<2048x1xf32>
    %jit3A_397 = arith.constant 3.840000e+02 : f32
    %broadcast_in_dim3A_398 = vector.broadcast %jit3A_397 : f32 to vector<2048x1xf32>
    %select_n3A_399 = arith.select %gt3A_396, %get3A_387, %broadcast_in_dim3A_398 : vector<2048x1xi1>, vector<2048x1xf32>
    %eq3A_400 = vector.broadcast %select_n3A_399 : vector<2048x1xf32> to vector<2048x384xf32>
    %eq3A_401 = vector.broadcast %convert_element_type3A_90 : vector<1x384xf32> to vector<2048x384xf32>
    %eq3A_402 = arith.cmpf oeq, %eq3A_400, %eq3A_401 : vector<2048x384xf32>
    %convert_element_type3A_403 = arith.extui %eq3A_402 : vector<2048x384xi1> to vector<2048x384xi32>
    %convert_element_type3A_404 = arith.sitofp %convert_element_type3A_403 : vector<2048x384xi32> to vector<2048x384xf32>
    %concatenate3A_405 = tpu.concatenate %floor3A, %sub3A_88, %get3A_393 in 1 : vector<2048x1xf32>, vector<2048x1xf32>, vector<2048x1xf32> -> vector<2048x3xf32>
    %dot_general3A_406 = arith.constant dense<0.000000e+00> : vector<384x3xf32>
    %dot_general3A_407 = tpu.matmul %convert_element_type3A_404, %concatenate3A_405, %dot_general3A_406 {dimension_numbers = #tpu.dot_dimension_numbers<[0], [0], [1], [1], [0, 1, 1, 1], [], []>, transpose_lhs_hint = false} : vector<2048x384xf32>, vector<2048x3xf32>, vector<384x3xf32> -> vector<384x3xf32>
    %slice3A_408 = vector.extract_strided_slice %dot_general3A_407 {offsets = [0, 0], sizes = [384, 1], strides = [1, 1]} : vector<384x3xf32> to vector<384x1xf32>
    %mul3A_409 = arith.constant 8.000000e+00 : f32
    %mul3A_410 = vector.broadcast %mul3A_409 : f32 to vector<384x1xf32>
    %mul3A_411 = arith.mulf %mul3A_410, %slice3A_408 : vector<384x1xf32>
    %slice3A_412 = vector.extract_strided_slice %dot_general3A_407 {offsets = [0, 1], sizes = [384, 1], strides = [1, 1]} : vector<384x3xf32> to vector<384x1xf32>
    %add3A_413 = arith.addf %mul3A_411, %slice3A_412 : vector<384x1xf32>
    %convert_element_type3A_414 = arith.fptosi %add3A_413 : vector<384x1xf32> to vector<384x1xi32>
    %swap3A_415 = arith.constant 0 : index
    %swap3A_416 = arith.constant 8 : index
    %swap3A_417 = vector.load %arg3[%swap3A_415, %swap3A_416] : memref<384x16xi32, #tpu.memory_space<vmem>>, vector<384x1xi32>
    tpu.vector_store %arg3[%swap3A_415, %swap3A_416], %convert_element_type3A_414 {strides = array<i32>} : memref<384x16xi32, #tpu.memory_space<vmem>>, vector<384x1xi32>,
    %slice3A_418 = vector.extract_strided_slice %dot_general3A_407 {offsets = [0, 2], sizes = [384, 1], strides = [1, 1]} : vector<384x3xf32> to vector<384x1xf32>
    %swap3A_419 = arith.constant 0 : index
    %swap3A_420 = arith.constant 8 : index
    %swap3A_421 = vector.load %arg4[%swap3A_419, %swap3A_420] : memref<384x16xf32, #tpu.memory_space<vmem>>, vector<384x1xf32>
    tpu.vector_store %arg4[%swap3A_419, %swap3A_420], %slice3A_418 {strides = array<i32>} : memref<384x16xf32, #tpu.memory_space<vmem>>, vector<384x1xf32>,
    %get3A_422 = arith.constant 0 : index
    %get3A_423 = arith.constant 9 : index
    %get3A_424 = vector.load %arg9[%get3A_422, %get3A_423] : memref<2048x16xf32, #tpu.memory_space<vmem>>, vector<2048x1xf32>
    %get3A_425 = arith.constant 0 : index
    %get3A_426 = arith.constant 9 : index
    %get3A_427 = vector.load %arg7[%get3A_425, %get3A_426] : memref<2048x16xf32, #tpu.memory_space<vmem>>, vector<2048x1xf32>
    %get3A_428 = arith.constant 0 : index
    %get3A_429 = arith.constant 9 : index
    %get3A_430 = vector.load %arg8[%get3A_428, %get3A_429] : memref<2048x16xf32, #tpu.memory_space<vmem>>, vector<2048x1xf32>
    %gt3A_431 = arith.constant 0.000000e+00 : f32
    %gt3A_432 = vector.broadcast %gt3A_431 : f32 to vector<2048x1xf32>
    %gt3A_433 = arith.cmpf ogt, %get3A_427, %gt3A_432 : vector<2048x1xf32>
    %jit3A_434 = arith.constant 3.840000e+02 : f32
    %broadcast_in_dim3A_435 = vector.broadcast %jit3A_434 : f32 to vector<2048x1xf32>
    %select_n3A_436 = arith.select %gt3A_433, %get3A_424, %broadcast_in_dim3A_435 : vector<2048x1xi1>, vector<2048x1xf32>
    %eq3A_437 = vector.broadcast %select_n3A_436 : vector<2048x1xf32> to vector<2048x384xf32>
    %eq3A_438 = vector.broadcast %convert_element_type3A_90 : vector<1x384xf32> to vector<2048x384xf32>
    %eq3A_439 = arith.cmpf oeq, %eq3A_437, %eq3A_438 : vector<2048x384xf32>
    %convert_element_type3A_440 = arith.extui %eq3A_439 : vector<2048x384xi1> to vector<2048x384xi32>
    %convert_element_type3A_441 = arith.sitofp %convert_element_type3A_440 : vector<2048x384xi32> to vector<2048x384xf32>
    %concatenate3A_442 = tpu.concatenate %floor3A, %sub3A_88, %get3A_430 in 1 : vector<2048x1xf32>, vector<2048x1xf32>, vector<2048x1xf32> -> vector<2048x3xf32>
    %dot_general3A_443 = arith.constant dense<0.000000e+00> : vector<384x3xf32>
    %dot_general3A_444 = tpu.matmul %convert_element_type3A_441, %concatenate3A_442, %dot_general3A_443 {dimension_numbers = #tpu.dot_dimension_numbers<[0], [0], [1], [1], [0, 1, 1, 1], [], []>, transpose_lhs_hint = false} : vector<2048x384xf32>, vector<2048x3xf32>, vector<384x3xf32> -> vector<384x3xf32>
    %slice3A_445 = vector.extract_strided_slice %dot_general3A_444 {offsets = [0, 0], sizes = [384, 1], strides = [1, 1]} : vector<384x3xf32> to vector<384x1xf32>
    %mul3A_446 = arith.constant 8.000000e+00 : f32
    %mul3A_447 = vector.broadcast %mul3A_446 : f32 to vector<384x1xf32>
    %mul3A_448 = arith.mulf %mul3A_447, %slice3A_445 : vector<384x1xf32>
    %slice3A_449 = vector.extract_strided_slice %dot_general3A_444 {offsets = [0, 1], sizes = [384, 1], strides = [1, 1]} : vector<384x3xf32> to vector<384x1xf32>
    %add3A_450 = arith.addf %mul3A_448, %slice3A_449 : vector<384x1xf32>
    %convert_element_type3A_451 = arith.fptosi %add3A_450 : vector<384x1xf32> to vector<384x1xi32>
    %swap3A_452 = arith.constant 0 : index
    %swap3A_453 = arith.constant 9 : index
    %swap3A_454 = vector.load %arg3[%swap3A_452, %swap3A_453] : memref<384x16xi32, #tpu.memory_space<vmem>>, vector<384x1xi32>
    tpu.vector_store %arg3[%swap3A_452, %swap3A_453], %convert_element_type3A_451 {strides = array<i32>} : memref<384x16xi32, #tpu.memory_space<vmem>>, vector<384x1xi32>,
    %slice3A_455 = vector.extract_strided_slice %dot_general3A_444 {offsets = [0, 2], sizes = [384, 1], strides = [1, 1]} : vector<384x3xf32> to vector<384x1xf32>
    %swap3A_456 = arith.constant 0 : index
    %swap3A_457 = arith.constant 9 : index
    %swap3A_458 = vector.load %arg4[%swap3A_456, %swap3A_457] : memref<384x16xf32, #tpu.memory_space<vmem>>, vector<384x1xf32>
    tpu.vector_store %arg4[%swap3A_456, %swap3A_457], %slice3A_455 {strides = array<i32>} : memref<384x16xf32, #tpu.memory_space<vmem>>, vector<384x1xf32>,
    %get3A_459 = arith.constant 0 : index
    %get3A_460 = arith.constant 10 : index
    %get3A_461 = vector.load %arg9[%get3A_459, %get3A_460] : memref<2048x16xf32, #tpu.memory_space<vmem>>, vector<2048x1xf32>
    %get3A_462 = arith.constant 0 : index
    %get3A_463 = arith.constant 10 : index
    %get3A_464 = vector.load %arg7[%get3A_462, %get3A_463] : memref<2048x16xf32, #tpu.memory_space<vmem>>, vector<2048x1xf32>
    %get3A_465 = arith.constant 0 : index
    %get3A_466 = arith.constant 10 : index
    %get3A_467 = vector.load %arg8[%get3A_465, %get3A_466] : memref<2048x16xf32, #tpu.memory_space<vmem>>, vector<2048x1xf32>
    %gt3A_468 = arith.constant 0.000000e+00 : f32
    %gt3A_469 = vector.broadcast %gt3A_468 : f32 to vector<2048x1xf32>
    %gt3A_470 = arith.cmpf ogt, %get3A_464, %gt3A_469 : vector<2048x1xf32>
    %jit3A_471 = arith.constant 3.840000e+02 : f32
    %broadcast_in_dim3A_472 = vector.broadcast %jit3A_471 : f32 to vector<2048x1xf32>
    %select_n3A_473 = arith.select %gt3A_470, %get3A_461, %broadcast_in_dim3A_472 : vector<2048x1xi1>, vector<2048x1xf32>
    %eq3A_474 = vector.broadcast %select_n3A_473 : vector<2048x1xf32> to vector<2048x384xf32>
    %eq3A_475 = vector.broadcast %convert_element_type3A_90 : vector<1x384xf32> to vector<2048x384xf32>
    %eq3A_476 = arith.cmpf oeq, %eq3A_474, %eq3A_475 : vector<2048x384xf32>
    %convert_element_type3A_477 = arith.extui %eq3A_476 : vector<2048x384xi1> to vector<2048x384xi32>
    %convert_element_type3A_478 = arith.sitofp %convert_element_type3A_477 : vector<2048x384xi32> to vector<2048x384xf32>
    %concatenate3A_479 = tpu.concatenate %floor3A, %sub3A_88, %get3A_467 in 1 : vector<2048x1xf32>, vector<2048x1xf32>, vector<2048x1xf32> -> vector<2048x3xf32>
    %dot_general3A_480 = arith.constant dense<0.000000e+00> : vector<384x3xf32>
    %dot_general3A_481 = tpu.matmul %convert_element_type3A_478, %concatenate3A_479, %dot_general3A_480 {dimension_numbers = #tpu.dot_dimension_numbers<[0], [0], [1], [1], [0, 1, 1, 1], [], []>, transpose_lhs_hint = false} : vector<2048x384xf32>, vector<2048x3xf32>, vector<384x3xf32> -> vector<384x3xf32>
    %slice3A_482 = vector.extract_strided_slice %dot_general3A_481 {offsets = [0, 0], sizes = [384, 1], strides = [1, 1]} : vector<384x3xf32> to vector<384x1xf32>
    %mul3A_483 = arith.constant 8.000000e+00 : f32
    %mul3A_484 = vector.broadcast %mul3A_483 : f32 to vector<384x1xf32>
    %mul3A_485 = arith.mulf %mul3A_484, %slice3A_482 : vector<384x1xf32>
    %slice3A_486 = vector.extract_strided_slice %dot_general3A_481 {offsets = [0, 1], sizes = [384, 1], strides = [1, 1]} : vector<384x3xf32> to vector<384x1xf32>
    %add3A_487 = arith.addf %mul3A_485, %slice3A_486 : vector<384x1xf32>
    %convert_element_type3A_488 = arith.fptosi %add3A_487 : vector<384x1xf32> to vector<384x1xi32>
    %swap3A_489 = arith.constant 0 : index
    %swap3A_490 = arith.constant 10 : index
    %swap3A_491 = vector.load %arg3[%swap3A_489, %swap3A_490] : memref<384x16xi32, #tpu.memory_space<vmem>>, vector<384x1xi32>
    tpu.vector_store %arg3[%swap3A_489, %swap3A_490], %convert_element_type3A_488 {strides = array<i32>} : memref<384x16xi32, #tpu.memory_space<vmem>>, vector<384x1xi32>,
    %slice3A_492 = vector.extract_strided_slice %dot_general3A_481 {offsets = [0, 2], sizes = [384, 1], strides = [1, 1]} : vector<384x3xf32> to vector<384x1xf32>
    %swap3A_493 = arith.constant 0 : index
    %swap3A_494 = arith.constant 10 : index
    %swap3A_495 = vector.load %arg4[%swap3A_493, %swap3A_494] : memref<384x16xf32, #tpu.memory_space<vmem>>, vector<384x1xf32>
    tpu.vector_store %arg4[%swap3A_493, %swap3A_494], %slice3A_492 {strides = array<i32>} : memref<384x16xf32, #tpu.memory_space<vmem>>, vector<384x1xf32>,
    %get3A_496 = arith.constant 0 : index
    %get3A_497 = arith.constant 11 : index
    %get3A_498 = vector.load %arg9[%get3A_496, %get3A_497] : memref<2048x16xf32, #tpu.memory_space<vmem>>, vector<2048x1xf32>
    %get3A_499 = arith.constant 0 : index
    %get3A_500 = arith.constant 11 : index
    %get3A_501 = vector.load %arg7[%get3A_499, %get3A_500] : memref<2048x16xf32, #tpu.memory_space<vmem>>, vector<2048x1xf32>
    %get3A_502 = arith.constant 0 : index
    %get3A_503 = arith.constant 11 : index
    %get3A_504 = vector.load %arg8[%get3A_502, %get3A_503] : memref<2048x16xf32, #tpu.memory_space<vmem>>, vector<2048x1xf32>
    %gt3A_505 = arith.constant 0.000000e+00 : f32
    %gt3A_506 = vector.broadcast %gt3A_505 : f32 to vector<2048x1xf32>
    %gt3A_507 = arith.cmpf ogt, %get3A_501, %gt3A_506 : vector<2048x1xf32>
    %jit3A_508 = arith.constant 3.840000e+02 : f32
    %broadcast_in_dim3A_509 = vector.broadcast %jit3A_508 : f32 to vector<2048x1xf32>
    %select_n3A_510 = arith.select %gt3A_507, %get3A_498, %broadcast_in_dim3A_509 : vector<2048x1xi1>, vector<2048x1xf32>
    %eq3A_511 = vector.broadcast %select_n3A_510 : vector<2048x1xf32> to vector<2048x384xf32>
    %eq3A_512 = vector.broadcast %convert_element_type3A_90 : vector<1x384xf32> to vector<2048x384xf32>
    %eq3A_513 = arith.cmpf oeq, %eq3A_511, %eq3A_512 : vector<2048x384xf32>
    %convert_element_type3A_514 = arith.extui %eq3A_513 : vector<2048x384xi1> to vector<2048x384xi32>
    %convert_element_type3A_515 = arith.sitofp %convert_element_type3A_514 : vector<2048x384xi32> to vector<2048x384xf32>
    %concatenate3A_516 = tpu.concatenate %floor3A, %sub3A_88, %get3A_504 in 1 : vector<2048x1xf32>, vector<2048x1xf32>, vector<2048x1xf32> -> vector<2048x3xf32>
    %dot_general3A_517 = arith.constant dense<0.000000e+00> : vector<384x3xf32>
    %dot_general3A_518 = tpu.matmul %convert_element_type3A_515, %concatenate3A_516, %dot_general3A_517 {dimension_numbers = #tpu.dot_dimension_numbers<[0], [0], [1], [1], [0, 1, 1, 1], [], []>, transpose_lhs_hint = false} : vector<2048x384xf32>, vector<2048x3xf32>, vector<384x3xf32> -> vector<384x3xf32>
    %slice3A_519 = vector.extract_strided_slice %dot_general3A_518 {offsets = [0, 0], sizes = [384, 1], strides = [1, 1]} : vector<384x3xf32> to vector<384x1xf32>
    %mul3A_520 = arith.constant 8.000000e+00 : f32
    %mul3A_521 = vector.broadcast %mul3A_520 : f32 to vector<384x1xf32>
    %mul3A_522 = arith.mulf %mul3A_521, %slice3A_519 : vector<384x1xf32>
    %slice3A_523 = vector.extract_strided_slice %dot_general3A_518 {offsets = [0, 1], sizes = [384, 1], strides = [1, 1]} : vector<384x3xf32> to vector<384x1xf32>
    %add3A_524 = arith.addf %mul3A_522, %slice3A_523 : vector<384x1xf32>
    %convert_element_type3A_525 = arith.fptosi %add3A_524 : vector<384x1xf32> to vector<384x1xi32>
    %swap3A_526 = arith.constant 0 : index
    %swap3A_527 = arith.constant 11 : index
    %swap3A_528 = vector.load %arg3[%swap3A_526, %swap3A_527] : memref<384x16xi32, #tpu.memory_space<vmem>>, vector<384x1xi32>
    tpu.vector_store %arg3[%swap3A_526, %swap3A_527], %convert_element_type3A_525 {strides = array<i32>} : memref<384x16xi32, #tpu.memory_space<vmem>>, vector<384x1xi32>,
    %slice3A_529 = vector.extract_strided_slice %dot_general3A_518 {offsets = [0, 2], sizes = [384, 1], strides = [1, 1]} : vector<384x3xf32> to vector<384x1xf32>
    %swap3A_530 = arith.constant 0 : index
    %swap3A_531 = arith.constant 11 : index
    %swap3A_532 = vector.load %arg4[%swap3A_530, %swap3A_531] : memref<384x16xf32, #tpu.memory_space<vmem>>, vector<384x1xf32>
    tpu.vector_store %arg4[%swap3A_530, %swap3A_531], %slice3A_529 {strides = array<i32>} : memref<384x16xf32, #tpu.memory_space<vmem>>, vector<384x1xf32>,
    %get3A_533 = arith.constant 0 : index
    %get3A_534 = arith.constant 12 : index
    %get3A_535 = vector.load %arg9[%get3A_533, %get3A_534] : memref<2048x16xf32, #tpu.memory_space<vmem>>, vector<2048x1xf32>
    %get3A_536 = arith.constant 0 : index
    %get3A_537 = arith.constant 12 : index
    %get3A_538 = vector.load %arg7[%get3A_536, %get3A_537] : memref<2048x16xf32, #tpu.memory_space<vmem>>, vector<2048x1xf32>
    %get3A_539 = arith.constant 0 : index
    %get3A_540 = arith.constant 12 : index
    %get3A_541 = vector.load %arg8[%get3A_539, %get3A_540] : memref<2048x16xf32, #tpu.memory_space<vmem>>, vector<2048x1xf32>
    %gt3A_542 = arith.constant 0.000000e+00 : f32
    %gt3A_543 = vector.broadcast %gt3A_542 : f32 to vector<2048x1xf32>
    %gt3A_544 = arith.cmpf ogt, %get3A_538, %gt3A_543 : vector<2048x1xf32>
    %jit3A_545 = arith.constant 3.840000e+02 : f32
    %broadcast_in_dim3A_546 = vector.broadcast %jit3A_545 : f32 to vector<2048x1xf32>
    %select_n3A_547 = arith.select %gt3A_544, %get3A_535, %broadcast_in_dim3A_546 : vector<2048x1xi1>, vector<2048x1xf32>
    %eq3A_548 = vector.broadcast %select_n3A_547 : vector<2048x1xf32> to vector<2048x384xf32>
    %eq3A_549 = vector.broadcast %convert_element_type3A_90 : vector<1x384xf32> to vector<2048x384xf32>
    %eq3A_550 = arith.cmpf oeq, %eq3A_548, %eq3A_549 : vector<2048x384xf32>
    %convert_element_type3A_551 = arith.extui %eq3A_550 : vector<2048x384xi1> to vector<2048x384xi32>
    %convert_element_type3A_552 = arith.sitofp %convert_element_type3A_551 : vector<2048x384xi32> to vector<2048x384xf32>
    %concatenate3A_553 = tpu.concatenate %floor3A, %sub3A_88, %get3A_541 in 1 : vector<2048x1xf32>, vector<2048x1xf32>, vector<2048x1xf32> -> vector<2048x3xf32>
    %dot_general3A_554 = arith.constant dense<0.000000e+00> : vector<384x3xf32>
    %dot_general3A_555 = tpu.matmul %convert_element_type3A_552, %concatenate3A_553, %dot_general3A_554 {dimension_numbers = #tpu.dot_dimension_numbers<[0], [0], [1], [1], [0, 1, 1, 1], [], []>, transpose_lhs_hint = false} : vector<2048x384xf32>, vector<2048x3xf32>, vector<384x3xf32> -> vector<384x3xf32>
    %slice3A_556 = vector.extract_strided_slice %dot_general3A_555 {offsets = [0, 0], sizes = [384, 1], strides = [1, 1]} : vector<384x3xf32> to vector<384x1xf32>
    %mul3A_557 = arith.constant 8.000000e+00 : f32
    %mul3A_558 = vector.broadcast %mul3A_557 : f32 to vector<384x1xf32>
    %mul3A_559 = arith.mulf %mul3A_558, %slice3A_556 : vector<384x1xf32>
    %slice3A_560 = vector.extract_strided_slice %dot_general3A_555 {offsets = [0, 1], sizes = [384, 1], strides = [1, 1]} : vector<384x3xf32> to vector<384x1xf32>
    %add3A_561 = arith.addf %mul3A_559, %slice3A_560 : vector<384x1xf32>
    %convert_element_type3A_562 = arith.fptosi %add3A_561 : vector<384x1xf32> to vector<384x1xi32>
    %swap3A_563 = arith.constant 0 : index
    %swap3A_564 = arith.constant 12 : index
    %swap3A_565 = vector.load %arg3[%swap3A_563, %swap3A_564] : memref<384x16xi32, #tpu.memory_space<vmem>>, vector<384x1xi32>
    tpu.vector_store %arg3[%swap3A_563, %swap3A_564], %convert_element_type3A_562 {strides = array<i32>} : memref<384x16xi32, #tpu.memory_space<vmem>>, vector<384x1xi32>,
    %slice3A_566 = vector.extract_strided_slice %dot_general3A_555 {offsets = [0, 2], sizes = [384, 1], strides = [1, 1]} : vector<384x3xf32> to vector<384x1xf32>
    %swap3A_567 = arith.constant 0 : index
    %swap3A_568 = arith.constant 12 : index
    %swap3A_569 = vector.load %arg4[%swap3A_567, %swap3A_568] : memref<384x16xf32, #tpu.memory_space<vmem>>, vector<384x1xf32>
    tpu.vector_store %arg4[%swap3A_567, %swap3A_568], %slice3A_566 {strides = array<i32>} : memref<384x16xf32, #tpu.memory_space<vmem>>, vector<384x1xf32>,
    %get3A_570 = arith.constant 0 : index
    %get3A_571 = arith.constant 13 : index
    %get3A_572 = vector.load %arg9[%get3A_570, %get3A_571] : memref<2048x16xf32, #tpu.memory_space<vmem>>, vector<2048x1xf32>
    %get3A_573 = arith.constant 0 : index
    %get3A_574 = arith.constant 13 : index
    %get3A_575 = vector.load %arg7[%get3A_573, %get3A_574] : memref<2048x16xf32, #tpu.memory_space<vmem>>, vector<2048x1xf32>
    %get3A_576 = arith.constant 0 : index
    %get3A_577 = arith.constant 13 : index
    %get3A_578 = vector.load %arg8[%get3A_576, %get3A_577] : memref<2048x16xf32, #tpu.memory_space<vmem>>, vector<2048x1xf32>
    %gt3A_579 = arith.constant 0.000000e+00 : f32
    %gt3A_580 = vector.broadcast %gt3A_579 : f32 to vector<2048x1xf32>
    %gt3A_581 = arith.cmpf ogt, %get3A_575, %gt3A_580 : vector<2048x1xf32>
    %jit3A_582 = arith.constant 3.840000e+02 : f32
    %broadcast_in_dim3A_583 = vector.broadcast %jit3A_582 : f32 to vector<2048x1xf32>
    %select_n3A_584 = arith.select %gt3A_581, %get3A_572, %broadcast_in_dim3A_583 : vector<2048x1xi1>, vector<2048x1xf32>
    %eq3A_585 = vector.broadcast %select_n3A_584 : vector<2048x1xf32> to vector<2048x384xf32>
    %eq3A_586 = vector.broadcast %convert_element_type3A_90 : vector<1x384xf32> to vector<2048x384xf32>
    %eq3A_587 = arith.cmpf oeq, %eq3A_585, %eq3A_586 : vector<2048x384xf32>
    %convert_element_type3A_588 = arith.extui %eq3A_587 : vector<2048x384xi1> to vector<2048x384xi32>
    %convert_element_type3A_589 = arith.sitofp %convert_element_type3A_588 : vector<2048x384xi32> to vector<2048x384xf32>
    %concatenate3A_590 = tpu.concatenate %floor3A, %sub3A_88, %get3A_578 in 1 : vector<2048x1xf32>, vector<2048x1xf32>, vector<2048x1xf32> -> vector<2048x3xf32>
    %dot_general3A_591 = arith.constant dense<0.000000e+00> : vector<384x3xf32>
    %dot_general3A_592 = tpu.matmul %convert_element_type3A_589, %concatenate3A_590, %dot_general3A_591 {dimension_numbers = #tpu.dot_dimension_numbers<[0], [0], [1], [1], [0, 1, 1, 1], [], []>, transpose_lhs_hint = false} : vector<2048x384xf32>, vector<2048x3xf32>, vector<384x3xf32> -> vector<384x3xf32>
    %slice3A_593 = vector.extract_strided_slice %dot_general3A_592 {offsets = [0, 0], sizes = [384, 1], strides = [1, 1]} : vector<384x3xf32> to vector<384x1xf32>
    %mul3A_594 = arith.constant 8.000000e+00 : f32
    %mul3A_595 = vector.broadcast %mul3A_594 : f32 to vector<384x1xf32>
    %mul3A_596 = arith.mulf %mul3A_595, %slice3A_593 : vector<384x1xf32>
    %slice3A_597 = vector.extract_strided_slice %dot_general3A_592 {offsets = [0, 1], sizes = [384, 1], strides = [1, 1]} : vector<384x3xf32> to vector<384x1xf32>
    %add3A_598 = arith.addf %mul3A_596, %slice3A_597 : vector<384x1xf32>
    %convert_element_type3A_599 = arith.fptosi %add3A_598 : vector<384x1xf32> to vector<384x1xi32>
    %swap3A_600 = arith.constant 0 : index
    %swap3A_601 = arith.constant 13 : index
    %swap3A_602 = vector.load %arg3[%swap3A_600, %swap3A_601] : memref<384x16xi32, #tpu.memory_space<vmem>>, vector<384x1xi32>
    tpu.vector_store %arg3[%swap3A_600, %swap3A_601], %convert_element_type3A_599 {strides = array<i32>} : memref<384x16xi32, #tpu.memory_space<vmem>>, vector<384x1xi32>,
    %slice3A_603 = vector.extract_strided_slice %dot_general3A_592 {offsets = [0, 2], sizes = [384, 1], strides = [1, 1]} : vector<384x3xf32> to vector<384x1xf32>
    %swap3A_604 = arith.constant 0 : index
    %swap3A_605 = arith.constant 13 : index
    %swap3A_606 = vector.load %arg4[%swap3A_604, %swap3A_605] : memref<384x16xf32, #tpu.memory_space<vmem>>, vector<384x1xf32>
    tpu.vector_store %arg4[%swap3A_604, %swap3A_605], %slice3A_603 {strides = array<i32>} : memref<384x16xf32, #tpu.memory_space<vmem>>, vector<384x1xf32>,
    %get3A_607 = arith.constant 0 : index
    %get3A_608 = arith.constant 14 : index
    %get3A_609 = vector.load %arg9[%get3A_607, %get3A_608] : memref<2048x16xf32, #tpu.memory_space<vmem>>, vector<2048x1xf32>
    %get3A_610 = arith.constant 0 : index
    %get3A_611 = arith.constant 14 : index
    %get3A_612 = vector.load %arg7[%get3A_610, %get3A_611] : memref<2048x16xf32, #tpu.memory_space<vmem>>, vector<2048x1xf32>
    %get3A_613 = arith.constant 0 : index
    %get3A_614 = arith.constant 14 : index
    %get3A_615 = vector.load %arg8[%get3A_613, %get3A_614] : memref<2048x16xf32, #tpu.memory_space<vmem>>, vector<2048x1xf32>
    %gt3A_616 = arith.constant 0.000000e+00 : f32
    %gt3A_617 = vector.broadcast %gt3A_616 : f32 to vector<2048x1xf32>
    %gt3A_618 = arith.cmpf ogt, %get3A_612, %gt3A_617 : vector<2048x1xf32>
    %jit3A_619 = arith.constant 3.840000e+02 : f32
    %broadcast_in_dim3A_620 = vector.broadcast %jit3A_619 : f32 to vector<2048x1xf32>
    %select_n3A_621 = arith.select %gt3A_618, %get3A_609, %broadcast_in_dim3A_620 : vector<2048x1xi1>, vector<2048x1xf32>
    %eq3A_622 = vector.broadcast %select_n3A_621 : vector<2048x1xf32> to vector<2048x384xf32>
    %eq3A_623 = vector.broadcast %convert_element_type3A_90 : vector<1x384xf32> to vector<2048x384xf32>
    %eq3A_624 = arith.cmpf oeq, %eq3A_622, %eq3A_623 : vector<2048x384xf32>
    %convert_element_type3A_625 = arith.extui %eq3A_624 : vector<2048x384xi1> to vector<2048x384xi32>
    %convert_element_type3A_626 = arith.sitofp %convert_element_type3A_625 : vector<2048x384xi32> to vector<2048x384xf32>
    %concatenate3A_627 = tpu.concatenate %floor3A, %sub3A_88, %get3A_615 in 1 : vector<2048x1xf32>, vector<2048x1xf32>, vector<2048x1xf32> -> vector<2048x3xf32>
    %dot_general3A_628 = arith.constant dense<0.000000e+00> : vector<384x3xf32>
    %dot_general3A_629 = tpu.matmul %convert_element_type3A_626, %concatenate3A_627, %dot_general3A_628 {dimension_numbers = #tpu.dot_dimension_numbers<[0], [0], [1], [1], [0, 1, 1, 1], [], []>, transpose_lhs_hint = false} : vector<2048x384xf32>, vector<2048x3xf32>, vector<384x3xf32> -> vector<384x3xf32>
    %slice3A_630 = vector.extract_strided_slice %dot_general3A_629 {offsets = [0, 0], sizes = [384, 1], strides = [1, 1]} : vector<384x3xf32> to vector<384x1xf32>
    %mul3A_631 = arith.constant 8.000000e+00 : f32
    %mul3A_632 = vector.broadcast %mul3A_631 : f32 to vector<384x1xf32>
    %mul3A_633 = arith.mulf %mul3A_632, %slice3A_630 : vector<384x1xf32>
    %slice3A_634 = vector.extract_strided_slice %dot_general3A_629 {offsets = [0, 1], sizes = [384, 1], strides = [1, 1]} : vector<384x3xf32> to vector<384x1xf32>
    %add3A_635 = arith.addf %mul3A_633, %slice3A_634 : vector<384x1xf32>
    %convert_element_type3A_636 = arith.fptosi %add3A_635 : vector<384x1xf32> to vector<384x1xi32>
    %swap3A_637 = arith.constant 0 : index
    %swap3A_638 = arith.constant 14 : index
    %swap3A_639 = vector.load %arg3[%swap3A_637, %swap3A_638] : memref<384x16xi32, #tpu.memory_space<vmem>>, vector<384x1xi32>
    tpu.vector_store %arg3[%swap3A_637, %swap3A_638], %convert_element_type3A_636 {strides = array<i32>} : memref<384x16xi32, #tpu.memory_space<vmem>>, vector<384x1xi32>,
    %slice3A_640 = vector.extract_strided_slice %dot_general3A_629 {offsets = [0, 2], sizes = [384, 1], strides = [1, 1]} : vector<384x3xf32> to vector<384x1xf32>
    %swap3A_641 = arith.constant 0 : index
    %swap3A_642 = arith.constant 14 : index
    %swap3A_643 = vector.load %arg4[%swap3A_641, %swap3A_642] : memref<384x16xf32, #tpu.memory_space<vmem>>, vector<384x1xf32>
    tpu.vector_store %arg4[%swap3A_641, %swap3A_642], %slice3A_640 {strides = array<i32>} : memref<384x16xf32, #tpu.memory_space<vmem>>, vector<384x1xf32>,
    %get3A_644 = arith.constant 0 : index
    %get3A_645 = arith.constant 15 : index
    %get3A_646 = vector.load %arg9[%get3A_644, %get3A_645] : memref<2048x16xf32, #tpu.memory_space<vmem>>, vector<2048x1xf32>
    %get3A_647 = arith.constant 0 : index
    %get3A_648 = arith.constant 15 : index
    %get3A_649 = vector.load %arg7[%get3A_647, %get3A_648] : memref<2048x16xf32, #tpu.memory_space<vmem>>, vector<2048x1xf32>
    %get3A_650 = arith.constant 0 : index
    %get3A_651 = arith.constant 15 : index
    %get3A_652 = vector.load %arg8[%get3A_650, %get3A_651] : memref<2048x16xf32, #tpu.memory_space<vmem>>, vector<2048x1xf32>
    %gt3A_653 = arith.constant 0.000000e+00 : f32
    %gt3A_654 = vector.broadcast %gt3A_653 : f32 to vector<2048x1xf32>
    %gt3A_655 = arith.cmpf ogt, %get3A_649, %gt3A_654 : vector<2048x1xf32>
    %jit3A_656 = arith.constant 3.840000e+02 : f32
    %broadcast_in_dim3A_657 = vector.broadcast %jit3A_656 : f32 to vector<2048x1xf32>
    %select_n3A_658 = arith.select %gt3A_655, %get3A_646, %broadcast_in_dim3A_657 : vector<2048x1xi1>, vector<2048x1xf32>
    %eq3A_659 = vector.broadcast %select_n3A_658 : vector<2048x1xf32> to vector<2048x384xf32>
    %eq3A_660 = vector.broadcast %convert_element_type3A_90 : vector<1x384xf32> to vector<2048x384xf32>
    %eq3A_661 = arith.cmpf oeq, %eq3A_659, %eq3A_660 : vector<2048x384xf32>
    %convert_element_type3A_662 = arith.extui %eq3A_661 : vector<2048x384xi1> to vector<2048x384xi32>
    %convert_element_type3A_663 = arith.sitofp %convert_element_type3A_662 : vector<2048x384xi32> to vector<2048x384xf32>
    %concatenate3A_664 = tpu.concatenate %floor3A, %sub3A_88, %get3A_652 in 1 : vector<2048x1xf32>, vector<2048x1xf32>, vector<2048x1xf32> -> vector<2048x3xf32>
    %dot_general3A_665 = arith.constant dense<0.000000e+00> : vector<384x3xf32>
    %dot_general3A_666 = tpu.matmul %convert_element_type3A_663, %concatenate3A_664, %dot_general3A_665 {dimension_numbers = #tpu.dot_dimension_numbers<[0], [0], [1], [1], [0, 1, 1, 1], [], []>, transpose_lhs_hint = false} : vector<2048x384xf32>, vector<2048x3xf32>, vector<384x3xf32> -> vector<384x3xf32>
    %slice3A_667 = vector.extract_strided_slice %dot_general3A_666 {offsets = [0, 0], sizes = [384, 1], strides = [1, 1]} : vector<384x3xf32> to vector<384x1xf32>
    %mul3A_668 = arith.constant 8.000000e+00 : f32
    %mul3A_669 = vector.broadcast %mul3A_668 : f32 to vector<384x1xf32>
    %mul3A_670 = arith.mulf %mul3A_669, %slice3A_667 : vector<384x1xf32>
    %slice3A_671 = vector.extract_strided_slice %dot_general3A_666 {offsets = [0, 1], sizes = [384, 1], strides = [1, 1]} : vector<384x3xf32> to vector<384x1xf32>
    %add3A_672 = arith.addf %mul3A_670, %slice3A_671 : vector<384x1xf32>
    %convert_element_type3A_673 = arith.fptosi %add3A_672 : vector<384x1xf32> to vector<384x1xi32>
    %swap3A_674 = arith.constant 0 : index
    %swap3A_675 = arith.constant 15 : index
    %swap3A_676 = vector.load %arg3[%swap3A_674, %swap3A_675] : memref<384x16xi32, #tpu.memory_space<vmem>>, vector<384x1xi32>
    tpu.vector_store %arg3[%swap3A_674, %swap3A_675], %convert_element_type3A_673 {strides = array<i32>} : memref<384x16xi32, #tpu.memory_space<vmem>>, vector<384x1xi32>,
    %slice3A_677 = vector.extract_strided_slice %dot_general3A_666 {offsets = [0, 2], sizes = [384, 1], strides = [1, 1]} : vector<384x3xf32> to vector<384x1xf32>
    %swap3A_678 = arith.constant 0 : index
    %swap3A_679 = arith.constant 15 : index
    %swap3A_680 = vector.load %arg4[%swap3A_678, %swap3A_679] : memref<384x16xf32, #tpu.memory_space<vmem>>, vector<384x1xf32>
    tpu.vector_store %arg4[%swap3A_678, %swap3A_679], %slice3A_677 {strides = array<i32>} : memref<384x16xf32, #tpu.memory_space<vmem>>, vector<384x1xf32>,
    %get3A_681 = arith.constant 0 : index
    %get3A_682 = arith.constant 0 : index
    %get3A_683 = vector.load %arg9[%get3A_681, %get3A_682] : memref<2048x16xf32, #tpu.memory_space<vmem>>, vector<2048x16xf32>
    %gt3A_684 = arith.constant 0.000000e+00 : f32
    %gt3A_685 = vector.broadcast %gt3A_684 : f32 to vector<2048x16xf32>
    %gt3A_686 = arith.cmpf ogt, %convert_element_type3A_30, %gt3A_685 : vector<2048x16xf32>
    %jit3A_687 = arith.constant 0.000000e+00 : f32
    %broadcast_in_dim3A_688 = vector.broadcast %jit3A_687 : f32 to vector<2048x16xf32>
    %select_n3A_689 = arith.select %gt3A_686, %get3A_683, %broadcast_in_dim3A_688 : vector<2048x16xi1>, vector<2048x16xf32>
    %reduce_sum3A_690 = arith.constant dense<0.000000e+00> : vector<2048xf32>
    %reduce_sum3A_691 = vector.multi_reduction <add>, %select_n3A_689, %reduce_sum3A_690 [1] : vector<2048x16xf32> to vector<2048xf32>
    %broadcast_in_dim3A_692 = vector.shape_cast %reduce_sum3A_691 : vector<2048xf32> to vector<2048x1xf32>
    %gt3A_693 = arith.constant 0.000000e+00 : f32
    %gt3A_694 = vector.broadcast %gt3A_693 : f32 to vector<2048x16xf32>
    %gt3A_695 = arith.cmpf ogt, %convert_element_type3A_53, %gt3A_694 : vector<2048x16xf32>
    %jit3A_696 = arith.constant 0.000000e+00 : f32
    %broadcast_in_dim3A_697 = vector.broadcast %jit3A_696 : f32 to vector<2048x16xf32>
    %select_n3A_698 = arith.select %gt3A_695, %get3A_683, %broadcast_in_dim3A_697 : vector<2048x16xi1>, vector<2048x16xf32>
    %reduce_sum3A_699 = arith.constant dense<0.000000e+00> : vector<2048xf32>
    %reduce_sum3A_700 = vector.multi_reduction <add>, %select_n3A_698, %reduce_sum3A_699 [1] : vector<2048x16xf32> to vector<2048xf32>
    %broadcast_in_dim3A_701 = vector.shape_cast %reduce_sum3A_700 : vector<2048xf32> to vector<2048x1xf32>
    %lt3A = arith.constant 3.840000e+02 : f32
    %lt3A_702 = vector.broadcast %lt3A : f32 to vector<2048x1xf32>
    %lt3A_703 = arith.cmpf olt, %broadcast_in_dim3A_692, %lt3A_702 : vector<2048x1xf32>
    %lt3A_704 = arith.constant 3.840000e+02 : f32
    %lt3A_705 = vector.broadcast %lt3A_704 : f32 to vector<2048x1xf32>
    %lt3A_706 = arith.cmpf olt, %broadcast_in_dim3A_701, %lt3A_705 : vector<2048x1xf32>
    %mul3A_707 = arith.constant 3.840000e+02 : f32
    %mul3A_708 = vector.broadcast %mul3A_707 : f32 to vector<2048x1xf32>
    %mul3A_709 = arith.mulf %broadcast_in_dim3A_25, %mul3A_708 : vector<2048x1xf32>
    %add3A_710 = arith.addf %mul3A_709, %broadcast_in_dim3A_692 : vector<2048x1xf32>
    %jit3A_711 = arith.constant 0.000000e+00 : f32
    %broadcast_in_dim3A_712 = vector.broadcast %jit3A_711 : f32 to vector<2048x1xf32>
    %select_n3A_713 = arith.select %lt3A_703, %add3A_710, %broadcast_in_dim3A_712 : vector<2048x1xi1>, vector<2048x1xf32>
    %convert_element_type3A_714 = arith.fptosi %select_n3A_713 : vector<2048x1xf32> to vector<2048x1xi32>
    %swap3A_715 = arith.constant 0 : index
    %swap3A_716 = arith.constant 0 : index
    %swap3A_717 = vector.load %arg5[%swap3A_715, %swap3A_716] : memref<2048x2xi32, #tpu.memory_space<vmem>>, vector<2048x1xi32>
    tpu.vector_store %arg5[%swap3A_715, %swap3A_716], %convert_element_type3A_714 {strides = array<i32>} : memref<2048x2xi32, #tpu.memory_space<vmem>>, vector<2048x1xi32>,
    %mul3A_718 = arith.constant 3.840000e+02 : f32
    %mul3A_719 = vector.broadcast %mul3A_718 : f32 to vector<2048x1xf32>
    %mul3A_720 = arith.mulf %broadcast_in_dim3A_48, %mul3A_719 : vector<2048x1xf32>
    %add3A_721 = arith.addf %mul3A_720, %broadcast_in_dim3A_701 : vector<2048x1xf32>
    %jit3A_722 = arith.constant 0.000000e+00 : f32
    %broadcast_in_dim3A_723 = vector.broadcast %jit3A_722 : f32 to vector<2048x1xf32>
    %select_n3A_724 = arith.select %lt3A_706, %add3A_721, %broadcast_in_dim3A_723 : vector<2048x1xi1>, vector<2048x1xf32>
    %convert_element_type3A_725 = arith.fptosi %select_n3A_724 : vector<2048x1xf32> to vector<2048x1xi32>
    %swap3A_726 = arith.constant 0 : index
    %swap3A_727 = arith.constant 1 : index
    %swap3A_728 = vector.load %arg5[%swap3A_726, %swap3A_727] : memref<2048x2xi32, #tpu.memory_space<vmem>>, vector<2048x1xi32>
    tpu.vector_store %arg5[%swap3A_726, %swap3A_727], %convert_element_type3A_725 {strides = array<i32>} : memref<2048x2xi32, #tpu.memory_space<vmem>>, vector<2048x1xi32>,
    %convert_element_type3A_729 = arith.extui %lt3A_703 : vector<2048x1xi1> to vector<2048x1xi32>
    %convert_element_type3A_730 = arith.sitofp %convert_element_type3A_729 : vector<2048x1xi32> to vector<2048x1xf32>
    %swap3A_731 = arith.constant 0 : index
    %swap3A_732 = arith.constant 0 : index
    %swap3A_733 = vector.load %arg6[%swap3A_731, %swap3A_732] : memref<2048x2xf32, #tpu.memory_space<vmem>>, vector<2048x1xf32>
    tpu.vector_store %arg6[%swap3A_731, %swap3A_732], %convert_element_type3A_730 {strides = array<i32>} : memref<2048x2xf32, #tpu.memory_space<vmem>>, vector<2048x1xf32>,
    %convert_element_type3A_734 = arith.extui %lt3A_706 : vector<2048x1xi1> to vector<2048x1xi32>
    %convert_element_type3A_735 = arith.sitofp %convert_element_type3A_734 : vector<2048x1xi32> to vector<2048x1xf32>
    %swap3A_736 = arith.constant 0 : index
    %swap3A_737 = arith.constant 1 : index
    %swap3A_738 = vector.load %arg6[%swap3A_736, %swap3A_737] : memref<2048x2xf32, #tpu.memory_space<vmem>>, vector<2048x1xf32>
    tpu.vector_store %arg6[%swap3A_736, %swap3A_737], %convert_element_type3A_735 {strides = array<i32>} : memref<2048x2xf32, #tpu.memory_space<vmem>>, vector<2048x1xf32>,
    return
  }
}

module attributes {stable_mosaic.version = 14 : i64} {
  func.func @_ffn_body(%arg0: i32, %arg1: i32, %arg2: memref<384x1024xf32, #tpu.memory_space<vmem>>, %arg3: memref<1x1024x1024xf32, #tpu.memory_space<vmem>>, %arg4: memref<1x1x1024xf32, #tpu.memory_space<vmem>>, %arg5: memref<1x1024x1024xf32, #tpu.memory_space<vmem>>, %arg6: memref<1x1x1024xf32, #tpu.memory_space<vmem>>, %arg7: memref<384x1xf32, #tpu.memory_space<vmem>>, %arg8: memref<384x1024xf32, #tpu.memory_space<vmem>>) attributes {dimension_semantics = [#tpu.dimension_semantics<arbitrary>, #tpu.dimension_semantics<arbitrary>], iteration_bounds = array<i64: 16, 2>, scalar_prefetch = 0 : i64, scratch_operands = 0 : i64, tpu.core_type = #tpu.core_type<tc>, window_params = [{transform_indices = @transform_0, window_bounds = array<i64: 384, 1024>}, {transform_indices = @transform_1, window_bounds = array<i64: 1, 1024, 1024>}, {transform_indices = @transform_2, window_bounds = array<i64: 1, 1, 1024>}, {transform_indices = @transform_3, window_bounds = array<i64: 1, 1024, 1024>}, {transform_indices = @transform_4, window_bounds = array<i64: 1, 1, 1024>}, {transform_indices = @transform_5, window_bounds = array<i64: 384, 1>}, {transform_indices = @transform_6, window_bounds = array<i64: 384, 1024>}]} {
    %get3A = arith.constant 0 : index
    %get3A_0 = arith.constant 0 : index
    %get3A_1 = vector.load %arg2[%get3A, %get3A_0] : memref<384x1024xf32, #tpu.memory_space<vmem>>, vector<384x1024xf32>
    %get3A_2 = arith.constant 0 : index
    %get3A_3 = arith.constant 0 : index
    %get3A_4 = arith.constant 0 : index
    %get3A_5 = vector.load %arg3[%get3A_2, %get3A_3, %get3A_4] : memref<1x1024x1024xf32, #tpu.memory_space<vmem>>, vector<1x1024x1024xf32>
    %get3A_6 = vector.shape_cast %get3A_5 : vector<1x1024x1024xf32> to vector<1024x1024xf32>
    %dot_general3A = arith.constant dense<0.000000e+00> : vector<384x1024xf32>
    %dot_general3A_7 = tpu.matmul %get3A_1, %get3A_6, %dot_general3A {dimension_numbers = #tpu.dot_dimension_numbers<[1], [0], [0], [1], [0, 0, 1, 1], [], []>, transpose_lhs_hint = false} : vector<384x1024xf32>, vector<1024x1024xf32>, vector<384x1024xf32> -> vector<384x1024xf32>
    %get3A_8 = arith.constant 0 : index
    %get3A_9 = arith.constant 0 : index
    %get3A_10 = arith.constant 0 : index
    %get3A_11 = vector.load %arg4[%get3A_8, %get3A_9, %get3A_10] : memref<1x1x1024xf32, #tpu.memory_space<vmem>>, vector<1x1x1024xf32>
    %get3A_12 = vector.shape_cast %get3A_11 : vector<1x1x1024xf32> to vector<1x1024xf32>
    %add3A = vector.broadcast %get3A_12 : vector<1x1024xf32> to vector<384x1024xf32>
    %add3A_13 = arith.addf %dot_general3A_7, %add3A : vector<384x1024xf32>
    %integer_pow3A = arith.mulf %add3A_13, %add3A_13 : vector<384x1024xf32>
    %integer_pow3A_14 = arith.mulf %add3A_13, %integer_pow3A : vector<384x1024xf32>
    %mul3A = arith.constant 4.471500e-02 : f32
    %mul3A_15 = vector.broadcast %mul3A : f32 to vector<384x1024xf32>
    %mul3A_16 = arith.mulf %mul3A_15, %integer_pow3A_14 : vector<384x1024xf32>
    %add3A_17 = arith.addf %add3A_13, %mul3A_16 : vector<384x1024xf32>
    %mul3A_18 = arith.constant 0.797884583 : f32
    %mul3A_19 = vector.broadcast %mul3A_18 : f32 to vector<384x1024xf32>
    %mul3A_20 = arith.mulf %mul3A_19, %add3A_17 : vector<384x1024xf32>
    %tanh3A = math.tanh %mul3A_20 : vector<384x1024xf32>
    %add3A_21 = arith.constant 1.000000e+00 : f32
    %add3A_22 = vector.broadcast %add3A_21 : f32 to vector<384x1024xf32>
    %add3A_23 = arith.addf %add3A_22, %tanh3A : vector<384x1024xf32>
    %mul3A_24 = arith.constant 5.000000e-01 : f32
    %mul3A_25 = vector.broadcast %mul3A_24 : f32 to vector<384x1024xf32>
    %mul3A_26 = arith.mulf %mul3A_25, %add3A_23 : vector<384x1024xf32>
    %mul3A_27 = arith.mulf %add3A_13, %mul3A_26 : vector<384x1024xf32>
    %get3A_28 = arith.constant 0 : index
    %get3A_29 = arith.constant 0 : index
    %get3A_30 = arith.constant 0 : index
    %get3A_31 = vector.load %arg5[%get3A_28, %get3A_29, %get3A_30] : memref<1x1024x1024xf32, #tpu.memory_space<vmem>>, vector<1x1024x1024xf32>
    %get3A_32 = vector.shape_cast %get3A_31 : vector<1x1024x1024xf32> to vector<1024x1024xf32>
    %dot_general3A_33 = arith.constant dense<0.000000e+00> : vector<384x1024xf32>
    %dot_general3A_34 = tpu.matmul %mul3A_27, %get3A_32, %dot_general3A_33 {dimension_numbers = #tpu.dot_dimension_numbers<[1], [0], [0], [1], [0, 0, 1, 1], [], []>, transpose_lhs_hint = false} : vector<384x1024xf32>, vector<1024x1024xf32>, vector<384x1024xf32> -> vector<384x1024xf32>
    %eq3A = arith.constant 0 : i32
    %eq3A_35 = arith.cmpi eq, %arg1, %eq3A : i32
    %convert_element_type3A = arith.extui %eq3A_35 : i1 to i32
    %cond3A = arith.constant 0 : i32
    %cond3A_36 = arith.cmpi ne, %convert_element_type3A, %cond3A : i32
    scf.if %cond3A_36 {
      %swap3A = arith.constant 0 : index
      %swap3A_46 = arith.constant 0 : index
      %swap3A_47 = vector.load %arg8[%swap3A, %swap3A_46] : memref<384x1024xf32, #tpu.memory_space<vmem>>, vector<384x1024xf32>
      tpu.vector_store %arg8[%swap3A, %swap3A_46], %dot_general3A_34 {strides = array<i32>} : memref<384x1024xf32, #tpu.memory_space<vmem>>, vector<384x1024xf32>,
    } else {
    }
    %gt3A = arith.constant 0 : i32
    %gt3A_37 = arith.cmpi sgt, %arg1, %gt3A : i32
    %convert_element_type3A_38 = arith.extui %gt3A_37 : i1 to i32
    %cond3A_39 = arith.constant 0 : i32
    %cond3A_40 = arith.cmpi ne, %convert_element_type3A_38, %cond3A_39 : i32
    scf.if %cond3A_40 {
      %get3A_46 = arith.constant 0 : index
      %get3A_47 = arith.constant 0 : index
      %get3A_48 = vector.load %arg8[%get3A_46, %get3A_47] : memref<384x1024xf32, #tpu.memory_space<vmem>>, vector<384x1024xf32>
      %add3A_49 = arith.addf %get3A_48, %dot_general3A_34 : vector<384x1024xf32>
      %swap3A = arith.constant 0 : index
      %swap3A_50 = arith.constant 0 : index
      %swap3A_51 = vector.load %arg8[%swap3A, %swap3A_50] : memref<384x1024xf32, #tpu.memory_space<vmem>>, vector<384x1024xf32>
      tpu.vector_store %arg8[%swap3A, %swap3A_50], %add3A_49 {strides = array<i32>} : memref<384x1024xf32, #tpu.memory_space<vmem>>, vector<384x1024xf32>,
    } else {
    }
    %eq3A_41 = arith.constant 1 : i32
    %eq3A_42 = arith.cmpi eq, %arg1, %eq3A_41 : i32
    %convert_element_type3A_43 = arith.extui %eq3A_42 : i1 to i32
    %cond3A_44 = arith.constant 0 : i32
    %cond3A_45 = arith.cmpi ne, %convert_element_type3A_43, %cond3A_44 : i32
    scf.if %cond3A_45 {
      %get3A_46 = arith.constant 0 : index
      %get3A_47 = arith.constant 0 : index
      %get3A_48 = vector.load %arg8[%get3A_46, %get3A_47] : memref<384x1024xf32, #tpu.memory_space<vmem>>, vector<384x1024xf32>
      %get3A_49 = arith.constant 0 : index
      %get3A_50 = arith.constant 0 : index
      %get3A_51 = arith.constant 0 : index
      %get3A_52 = vector.load %arg6[%get3A_49, %get3A_50, %get3A_51] : memref<1x1x1024xf32, #tpu.memory_space<vmem>>, vector<1x1x1024xf32>
      %get3A_53 = vector.shape_cast %get3A_52 : vector<1x1x1024xf32> to vector<1x1024xf32>
      %add3A_54 = vector.broadcast %get3A_53 : vector<1x1024xf32> to vector<384x1024xf32>
      %add3A_55 = arith.addf %get3A_48, %add3A_54 : vector<384x1024xf32>
      %get3A_56 = arith.constant 0 : index
      %get3A_57 = arith.constant 0 : index
      %get3A_58 = vector.load %arg7[%get3A_56, %get3A_57] : memref<384x1xf32, #tpu.memory_space<vmem>>, vector<384x1xf32>
      %mul3A_59 = vector.broadcast %get3A_58 : vector<384x1xf32> to vector<384x1024xf32>
      %mul3A_60 = arith.mulf %add3A_55, %mul3A_59 : vector<384x1024xf32>
      %swap3A = arith.constant 0 : index
      %swap3A_61 = arith.constant 0 : index
      %swap3A_62 = vector.load %arg8[%swap3A, %swap3A_61] : memref<384x1024xf32, #tpu.memory_space<vmem>>, vector<384x1024xf32>
      tpu.vector_store %arg8[%swap3A, %swap3A_61], %mul3A_60 {strides = array<i32>} : memref<384x1024xf32, #tpu.memory_space<vmem>>, vector<384x1024xf32>,
    } else {
    }
    return
  }
  func.func @transform_0(%arg0: i32, %arg1: i32) -> (i32, i32) {
    %c0_i32 = arith.constant 0 : i32
    %c0_i32_0 = arith.constant 0 : i32
    return %arg0, %c0_i32 : i32, i32
  }
  func.func @transform_1(%arg0: i32, %arg1: i32) -> (i32, i32, i32) {
    %c0_i32 = arith.constant 0 : i32
    %c0_i32_0 = arith.constant 0 : i32
    return %arg0, %c0_i32, %arg1 : i32, i32, i32
  }
  func.func @transform_2(%arg0: i32, %arg1: i32) -> (i32, i32, i32) {
    %c0_i32 = arith.constant 0 : i32
    %c0_i32_0 = arith.constant 0 : i32
    return %arg0, %c0_i32, %arg1 : i32, i32, i32
  }
  func.func @transform_3(%arg0: i32, %arg1: i32) -> (i32, i32, i32) {
    %c0_i32 = arith.constant 0 : i32
    %c0_i32_0 = arith.constant 0 : i32
    return %arg0, %arg1, %c0_i32 : i32, i32, i32
  }
  func.func @transform_4(%arg0: i32, %arg1: i32) -> (i32, i32, i32) {
    %c0_i32 = arith.constant 0 : i32
    %c0_i32_0 = arith.constant 0 : i32
    %c0_i32_1 = arith.constant 0 : i32
    return %arg0, %c0_i32, %c0_i32_0 : i32, i32, i32
  }
  func.func @transform_5(%arg0: i32, %arg1: i32) -> (i32, i32) {
    %c0_i32 = arith.constant 0 : i32
    %c0_i32_0 = arith.constant 0 : i32
    return %arg0, %c0_i32 : i32, i32
  }
  func.func @transform_6(%arg0: i32, %arg1: i32) -> (i32, i32) {
    %c0_i32 = arith.constant 0 : i32
    %c0_i32_0 = arith.constant 0 : i32
    return %arg0, %c0_i32 : i32, i32
  }
}

module attributes {stable_mosaic.version = 14 : i64} {
  func.func @_head_body(%arg0: i32, %arg1: memref<512x1024xf32, #tpu.memory_space<vmem>>, %arg2: memref<512x1024xf32, #tpu.memory_space<vmem>>, %arg3: memref<512x1024xf32, #tpu.memory_space<vmem>>, %arg4: memref<512x2xf32, #tpu.memory_space<vmem>>, %arg5: memref<1024x64xf32, #tpu.memory_space<vmem>>, %arg6: memref<1x64xf32, #tpu.memory_space<vmem>>, %arg7: memref<512x64xf32, #tpu.memory_space<vmem>>) attributes {dimension_semantics = [#tpu.dimension_semantics<arbitrary>], iteration_bounds = array<i64: 4>, scalar_prefetch = 0 : i64, scratch_operands = 0 : i64, tpu.core_type = #tpu.core_type<tc>, window_params = [{transform_indices = @transform_0, window_bounds = array<i64: 512, 1024>}, {transform_indices = @transform_1, window_bounds = array<i64: 512, 1024>}, {transform_indices = @transform_2, window_bounds = array<i64: 512, 1024>}, {transform_indices = @transform_3, window_bounds = array<i64: 512, 2>}, {pipeline_mode = #tpu.pipeline_mode<synchronous>, transform_indices = @transform_4, window_bounds = array<i64: 1024, 64>}, {pipeline_mode = #tpu.pipeline_mode<synchronous>, transform_indices = @transform_5, window_bounds = array<i64: 1, 64>}, {transform_indices = @transform_6, window_bounds = array<i64: 512, 64>}]} {
    %get3A = arith.constant 0 : index
    %get3A_0 = arith.constant 0 : index
    %get3A_1 = vector.load %arg4[%get3A, %get3A_0] : memref<512x2xf32, #tpu.memory_space<vmem>>, vector<512x2xf32>
    %get3A_2 = arith.constant 0 : index
    %get3A_3 = arith.constant 0 : index
    %get3A_4 = vector.load %arg1[%get3A_2, %get3A_3] : memref<512x1024xf32, #tpu.memory_space<vmem>>, vector<512x1024xf32>
    %get3A_5 = arith.constant 0 : index
    %get3A_6 = arith.constant 0 : index
    %get3A_7 = vector.load %arg2[%get3A_5, %get3A_6] : memref<512x1024xf32, #tpu.memory_space<vmem>>, vector<512x1024xf32>
    %slice3A = vector.extract_strided_slice %get3A_1 {offsets = [0, 0], sizes = [512, 1], strides = [1, 1]} : vector<512x2xf32> to vector<512x1xf32>
    %mul3A = vector.broadcast %slice3A : vector<512x1xf32> to vector<512x1024xf32>
    %mul3A_8 = arith.mulf %get3A_7, %mul3A : vector<512x1024xf32>
    %add3A = arith.addf %get3A_4, %mul3A_8 : vector<512x1024xf32>
    %get3A_9 = arith.constant 0 : index
    %get3A_10 = arith.constant 0 : index
    %get3A_11 = vector.load %arg3[%get3A_9, %get3A_10] : memref<512x1024xf32, #tpu.memory_space<vmem>>, vector<512x1024xf32>
    %slice3A_12 = vector.extract_strided_slice %get3A_1 {offsets = [0, 1], sizes = [512, 1], strides = [1, 1]} : vector<512x2xf32> to vector<512x1xf32>
    %mul3A_13 = vector.broadcast %slice3A_12 : vector<512x1xf32> to vector<512x1024xf32>
    %mul3A_14 = arith.mulf %get3A_11, %mul3A_13 : vector<512x1024xf32>
    %add3A_15 = arith.addf %add3A, %mul3A_14 : vector<512x1024xf32>
    %get3A_16 = arith.constant 0 : index
    %get3A_17 = arith.constant 0 : index
    %get3A_18 = vector.load %arg5[%get3A_16, %get3A_17] : memref<1024x64xf32, #tpu.memory_space<vmem>>, vector<1024x64xf32>
    %dot_general3A = arith.constant dense<0.000000e+00> : vector<512x64xf32>
    %dot_general3A_19 = tpu.matmul %add3A_15, %get3A_18, %dot_general3A {dimension_numbers = #tpu.dot_dimension_numbers<[1], [0], [0], [1], [0, 0, 1, 1], [], []>, transpose_lhs_hint = false} : vector<512x1024xf32>, vector<1024x64xf32>, vector<512x64xf32> -> vector<512x64xf32>
    %get3A_20 = arith.constant 0 : index
    %get3A_21 = arith.constant 0 : index
    %get3A_22 = vector.load %arg6[%get3A_20, %get3A_21] : memref<1x64xf32, #tpu.memory_space<vmem>>, vector<1x64xf32>
    %add3A_23 = vector.broadcast %get3A_22 : vector<1x64xf32> to vector<512x64xf32>
    %add3A_24 = arith.addf %dot_general3A_19, %add3A_23 : vector<512x64xf32>
    %swap3A = arith.constant 0 : index
    %swap3A_25 = arith.constant 0 : index
    %swap3A_26 = vector.load %arg7[%swap3A, %swap3A_25] : memref<512x64xf32, #tpu.memory_space<vmem>>, vector<512x64xf32>
    tpu.vector_store %arg7[%swap3A, %swap3A_25], %add3A_24 {strides = array<i32>} : memref<512x64xf32, #tpu.memory_space<vmem>>, vector<512x64xf32>,
    return
  }
  func.func @transform_0(%arg0: i32) -> (i32, i32) {
    %c0_i32 = arith.constant 0 : i32
    %c0_i32_0 = arith.constant 0 : i32
    return %arg0, %c0_i32 : i32, i32
  }
  func.func @transform_1(%arg0: i32) -> (i32, i32) {
    %c0_i32 = arith.constant 0 : i32
    %c0_i32_0 = arith.constant 0 : i32
    return %arg0, %c0_i32 : i32, i32
  }
  func.func @transform_2(%arg0: i32) -> (i32, i32) {
    %add3A = arith.constant 4 : i32
    %add3A_0 = arith.addi %arg0, %add3A : i32
    %c0_i32 = arith.constant 0 : i32
    %c0_i32_1 = arith.constant 0 : i32
    return %add3A_0, %c0_i32 : i32, i32
  }
  func.func @transform_3(%arg0: i32) -> (i32, i32) {
    %c0_i32 = arith.constant 0 : i32
    %c0_i32_0 = arith.constant 0 : i32
    return %arg0, %c0_i32 : i32, i32
  }
  func.func @transform_4(%arg0: i32) -> (i32, i32) {
    %c0_i32 = arith.constant 0 : i32
    %c0_i32_0 = arith.constant 0 : i32
    %c0_i32_1 = arith.constant 0 : i32
    return %c0_i32, %c0_i32_0 : i32, i32
  }
  func.func @transform_5(%arg0: i32) -> (i32, i32) {
    %c0_i32 = arith.constant 0 : i32
    %c0_i32_0 = arith.constant 0 : i32
    %c0_i32_1 = arith.constant 0 : i32
    return %c0_i32, %c0_i32_0 : i32, i32
  }
  func.func @transform_6(%arg0: i32) -> (i32, i32) {
    %c0_i32 = arith.constant 0 : i32
    %c0_i32_0 = arith.constant 0 : i32
    return %arg0, %c0_i32 : i32, i32
  }
}

</mosaic_0001>

<sc_bundles>
// kernel: kernel.11.cloned.1.call-start
scs
__scs_entry_jumppad:
0x0: {  	(pc) =	sbr.rel $0x88, $3  }
0x1: {  	(tag) =	ssettag $0x0;
	lr =	simm.s32 $0x1  }
0x2: {  	[smem:$0x3F97] =	sst lr;
	_ =	strace $0xD0000000  }
0x3: {  	_ = 	snop  }
0x4: {  	_ = 	snop  }
0x5: {  	_ = 	snop  }
0x6: {  	_ = 	snop  }
0x7: {  	_ = 	snop  }
__scs_overlays_trampoline_lowered:
0x8: {  	[smem:$0x3FA6] =	sst s0  }
0x9: {  	[smem:$0x3FA7] =	sst s1  }
0xa: {  	[smem:$0x3FA8] =	sst s2  }
0xb: {  	[smem:$0x3FA9] =	sst s3  }
0xc: {  	[smem:$0x3FAA] =	sst s4  }
0xd: {  	[smem:$0x3FAB] =	sst s5  }
0xe: {  	[smem:$0x3FAC] =	sst s6  }
0xf: {  	[smem:$0x3FAD] =	sst s7  }
0x10: {  	[smem:$0x3FAE] =	sst s8  }
0x11: {  	[smem:$0x3FAF] =	sst s9;
	s0 =	simm.s32 @!p0 $0x0  }
0x12: {  	s1 =	sld [smem:$0x3F95];
	s0 =	simm.s32 @p0 $0x1  }
0x13: {  	[smem:$0x3FB0] =	sst s0;
	s0 =	simm.s32 @!p1 $0x0  }
0x14: {  	s2 =	sld [smem:$0x3F94];
	s0 =	simm.s32 @p1 $0x1  }
0x15: {  	[smem:$0x3FB1] =	sst s0;
	s0 =	simm.s32 @!p2 $0x0  }
0x16: {  	s3 =	sld [smem:$0x3FDB];
	s0 =	simm.s32 @p2 $0x1  }
0x17: {  	s4 =	simm.s32 $0x1BF5;
	[smem:$0x3FB3] =	sst s0  }
0x18: {  	s0 =	sld [smem:$0x3F96];
	_ =	swait.ge [sflag:s4], $0x0  }
0x19: {  	s7 =	sld [smem:$0x3F97]  }
0x1a: {  	s8 =	sadd.s32 $0xFFFFE003, lr  }
0x1b: {  	s9 =	sadd.s32 $0xFFFFFEF7, lr;
	s5 =	simm.s32 $0xFFFFFFFF;
	p2 =	slt.u32 s8, $0xFFFFF086  }
0x1c: {  	p1 =	slt.u32 s9, $0xF7A;
	s5 =	simm.s32 @!p2 $0x0  }
0x1d: {  	s5 =	simm.s32 @p1 $0x1;
	p0 =	seq.s32 s7, s2  }
0x1e: {  	s7 =	smul.u32 @!p0 $0xF7A, s2;
	p2 =	seq.s32 @!p0 s5, $0x0  }
0x1f: {  	s9 =	smul.u32 $0xF7A, s1;
	s8 =	simm.s32 @!p0 $0x1BF5;
	p2 =	por !p2, p0  }
0x20: {  	[sflag:s8] =	ssyncset.s32 @!p0 $0xFFFFF086;
	s6 =	sadd.s32 @!p0 s3, s7;
	s7 =	simm.s32 @!p0 $0x108  }
0x21: {  	s3 =	sadd.s32 s3, s9;
	s6 =	sadd.s32 @!p0 $0x88, s6;
	s7 =	simm.s32 @p2 $0x1082  }
0x22: {  	[simem:s7], [sflag:s8] =	dma.local @!p0 [hbm:s6], $0xF7A  }
0x23: {  	s9 =	sor.u32 $0xD0000000, s2;
	s6 =	simm.s32 $0x108;
	_ =	swait.ge @!p0 [sflag:s8], $0x0  }
0x24: {  	s3 =	sadd.s32 $0x88, s3;
	s6 =	simm.s32 @!p1 $0x1082;
	[sflag:s4] =	ssyncset.s32 $0xFFFFF086  }
0x25: {  	[simem:s6], [sflag:s4] =	dma.local [hbm:s3], $0xF7A  }
0x26: {  	[smem:$0x3F97] =	sst s1;
	(tag) =	ssettag s2;
	_ =	strace s9  }
0x27: {  	s1 =	sld [smem:$0x3FA7]  }
0x28: {  	s2 =	sld [smem:$0x3FA8]  }
0x29: {  	s4 =	sld [smem:$0x3FAA]  }
0x2a: {  	p0 =	seq.s32 s5, $0x0;
	s5 =	sld [smem:$0x3FAB]  }
0x2b: {  	s6 =	sld [smem:$0x3FAC]  }
0x2c: {  	s7 =	sld [smem:$0x3FAD]  }
0x2d: {  	s3 =	simm.s32 $0x108;
	s8 =	sld [smem:$0x3FAE]  }
0x2e: {  	s3 =	simm.s32 @!p0 $0x1082;
	s9 =	sld [smem:$0x3FAF]  }
0x2f: {  	lr =	sadd.s32 s0, s3;
	s0 =	sld [smem:$0x3FA6]  }
0x30: {  	s3 =	sld [smem:$0x3FA9]  }
0x31: {  	[smem:$0x3FB2] =	sst s10  }
0x32: {  	s10 =	sld [smem:$0x3FB0];
	_ =	sdelay $0x3  }
0x33: {  	p0 =	seq.s32 s10, $0x1;
	s10 =	sld [smem:$0x3FB2];
	_ =	sdelay $0x3  }
0x34: {  	[smem:$0x3FB2] =	sst s10  }
0x35: {  	s10 =	sld [smem:$0x3FB1];
	_ =	sdelay $0x3  }
0x36: {  	p1 =	seq.s32 s10, $0x1;
	s10 =	sld [smem:$0x3FB2];
	_ =	sdelay $0x3  }
0x37: {  	[smem:$0x3FB2] =	sst s10  }
0x38: {  	s10 =	sld [smem:$0x3FB3]  }
0x39: {  	_ = 	snop;
	(pc) =	sbr.ind lr, $3  }
0x3a: {  	_ = 	snop  }
0x3b: {  	_ = 	snop  }
0x3c: {  	p2 =	seq.s32 s10, $0x1;
	s10 =	sld [smem:$0x3FB2]  }
0x3d: {  	_ =	shalt  }
0x3e: {  	_ =	shalt  }
0x3f: {  	_ =	shalt  }
0x40: {  	_ =	shalt  }
0x41: {  	_ =	shalt  }
0x42: {  	_ =	shalt  }
0x43: {  	_ =	shalt  }
0x44: {  	_ =	shalt  }
0x45: {  	_ =	shalt  }
0x46: {  	_ =	shalt  }
0x47: {  	_ =	shalt  }
0x48: {  	_ =	shalt  }
0x49: {  	_ =	shalt  }
0x4a: {  	_ =	shalt  }
0x4b: {  	_ =	shalt  }
0x4c: {  	_ =	shalt  }
0x4d: {  	_ =	shalt  }
0x4e: {  	_ =	shalt  }
0x4f: {  	_ =	shalt  }
0x50: {  	_ =	shalt  }
0x51: {  	_ =	shalt  }
0x52: {  	_ =	shalt  }
0x53: {  	_ =	shalt  }
0x54: {  	_ =	shalt  }
0x55: {  	_ =	shalt  }
0x56: {  	_ =	shalt  }
0x57: {  	_ =	shalt  }
0x58: {  	_ =	shalt  }
0x59: {  	_ =	shalt  }
0x5a: {  	_ =	shalt  }
0x5b: {  	_ =	shalt  }
0x5c: {  	_ =	shalt  }
0x5d: {  	_ =	shalt  }
0x5e: {  	_ =	shalt  }
0x5f: {  	_ =	shalt  }
0x60: {  	_ =	shalt  }
0x61: {  	_ =	shalt  }
0x62: {  	_ =	shalt  }
0x63: {  	_ =	shalt  }
0x64: {  	_ =	shalt  }
0x65: {  	_ =	shalt  }
0x66: {  	_ =	shalt  }
0x67: {  	_ =	shalt  }
0x68: {  	_ =	shalt  }
0x69: {  	_ =	shalt  }
0x6a: {  	_ =	shalt  }
0x6b: {  	_ =	shalt  }
0x6c: {  	_ =	shalt  }
0x6d: {  	_ =	shalt  }
0x6e: {  	_ =	shalt  }
0x6f: {  	_ =	shalt  }
0x70: {  	_ =	shalt  }
0x71: {  	_ =	shalt  }
0x72: {  	_ =	shalt  }
0x73: {  	_ =	shalt  }
0x74: {  	_ =	shalt  }
0x75: {  	_ =	shalt  }
0x76: {  	_ =	shalt  }
0x77: {  	_ =	shalt  }
0x78: {  	_ =	shalt  }
0x79: {  	_ =	shalt  }
0x7a: {  	_ =	shalt  }
0x7b: {  	_ =	shalt  }
0x7c: {  	_ =	shalt  }
0x7d: {  	_ =	shalt  }
0x7e: {  	_ =	shalt  }
0x7f: {  	_ =	shalt  }
0x80: {  	_ =	shalt  }
0x81: {  	_ =	shalt  }
0x82: {  	_ =	shalt  }
0x83: {  	_ =	shalt  }
0x84: {  	_ =	shalt  }
0x85: {  	_ =	shalt  }
0x86: {  	_ =	shalt  }
0x87: {  	_ =	shalt  }
.Lfunc_end0:
.L_simem_size_0:
called_computation.1_lowered:
.L_overlay_start_0:
0x88: {  	s2 =	sld [smem:$0x3FD9]  }
0x89: {  	s3 =	sld [smem:$0x3FFE];
	_ =	sdelay $0x1  }
0x8a: {  	s1 =	srdreg.scid  }
0x8b: {  	s0 =	sand.u32 $0x1, s1  }
0x8c: {  	s17 =	sshll.u32 s0, $0xA;
	s2 =	sadd.s32 s3, s2  }
0x8d: {  	s2 =	sadd.s32 s2, s17  }
0x8e: {  	[smem:$0x3FBE] =	sst s2  }
0x8f: {  	_ = 	snop  }
0x90: {  	s2 =	sld [smem:$0x3FD0];
	(tm) =	ssettm $0x1  }
0x91: {  	s18 =	sld [smem:$0x3FFB];
	_ =	sdelay $0x3  }
0x92: {  	_ =	strace s18  }
0x93: {  	s3 =	sld [smem:$0x3FFC];
	_ =	sdelay $0x3  }
0x94: {  	_ =	strace s3  }
0x95: {  	s3 =	sld [smem:$0x3FFD];
	_ =	sdelay $0x3  }
0x96: {  	_ =	strace s3  }
0x97: {  	_ =	strace $0x8FFFFFFF  }
0x98: {  	s19 =	sld [smem:$0x3FDB];
	_ =	sdelay $0x1  }
0x99: {  	s4 =	simm.s32 $_scs_section_size  }
0x9a: {  	s5 =	simm.s32 $_size__tile_overlayer_lowered;
	s6 =	simm.s32 $_tile_overlayer_lowered  }
0x9b: {  	s22 =	simm.s32 $0x1BFF;
	s21 =	sshll.u32 s6, $0x1;
	s3 =	sadd.s32 s4, s19  }
0x9c: {  	s7 =	simm.s32 $0x0;
	s20 =	sshll.u32 s5, $0x1;
	s5 =	sadd.s32 s21, s3  }
0x9d: {  	[timem:s7], [sflag:s22] =	dma.local [hbm:s5], s20  }
0x9e: {  	_ =	swait.ge [sflag:s22], s20  }
0x9f: {  	s4 =	ssub.s32 $0x0, s20;
	[sflag:s22] =	ssyncset.done $0x0  }
0xa0: {  	[sflag:s22] =	ssyncadd.s32 s4;
	_ =	sdelay $0x1  }
0xa1: {  	s23 =	simm.s32 $0x1B8B  }
0xa2: {  	_ =	swait.ge [sflag:s23], $0x1  }
0xa3: {  	[sflag:s23] =	ssyncset.done $0x0  }
0xa4: {  	s25 =	simm.s32 $0x1B8E;
	s24 =	sld [smem:$0x3FFE];
	[sflag:s23] =	ssyncadd.s32 $0xFFFFFFFF  }
0xa5: {  	s26 =	simm.s32 $execute0_lowered;
	[smem:$0x3FD2] =	sst s25  }
0xa6: {  	s5 =	sshll.u32 s26, $0x1;
	_ =	strace $0x80000049;
	[dreg:$0x1] =	wrdreg $0xFFFFFFFF  }
0xa7: {  	s28 =	simm.s32 $_size_execute0_lowered;
	s3 =	sadd.s32 s3, s5;
	[dreg:$0x0] =	wrdreg $0x0  }
0xa8: {  	s5 =	sshll.u32 s28, $0x1;
	[dreg:$0x2] =	wrdreg s3  }
0xa9: {  	[dreg:$0x3] =	wrdreg s5  }
0xaa: {  	[dreg:$0x4] =	wrdreg $0xC0  }
0xab: {  	_ =	task [dreg:s7], $0x5FFFF  }
0xac: {  	[dreg:$0x1] =	wrdreg $0xFFFFFFFF  }
0xad: {  	[dreg:$0x0] =	wrdreg $0x60  }
0xae: {  	[dreg:$0x2] =	wrdreg s24  }
0xaf: {  	[dreg:$0x3] =	wrdreg s2  }
0xb0: {  	[dreg:$0x4] =	wrdreg $0x9  }
0xb1: {  	_ =	task.clear_ibuf [dreg:s7], $0x5FFFF;
	_ =	strace $0x90000049  }
0xb2: {  	s29 =	simm.s32 $0x9;
	_ =	strace $0x8000004B  }
0xb3: {  	_ =	swait.ge [sflag:s29], $0x1  }
0xb4: {  	[sflag:s29] =	ssyncadd.s32 $0xFFFFFFFF  }
0xb5: {  	_ =	strace $0x9000004B  }
0xb6: {  	_ =	sfence  }
0xb7: {  	s30 =	sld [smem:$0x0];
	_ =	sdelay $0x2  }
0xb8: {  	s31 =	sshll.u32 s1, $0xD;
	s1 =	sshrl.u32 s1, $0x2  }
0xb9: {  	s3 =	sand.u32 $0x4000, s31;
	s1 =	sadd.s32 s1, s30  }
0xba: {  	s0 =	sor.u32 s3, s0;
	s1 =	sshll.u32 s1, $0x11  }
0xbb: {  	s0 =	sor.u32 s1, s0  }
0xbc: {  	s0 =	sadd.s32 $0x8F2B, s0  }
0xbd: {  	[sflag:s0] =	ssyncadd.remote.s32 $0x1  }
0xbe: {  	_ =	sfence.sel $0xFFFF  }
0xbf: {  	[dreg:$0x0] =	wrdreg $0xFFFFFFFF;
	(pc) =	sbr.abs _section_cstart, $3  }
0xc0: {  	[dreg:$0x1] =	wrdreg $0xFFFFFFFF  }
0xc1: {  	_ =	task.clear_ibuf [dreg:s7], $0x2FFFF;
	_ =	strace $0x9FFFFFFF  }
0xc2: {  	(tm) =	ssettm $0x7FFFFFFF  }
0xc3: {  	_ =	shalt  }
tec
execute0_lowered:
.L_overlay_start_1:
0x0: {  	(tag) =	ssettag $0x1  }
0x1: {  	s0 =	rddreg [dreg:$0x0]  }
0x2: {  	s1 =	rddreg [dreg:$0x1]  }
0x3: {  	s3 =	srdreg.scid;
	s5 =	stileid.u32;
	s2 =	simm.s32 $0x0  }
0x4: {  	s11 =	simm.s32 $0x1;
	s13 =	simm.s32 $0x880;
	s14 =	simm.s32 $0x1080  }
0x5: {  	s15 =	simm.s32 $0x1880;
	s16 =	simm.s32 $0x2080;
	s17 =	simm.s32 $0x2880  }
0x6: {  	s18 =	simm.s32 $0x3080;
	s19 =	simm.s32 $0x3880;
	s20 =	simm.s32 $0x4080  }
0x7: {  	s28 =	simm.s32 $0x7880;
	s29 =	simm.s32 $0x8080;
	s30 =	simm.s32 $0x8880  }
0x8: {  	s31 =	simm.s32 $0x9080;
	s10 =	simm.s32 $0xA880;
	s4 =	sand.u32 $0x1, s3  }
0x9: {  	s21 =	sshll.u32 s5, $0x1;
	[smem:$0x7FF] =	sst s2;
	s3 =	sadd.s32 $0x2800, s0  }
0xa: {  	s7 =	sadd.s32 $0x4A800, s0;
	s5 =	sor.u32 s4, s21;
	s4 =	ssub.s32 $0x2, s4  }
0xb: {  	_ =	strace $0x8000004A;
	s6 =	smul.u32 $0xC0, s5;
	s8 =	sshrl.u32 s4, $0x1  }
0xc: {  	s21 =	simm.s32 $0x4880;
	s5 =	smul.u32 $0x6000, s5;
	s8 =	ssub.s32 s4, s8  }
0xd: {  	s4 =	sadd.s32 $0x2900, s0;
	s9 =	sshrl.u32 s6, $0x3;
	s6 =	sadd.s32 $0x60, s6  }
0xe: {  	s23 =	sadd.s32 s7, s5;
	s5 =	sadd.s32 $0x2A00, s0;
	s22 =	sadd.s32 s1, s9  }
0xf: {  	s24 =	sshrl.u32 s6, $0x3;
	[dreg:$0x4] =	wrdreg s23;
	s25 =	sshll.u32 s6, $0x7  }
0x10: {  	s6 =	sadd.s32 $0x2B00, s0;
	s23 =	simm.s32 $0x5880;
	s9 =	simm.s32 $0xB080  }
0x11: {  	[dreg:$0x3] =	wrdreg s22;
	s1 =	sadd.s32 s1, s24;
	s26 =	sadd.s32 s7, s25  }
0x12: {  	v2 =	vlaneseq.u32;
	s7 =	smax.u32 s8, $0x1;
	s8 =	simm.s32 $0x2;
	s22 =	simm.s32 $0x5080  }
0x13: {  	vm0 =	vmmov $0xffff;
	v1 =	vshrl.u32 v2, $0x3;
	s24 =	simm.s32 $0x6080;
	s25 =	simm.s32 $0x6880;
	[dreg:$0x5] =	wrdreg s1  }
0x14: {  	v0 =	vand.u32 $0x7, v2;
	v2 =	vor.u32 $0x8, v2;
	v1 =	vmul.u32 $0x8, v1;
	[dreg:$0x6] =	wrdreg s26;
	s26 =	simm.s32 $0x7080;
	s1 =	simm.s32 $0xA080  }
.LBB2_1:
0x15: {  	s12 =	rddreg [dreg:$0x3]  }
0x16: {  	[tilespmem:s2], [sflag:$0x2] =	stream.linear.gather [hbm4b:s12+s2], $0x60, $0x38;
	[tilespmem:$0x18080] =	vst v63  }
0x17: {  	_ =	swait.ge [sflag:s8], $0x60  }
0x18: {  	[sflag:s8] =	ssyncset.done $0x0  }
0x19: {  	[sflag:s8] =	ssyncadd.s32 $0xFFFFFFA0  }
0x1a: {  	v3 =	vld [tilespmem:$0x0];
	_ =	sdelay $0x4  }
0x1b: {  	v4 =	vshll.u32 v3, $0x3  }
0x1c: {  	v3 =	vand.u32 $0x7, v3;
	v4 =	vand.u32 $0xFFFFFFC0, v4  }
0x1d: {  	v3 =	vor.u32 v3, v4  }
0x1e: {  	v4 =	vperm.xlane v3, v0;
	_ =	sdelay $0x1  }
0x1f: {  	v4 =	vadd.s32 v1, v4;
	_ =	sdelay $0x3  }
0x20: {  	s0 =	simm.s32 $0x80  }
0x21: {  	[tilespmem:s0], [sflag:$0x1] =	stream.indirect_vreg.gather [hbm4b:s3+s2], $0x80, v4, vm0, $0xb8;
	[tilespmem:$0x18080] =	vst v63  }
0x22: {  	v3 =	vperm.xlane v3, v2  }
0x23: {  	[tilespmem:s13], [sflag:$0x1] =	stream.indirect_vreg.gather [hbm4b:s4+s2], $0x80, v4, vm0, $0xb8;
	[tilespmem:$0x18080] =	vst v63  }
0x24: {  	v3 =	vadd.s32 v1, v3  }
0x25: {  	[tilespmem:s14], [sflag:$0x1] =	stream.indirect_vreg.gather [hbm4b:s5+s2], $0x80, v4, vm0, $0xb8;
	[tilespmem:$0x18080] =	vst v63  }
0x26: {  	_ = 	snop  }
0x27: {  	[tilespmem:s15], [sflag:$0x1] =	stream.indirect_vreg.gather [hbm4b:s6+s2], $0x80, v4, vm0, $0xb8;
	[tilespmem:$0x18080] =	vst v63  }
0x28: {  	_ = 	snop  }
0x29: {  	[tilespmem:s16], [sflag:$0x1] =	stream.indirect_vreg.gather [hbm4b:s3+s2], $0x80, v3, vm0, $0xb8;
	[tilespmem:$0x18080] =	vst v63  }
0x2a: {  	_ = 	snop  }
0x2b: {  	[tilespmem:s17], [sflag:$0x1] =	stream.indirect_vreg.gather [hbm4b:s4+s2], $0x80, v3, vm0, $0xb8;
	[tilespmem:$0x18080] =	vst v63  }
0x2c: {  	_ = 	snop  }
0x2d: {  	[tilespmem:s18], [sflag:$0x1] =	stream.indirect_vreg.gather [hbm4b:s5+s2], $0x80, v3, vm0, $0xb8;
	[tilespmem:$0x18080] =	vst v63  }
0x2e: {  	_ = 	snop  }
0x2f: {  	[tilespmem:s19], [sflag:$0x1] =	stream.indirect_vreg.gather [hbm4b:s6+s2], $0x80, v3, vm0, $0xb8;
	[tilespmem:$0x18080] =	vst v63  }
0x30: {  	v3 =	vld [tilespmem:$0x10];
	_ =	sdelay $0x4  }
0x31: {  	v53 =	vshll.u32 v3, $0x3  }
0x32: {  	v3 =	vand.u32 $0x7, v3;
	v4 =	vand.u32 $0xFFFFFFC0, v53  }
0x33: {  	v3 =	vor.u32 v3, v4  }
0x34: {  	v4 =	vperm.xlane v3, v0;
	_ =	sdelay $0x1  }
0x35: {  	v4 =	vadd.s32 v1, v4;
	_ =	sdelay $0x4  }
0x36: {  	[tilespmem:s20], [sflag:$0x1] =	stream.indirect_vreg.gather [hbm4b:s3+s2], $0x80, v4, vm0, $0xb8;
	[tilespmem:$0x18080] =	vst v63  }
0x37: {  	v3 =	vperm.xlane v3, v2  }
0x38: {  	[tilespmem:s21], [sflag:$0x1] =	stream.indirect_vreg.gather [hbm4b:s4+s2], $0x80, v4, vm0, $0xb8;
	[tilespmem:$0x18080] =	vst v63  }
0x39: {  	v3 =	vadd.s32 v1, v3  }
0x3a: {  	[tilespmem:s22], [sflag:$0x1] =	stream.indirect_vreg.gather [hbm4b:s5+s2], $0x80, v4, vm0, $0xb8;
	[tilespmem:$0x18080] =	vst v63  }
0x3b: {  	_ = 	snop  }
0x3c: {  	[tilespmem:s23], [sflag:$0x1] =	stream.indirect_vreg.gather [hbm4b:s6+s2], $0x80, v4, vm0, $0xb8;
	[tilespmem:$0x18080] =	vst v63  }
0x3d: {  	_ = 	snop  }
0x3e: {  	[tilespmem:s24], [sflag:$0x1] =	stream.indirect_vreg.gather [hbm4b:s3+s2], $0x80, v3, vm0, $0xb8;
	[tilespmem:$0x18080] =	vst v63  }
0x3f: {  	_ = 	snop  }
0x40: {  	[tilespmem:s25], [sflag:$0x1] =	stream.indirect_vreg.gather [hbm4b:s4+s2], $0x80, v3, vm0, $0xb8;
	[tilespmem:$0x18080] =	vst v63  }
0x41: {  	_ = 	snop  }
0x42: {  	[tilespmem:s26], [sflag:$0x1] =	stream.indirect_vreg.gather [hbm4b:s5+s2], $0x80, v3, vm0, $0xb8;
	[tilespmem:$0x18080] =	vst v63  }
0x43: {  	_ = 	snop  }
0x44: {  	[tilespmem:s28], [sflag:$0x1] =	stream.indirect_vreg.gather [hbm4b:s6+s2], $0x80, v3, vm0, $0xb8;
	[tilespmem:$0x18080] =	vst v63  }
0x45: {  	v3 =	vld [tilespmem:$0x20];
	_ =	sdelay $0x4  }
0x46: {  	v54 =	vshll.u32 v3, $0x3  }
0x47: {  	v3 =	vand.u32 $0x7, v3;
	v4 =	vand.u32 $0xFFFFFFC0, v54  }
0x48: {  	v3 =	vor.u32 v3, v4  }
0x49: {  	v4 =	vperm.xlane v3, v0;
	_ =	sdelay $0x1  }
0x4a: {  	v4 =	vadd.s32 v1, v4;
	_ =	sdelay $0x4  }
0x4b: {  	[tilespmem:s29], [sflag:$0x1] =	stream.indirect_vreg.gather [hbm4b:s3+s2], $0x80, v4, vm0, $0xb8;
	[tilespmem:$0x18080] =	vst v63  }
0x4c: {  	v3 =	vperm.xlane v3, v2  }
0x4d: {  	[tilespmem:s30], [sflag:$0x1] =	stream.indirect_vreg.gather [hbm4b:s4+s2], $0x80, v4, vm0, $0xb8;
	[tilespmem:$0x18080] =	vst v63  }
0x4e: {  	v3 =	vadd.s32 v1, v3  }
0x4f: {  	[tilespmem:s31], [sflag:$0x1] =	stream.indirect_vreg.gather [hbm4b:s5+s2], $0x80, v4, vm0, $0xb8;
	[tilespmem:$0x18080] =	vst v63  }
0x50: {  	s12 =	simm.s32 $0x9880  }
0x51: {  	[tilespmem:s12], [sflag:$0x1] =	stream.indirect_vreg.gather [hbm4b:s6+s2], $0x80, v4, vm0, $0xb8;
	[tilespmem:$0x18080] =	vst v63  }
0x52: {  	_ = 	snop  }
0x53: {  	[tilespmem:s1], [sflag:$0x1] =	stream.indirect_vreg.gather [hbm4b:s3+s2], $0x80, v3, vm0, $0xb8;
	[tilespmem:$0x18080] =	vst v63  }
0x54: {  	_ = 	snop  }
0x55: {  	[tilespmem:s10], [sflag:$0x1] =	stream.indirect_vreg.gather [hbm4b:s4+s2], $0x80, v3, vm0, $0xb8;
	[tilespmem:$0x18080] =	vst v63  }
0x56: {  	_ = 	snop  }
0x57: {  	[tilespmem:s9], [sflag:$0x1] =	stream.indirect_vreg.gather [hbm4b:s5+s2], $0x80, v3, vm0, $0xb8;
	[tilespmem:$0x18080] =	vst v63  }
0x58: {  	s12 =	simm.s32 $0xB880  }
0x59: {  	[tilespmem:s12], [sflag:$0x1] =	stream.indirect_vreg.gather [hbm4b:s6+s2], $0x80, v3, vm0, $0xb8;
	[tilespmem:$0x18080] =	vst v63  }
0x5a: {  	v3 =	vld [tilespmem:$0x30];
	_ =	sdelay $0x4  }
0x5b: {  	v55 =	vshll.u32 v3, $0x3  }
0x5c: {  	v3 =	vand.u32 $0x7, v3;
	v4 =	vand.u32 $0xFFFFFFC0, v55  }
0x5d: {  	v3 =	vor.u32 v3, v4  }
0x5e: {  	v4 =	vperm.xlane v3, v0;
	_ =	sdelay $0x1  }
0x5f: {  	v4 =	vadd.s32 v1, v4;
	_ =	sdelay $0x3  }
0x60: {  	s12 =	simm.s32 $0xC080  }
0x61: {  	[tilespmem:s12], [sflag:$0x1] =	stream.indirect_vreg.gather [hbm4b:s3+s2], $0x80, v4, vm0, $0xb8;
	[tilespmem:$0x18080] =	vst v63  }
0x62: {  	v3 =	vperm.xlane v3, v2;
	s12 =	simm.s32 $0xC880  }
0x63: {  	[tilespmem:s12], [sflag:$0x1] =	stream.indirect_vreg.gather [hbm4b:s4+s2], $0x80, v4, vm0, $0xb8;
	[tilespmem:$0x18080] =	vst v63  }
0x64: {  	v3 =	vadd.s32 v1, v3;
	s12 =	simm.s32 $0xD080  }
0x65: {  	[tilespmem:s12], [sflag:$0x1] =	stream.indirect_vreg.gather [hbm4b:s5+s2], $0x80, v4, vm0, $0xb8;
	[tilespmem:$0x18080] =	vst v63  }
0x66: {  	s12 =	simm.s32 $0xD880  }
0x67: {  	[tilespmem:s12], [sflag:$0x1] =	stream.indirect_vreg.gather [hbm4b:s6+s2], $0x80, v4, vm0, $0xb8;
	[tilespmem:$0x18080] =	vst v63  }
0x68: {  	s12 =	simm.s32 $0xE080  }
0x69: {  	[tilespmem:s12], [sflag:$0x1] =	stream.indirect_vreg.gather [hbm4b:s3+s2], $0x80, v3, vm0, $0xb8;
	[tilespmem:$0x18080] =	vst v63  }
0x6a: {  	s12 =	simm.s32 $0xE880  }
0x6b: {  	[tilespmem:s12], [sflag:$0x1] =	stream.indirect_vreg.gather [hbm4b:s4+s2], $0x80, v3, vm0, $0xb8;
	[tilespmem:$0x18080] =	vst v63  }
0x6c: {  	s12 =	simm.s32 $0xF080  }
0x6d: {  	[tilespmem:s12], [sflag:$0x1] =	stream.indirect_vreg.gather [hbm4b:s5+s2], $0x80, v3, vm0, $0xb8;
	[tilespmem:$0x18080] =	vst v63  }
0x6e: {  	s12 =	simm.s32 $0xF880  }
0x6f: {  	[tilespmem:s12], [sflag:$0x1] =	stream.indirect_vreg.gather [hbm4b:s6+s2], $0x80, v3, vm0, $0xb8;
	[tilespmem:$0x18080] =	vst v63  }
0x70: {  	v3 =	vld [tilespmem:$0x40];
	_ =	sdelay $0x4  }
0x71: {  	v56 =	vshll.u32 v3, $0x3  }
0x72: {  	v3 =	vand.u32 $0x7, v3;
	v4 =	vand.u32 $0xFFFFFFC0, v56  }
0x73: {  	v3 =	vor.u32 v3, v4  }
0x74: {  	v4 =	vperm.xlane v3, v0;
	_ =	sdelay $0x1  }
0x75: {  	v4 =	vadd.s32 v1, v4;
	_ =	sdelay $0x3  }
0x76: {  	s12 =	simm.s32 $0x10080  }
0x77: {  	[tilespmem:s12], [sflag:$0x1] =	stream.indirect_vreg.gather [hbm4b:s3+s2], $0x80, v4, vm0, $0xb8;
	[tilespmem:$0x18080] =	vst v63  }
0x78: {  	v3 =	vperm.xlane v3, v2;
	s12 =	simm.s32 $0x10880  }
0x79: {  	[tilespmem:s12], [sflag:$0x1] =	stream.indirect_vreg.gather [hbm4b:s4+s2], $0x80, v4, vm0, $0xb8;
	[tilespmem:$0x18080] =	vst v63  }
0x7a: {  	v3 =	vadd.s32 v1, v3;
	s12 =	simm.s32 $0x11080  }
0x7b: {  	[tilespmem:s12], [sflag:$0x1] =	stream.indirect_vreg.gather [hbm4b:s5+s2], $0x80, v4, vm0, $0xb8;
	[tilespmem:$0x18080] =	vst v63  }
0x7c: {  	s12 =	simm.s32 $0x11880  }
0x7d: {  	[tilespmem:s12], [sflag:$0x1] =	stream.indirect_vreg.gather [hbm4b:s6+s2], $0x80, v4, vm0, $0xb8;
	[tilespmem:$0x18080] =	vst v63  }
0x7e: {  	s12 =	simm.s32 $0x12080  }
0x7f: {  	[tilespmem:s12], [sflag:$0x1] =	stream.indirect_vreg.gather [hbm4b:s3+s2], $0x80, v3, vm0, $0xb8;
	[tilespmem:$0x18080] =	vst v63  }
0x80: {  	s12 =	simm.s32 $0x12880  }
0x81: {  	[tilespmem:s12], [sflag:$0x1] =	stream.indirect_vreg.gather [hbm4b:s4+s2], $0x80, v3, vm0, $0xb8;
	[tilespmem:$0x18080] =	vst v63  }
0x82: {  	s12 =	simm.s32 $0x13080  }
0x83: {  	[tilespmem:s12], [sflag:$0x1] =	stream.indirect_vreg.gather [hbm4b:s5+s2], $0x80, v3, vm0, $0xb8;
	[tilespmem:$0x18080] =	vst v63  }
0x84: {  	s12 =	simm.s32 $0x13880  }
0x85: {  	[tilespmem:s12], [sflag:$0x1] =	stream.indirect_vreg.gather [hbm4b:s6+s2], $0x80, v3, vm0, $0xb8;
	[tilespmem:$0x18080] =	vst v63  }
0x86: {  	v3 =	vld [tilespmem:$0x50];
	_ =	sdelay $0x4  }
0x87: {  	v57 =	vshll.u32 v3, $0x3  }
0x88: {  	v3 =	vand.u32 $0x7, v3;
	v4 =	vand.u32 $0xFFFFFFC0, v57  }
0x89: {  	v3 =	vor.u32 v3, v4  }
0x8a: {  	v4 =	vperm.xlane v3, v0;
	_ =	sdelay $0x1  }
0x8b: {  	v4 =	vadd.s32 v1, v4;
	_ =	sdelay $0x3  }
0x8c: {  	s12 =	simm.s32 $0x14080  }
0x8d: {  	[tilespmem:s12], [sflag:$0x1] =	stream.indirect_vreg.gather [hbm4b:s3+s2], $0x80, v4, vm0, $0xb8;
	[tilespmem:$0x18080] =	vst v63  }
0x8e: {  	v3 =	vperm.xlane v3, v2;
	s12 =	simm.s32 $0x14880  }
0x8f: {  	[tilespmem:s12], [sflag:$0x1] =	stream.indirect_vreg.gather [hbm4b:s4+s2], $0x80, v4, vm0, $0xb8;
	[tilespmem:$0x18080] =	vst v63  }
0x90: {  	v3 =	vadd.s32 v1, v3;
	s12 =	simm.s32 $0x15080  }
0x91: {  	[tilespmem:s12], [sflag:$0x1] =	stream.indirect_vreg.gather [hbm4b:s5+s2], $0x80, v4, vm0, $0xb8;
	[tilespmem:$0x18080] =	vst v63  }
0x92: {  	s12 =	simm.s32 $0x15880  }
0x93: {  	[tilespmem:s12], [sflag:$0x1] =	stream.indirect_vreg.gather [hbm4b:s6+s2], $0x80, v4, vm0, $0xb8;
	[tilespmem:$0x18080] =	vst v63  }
0x94: {  	s12 =	simm.s32 $0x16080  }
0x95: {  	[tilespmem:s12], [sflag:$0x1] =	stream.indirect_vreg.gather [hbm4b:s3+s2], $0x80, v3, vm0, $0xb8;
	[tilespmem:$0x18080] =	vst v63  }
0x96: {  	s12 =	simm.s32 $0x16880  }
0x97: {  	[tilespmem:s12], [sflag:$0x1] =	stream.indirect_vreg.gather [hbm4b:s4+s2], $0x80, v3, vm0, $0xb8;
	[tilespmem:$0x18080] =	vst v63  }
0x98: {  	s12 =	simm.s32 $0x17080  }
0x99: {  	[tilespmem:s12], [sflag:$0x1] =	stream.indirect_vreg.gather [hbm4b:s5+s2], $0x80, v3, vm0, $0xb8;
	[tilespmem:$0x18080] =	vst v63  }
0x9a: {  	s12 =	simm.s32 $0x17880  }
0x9b: {  	[tilespmem:s12], [sflag:$0x1] =	stream.indirect_vreg.gather [hbm4b:s6+s2], $0x80, v3, vm0, $0xb8;
	[tilespmem:$0x18080] =	vst v63  }
0x9c: {  	_ =	swait.ge [sflag:s11], $0x18000  }
0x9d: {  	[sflag:s11] =	ssyncset.done $0x0  }
0x9e: {  	s0 =	simm.s32 $0x80;
	s12 =	rddreg [dreg:$0x4];
	[sflag:s11] =	ssyncadd.s32 $0xFFFE8000  }
0x9f: {  	[hbm4b:s12+s2] =	stream.linear.scatter [tilespmem:s0], [sflag:$0x2], $0x18000, $0x38;
	[tilespmem:$0x18080] =	vst v63  }
0xa0: {  	_ =	swait.ge [sflag:s8], $0x18000  }
0xa1: {  	[sflag:s8] =	ssyncset.done $0x0  }
0xa2: {  	s12 =	rddreg [dreg:$0x5];
	[sflag:s8] =	ssyncadd.s32 $0xFFFE8000  }
0xa3: {  	[tilespmem:s2], [sflag:$0x2] =	stream.linear.gather [hbm4b:s12+s2], $0x60, $0x38;
	[tilespmem:$0x18080] =	vst v63  }
0xa4: {  	_ =	swait.ge [sflag:s8], $0x60  }
0xa5: {  	[sflag:s8] =	ssyncset.done $0x0  }
0xa6: {  	[sflag:s8] =	ssyncadd.s32 $0xFFFFFFA0  }
0xa7: {  	v3 =	vld [tilespmem:$0x0];
	_ =	sdelay $0x4  }
0xa8: {  	v58 =	vshll.u32 v3, $0x3  }
0xa9: {  	v3 =	vand.u32 $0x7, v3;
	v4 =	vand.u32 $0xFFFFFFC0, v58  }
0xaa: {  	v3 =	vor.u32 v3, v4  }
0xab: {  	v4 =	vperm.xlane v3, v0;
	_ =	sdelay $0x1  }
0xac: {  	v4 =	vadd.s32 v1, v4;
	_ =	sdelay $0x4  }
0xad: {  	[tilespmem:s0], [sflag:$0x1] =	stream.indirect_vreg.gather [hbm4b:s3+s2], $0x80, v4, vm0, $0xb8;
	[tilespmem:$0x18080] =	vst v63  }
0xae: {  	v3 =	vperm.xlane v3, v2  }
0xaf: {  	[tilespmem:s13], [sflag:$0x1] =	stream.indirect_vreg.gather [hbm4b:s4+s2], $0x80, v4, vm0, $0xb8;
	[tilespmem:$0x18080] =	vst v63  }
0xb0: {  	v3 =	vadd.s32 v1, v3  }
0xb1: {  	[tilespmem:s14], [sflag:$0x1] =	stream.indirect_vreg.gather [hbm4b:s5+s2], $0x80, v4, vm0, $0xb8;
	[tilespmem:$0x18080] =	vst v63  }
0xb2: {  	_ = 	snop  }
0xb3: {  	[tilespmem:s15], [sflag:$0x1] =	stream.indirect_vreg.gather [hbm4b:s6+s2], $0x80, v4, vm0, $0xb8;
	[tilespmem:$0x18080] =	vst v63  }
0xb4: {  	_ = 	snop  }
0xb5: {  	[tilespmem:s16], [sflag:$0x1] =	stream.indirect_vreg.gather [hbm4b:s3+s2], $0x80, v3, vm0, $0xb8;
	[tilespmem:$0x18080] =	vst v63  }
0xb6: {  	_ = 	snop  }
0xb7: {  	[tilespmem:s17], [sflag:$0x1] =	stream.indirect_vreg.gather [hbm4b:s4+s2], $0x80, v3, vm0, $0xb8;
	[tilespmem:$0x18080] =	vst v63  }
0xb8: {  	_ = 	snop  }
0xb9: {  	[tilespmem:s18], [sflag:$0x1] =	stream.indirect_vreg.gather [hbm4b:s5+s2], $0x80, v3, vm0, $0xb8;
	[tilespmem:$0x18080] =	vst v63  }
0xba: {  	_ = 	snop  }
0xbb: {  	[tilespmem:s19], [sflag:$0x1] =	stream.indirect_vreg.gather [hbm4b:s6+s2], $0x80, v3, vm0, $0xb8;
	[tilespmem:$0x18080] =	vst v63  }
0xbc: {  	v3 =	vld [tilespmem:$0x10];
	_ =	sdelay $0x4  }
0xbd: {  	v59 =	vshll.u32 v3, $0x3  }
0xbe: {  	v3 =	vand.u32 $0x7, v3;
	v4 =	vand.u32 $0xFFFFFFC0, v59  }
0xbf: {  	v3 =	vor.u32 v3, v4  }
0xc0: {  	v4 =	vperm.xlane v3, v0;
	_ =	sdelay $0x1  }
0xc1: {  	v4 =	vadd.s32 v1, v4;
	_ =	sdelay $0x4  }
0xc2: {  	[tilespmem:s20], [sflag:$0x1] =	stream.indirect_vreg.gather [hbm4b:s3+s2], $0x80, v4, vm0, $0xb8;
	[tilespmem:$0x18080] =	vst v63  }
0xc3: {  	v3 =	vperm.xlane v3, v2  }
0xc4: {  	[tilespmem:s21], [sflag:$0x1] =	stream.indirect_vreg.gather [hbm4b:s4+s2], $0x80, v4, vm0, $0xb8;
	[tilespmem:$0x18080] =	vst v63  }
0xc5: {  	v3 =	vadd.s32 v1, v3  }
0xc6: {  	[tilespmem:s22], [sflag:$0x1] =	stream.indirect_vreg.gather [hbm4b:s5+s2], $0x80, v4, vm0, $0xb8;
	[tilespmem:$0x18080] =	vst v63  }
0xc7: {  	_ = 	snop  }
0xc8: {  	[tilespmem:s23], [sflag:$0x1] =	stream.indirect_vreg.gather [hbm4b:s6+s2], $0x80, v4, vm0, $0xb8;
	[tilespmem:$0x18080] =	vst v63  }
0xc9: {  	_ = 	snop  }
0xca: {  	[tilespmem:s24], [sflag:$0x1] =	stream.indirect_vreg.gather [hbm4b:s3+s2], $0x80, v3, vm0, $0xb8;
	[tilespmem:$0x18080] =	vst v63  }
0xcb: {  	_ = 	snop  }
0xcc: {  	[tilespmem:s25], [sflag:$0x1] =	stream.indirect_vreg.gather [hbm4b:s4+s2], $0x80, v3, vm0, $0xb8;
	[tilespmem:$0x18080] =	vst v63  }
0xcd: {  	_ = 	snop  }
0xce: {  	[tilespmem:s26], [sflag:$0x1] =	stream.indirect_vreg.gather [hbm4b:s5+s2], $0x80, v3, vm0, $0xb8;
	[tilespmem:$0x18080] =	vst v63  }
0xcf: {  	_ = 	snop  }
0xd0: {  	[tilespmem:s28], [sflag:$0x1] =	stream.indirect_vreg.gather [hbm4b:s6+s2], $0x80, v3, vm0, $0xb8;
	[tilespmem:$0x18080] =	vst v63  }
0xd1: {  	v3 =	vld [tilespmem:$0x20];
	_ =	sdelay $0x4  }
0xd2: {  	v60 =	vshll.u32 v3, $0x3  }
0xd3: {  	v3 =	vand.u32 $0x7, v3;
	v4 =	vand.u32 $0xFFFFFFC0, v60  }
0xd4: {  	v3 =	vor.u32 v3, v4  }
0xd5: {  	v4 =	vperm.xlane v3, v0;
	_ =	sdelay $0x1  }
0xd6: {  	v4 =	vadd.s32 v1, v4;
	_ =	sdelay $0x4  }
0xd7: {  	[tilespmem:s29], [sflag:$0x1] =	stream.indirect_vreg.gather [hbm4b:s3+s2], $0x80, v4, vm0, $0xb8;
	[tilespmem:$0x18080] =	vst v63  }
0xd8: {  	v3 =	vperm.xlane v3, v2  }
0xd9: {  	[tilespmem:s30], [sflag:$0x1] =	stream.indirect_vreg.gather [hbm4b:s4+s2], $0x80, v4, vm0, $0xb8;
	[tilespmem:$0x18080] =	vst v63  }
0xda: {  	v3 =	vadd.s32 v1, v3  }
0xdb: {  	[tilespmem:s31], [sflag:$0x1] =	stream.indirect_vreg.gather [hbm4b:s5+s2], $0x80, v4, vm0, $0xb8;
	[tilespmem:$0x18080] =	vst v63  }
0xdc: {  	s12 =	simm.s32 $0x9880  }
0xdd: {  	[tilespmem:s12], [sflag:$0x1] =	stream.indirect_vreg.gather [hbm4b:s6+s2], $0x80, v4, vm0, $0xb8;
	[tilespmem:$0x18080] =	vst v63  }
0xde: {  	_ = 	snop  }
0xdf: {  	[tilespmem:s1], [sflag:$0x1] =	stream.indirect_vreg.gather [hbm4b:s3+s2], $0x80, v3, vm0, $0xb8;
	[tilespmem:$0x18080] =	vst v63  }
0xe0: {  	_ = 	snop  }
0xe1: {  	[tilespmem:s10], [sflag:$0x1] =	stream.indirect_vreg.gather [hbm4b:s4+s2], $0x80, v3, vm0, $0xb8;
	[tilespmem:$0x18080] =	vst v63  }
0xe2: {  	_ = 	snop  }
0xe3: {  	[tilespmem:s9], [sflag:$0x1] =	stream.indirect_vreg.gather [hbm4b:s5+s2], $0x80, v3, vm0, $0xb8;
	[tilespmem:$0x18080] =	vst v63  }
0xe4: {  	s12 =	simm.s32 $0xB880  }
0xe5: {  	[tilespmem:s12], [sflag:$0x1] =	stream.indirect_vreg.gather [hbm4b:s6+s2], $0x80, v3, vm0, $0xb8;
	[tilespmem:$0x18080] =	vst v63  }
0xe6: {  	v3 =	vld [tilespmem:$0x30];
	_ =	sdelay $0x4  }
0xe7: {  	v61 =	vshll.u32 v3, $0x3  }
0xe8: {  	v3 =	vand.u32 $0x7, v3;
	v4 =	vand.u32 $0xFFFFFFC0, v61  }
0xe9: {  	v3 =	vor.u32 v3, v4  }
0xea: {  	v4 =	vperm.xlane v3, v0;
	_ =	sdelay $0x1  }
0xeb: {  	v4 =	vadd.s32 v1, v4;
	_ =	sdelay $0x3  }
0xec: {  	s12 =	simm.s32 $0xC080  }
0xed: {  	[tilespmem:s12], [sflag:$0x1] =	stream.indirect_vreg.gather [hbm4b:s3+s2], $0x80, v4, vm0, $0xb8;
	[tilespmem:$0x18080] =	vst v63  }
0xee: {  	v3 =	vperm.xlane v3, v2;
	s12 =	simm.s32 $0xC880  }
0xef: {  	[tilespmem:s12], [sflag:$0x1] =	stream.indirect_vreg.gather [hbm4b:s4+s2], $0x80, v4, vm0, $0xb8;
	[tilespmem:$0x18080] =	vst v63  }
0xf0: {  	v3 =	vadd.s32 v1, v3;
	s12 =	simm.s32 $0xD080  }
0xf1: {  	[tilespmem:s12], [sflag:$0x1] =	stream.indirect_vreg.gather [hbm4b:s5+s2], $0x80, v4, vm0, $0xb8;
	[tilespmem:$0x18080] =	vst v63  }
0xf2: {  	s12 =	simm.s32 $0xD880  }
0xf3: {  	[tilespmem:s12], [sflag:$0x1] =	stream.indirect_vreg.gather [hbm4b:s6+s2], $0x80, v4, vm0, $0xb8;
	[tilespmem:$0x18080] =	vst v63  }
0xf4: {  	s12 =	simm.s32 $0xE080  }
0xf5: {  	[tilespmem:s12], [sflag:$0x1] =	stream.indirect_vreg.gather [hbm4b:s3+s2], $0x80, v3, vm0, $0xb8;
	[tilespmem:$0x18080] =	vst v63  }
0xf6: {  	s12 =	simm.s32 $0xE880  }
0xf7: {  	[tilespmem:s12], [sflag:$0x1] =	stream.indirect_vreg.gather [hbm4b:s4+s2], $0x80, v3, vm0, $0xb8;
	[tilespmem:$0x18080] =	vst v63  }
0xf8: {  	s12 =	simm.s32 $0xF080  }
0xf9: {  	[tilespmem:s12], [sflag:$0x1] =	stream.indirect_vreg.gather [hbm4b:s5+s2], $0x80, v3, vm0, $0xb8;
	[tilespmem:$0x18080] =	vst v63  }
0xfa: {  	s12 =	simm.s32 $0xF880  }
0xfb: {  	[tilespmem:s12], [sflag:$0x1] =	stream.indirect_vreg.gather [hbm4b:s6+s2], $0x80, v3, vm0, $0xb8;
	[tilespmem:$0x18080] =	vst v63  }
0xfc: {  	v3 =	vld [tilespmem:$0x40];
	_ =	sdelay $0x4  }
0xfd: {  	v62 =	vshll.u32 v3, $0x3  }
0xfe: {  	v3 =	vand.u32 $0x7, v3;
	v4 =	vand.u32 $0xFFFFFFC0, v62  }
0xff: {  	v3 =	vor.u32 v3, v4  }
0x100: {  	v4 =	vperm.xlane v3, v0;
	_ =	sdelay $0x1  }
0x101: {  	v4 =	vadd.s32 v1, v4;
	_ =	sdelay $0x3  }
0x102: {  	s12 =	simm.s32 $0x10080  }
0x103: {  	[tilespmem:s12], [sflag:$0x1] =	stream.indirect_vreg.gather [hbm4b:s3+s2], $0x80, v4, vm0, $0xb8;
	[tilespmem:$0x18080] =	vst v63  }
0x104: {  	v3 =	vperm.xlane v3, v2;
	s12 =	simm.s32 $0x10880  }
0x105: {  	[tilespmem:s12], [sflag:$0x1] =	stream.indirect_vreg.gather [hbm4b:s4+s2], $0x80, v4, vm0, $0xb8;
	[tilespmem:$0x18080] =	vst v63  }
0x106: {  	v3 =	vadd.s32 v1, v3;
	s12 =	simm.s32 $0x11080  }
0x107: {  	[tilespmem:s12], [sflag:$0x1] =	stream.indirect_vreg.gather [hbm4b:s5+s2], $0x80, v4, vm0, $0xb8;
	[tilespmem:$0x18080] =	vst v63  }
0x108: {  	s12 =	simm.s32 $0x11880  }
0x109: {  	[tilespmem:s12], [sflag:$0x1] =	stream.indirect_vreg.gather [hbm4b:s6+s2], $0x80, v4, vm0, $0xb8;
	[tilespmem:$0x18080] =	vst v63  }
0x10a: {  	s12 =	simm.s32 $0x12080  }
0x10b: {  	[tilespmem:s12], [sflag:$0x1] =	stream.indirect_vreg.gather [hbm4b:s3+s2], $0x80, v3, vm0, $0xb8;
	[tilespmem:$0x18080] =	vst v63  }
0x10c: {  	s12 =	simm.s32 $0x12880  }
0x10d: {  	[tilespmem:s12], [sflag:$0x1] =	stream.indirect_vreg.gather [hbm4b:s4+s2], $0x80, v3, vm0, $0xb8;
	[tilespmem:$0x18080] =	vst v63  }
0x10e: {  	s12 =	simm.s32 $0x13080  }
0x10f: {  	[tilespmem:s12], [sflag:$0x1] =	stream.indirect_vreg.gather [hbm4b:s5+s2], $0x80, v3, vm0, $0xb8;
	[tilespmem:$0x18080] =	vst v63  }
0x110: {  	s12 =	simm.s32 $0x13880  }
0x111: {  	[tilespmem:s12], [sflag:$0x1] =	stream.indirect_vreg.gather [hbm4b:s6+s2], $0x80, v3, vm0, $0xb8;
	[tilespmem:$0x18080] =	vst v63  }
0x112: {  	v3 =	vld [tilespmem:$0x50];
	_ =	sdelay $0x4  }
0x113: {  	v63 =	vshll.u32 v3, $0x3  }
0x114: {  	v3 =	vand.u32 $0x7, v3;
	v4 =	vand.u32 $0xFFFFFFC0, v63  }
0x115: {  	v3 =	vor.u32 v3, v4  }
0x116: {  	v4 =	vperm.xlane v3, v0;
	_ =	sdelay $0x1  }
0x117: {  	v4 =	vadd.s32 v1, v4;
	_ =	sdelay $0x3  }
0x118: {  	s12 =	simm.s32 $0x14080  }
0x119: {  	[tilespmem:s12], [sflag:$0x1] =	stream.indirect_vreg.gather [hbm4b:s3+s2], $0x80, v4, vm0, $0xb8;
	[tilespmem:$0x18080] =	vst v63  }
0x11a: {  	v3 =	vperm.xlane v3, v2;
	s12 =	simm.s32 $0x14880  }
0x11b: {  	[tilespmem:s12], [sflag:$0x1] =	stream.indirect_vreg.gather [hbm4b:s4+s2], $0x80, v4, vm0, $0xb8;
	[tilespmem:$0x18080] =	vst v63  }
0x11c: {  	v3 =	vadd.s32 v1, v3;
	s12 =	simm.s32 $0x15080  }
0x11d: {  	[tilespmem:s12], [sflag:$0x1] =	stream.indirect_vreg.gather [hbm4b:s5+s2], $0x80, v4, vm0, $0xb8;
	[tilespmem:$0x18080] =	vst v63  }
0x11e: {  	s12 =	simm.s32 $0x15880  }
0x11f: {  	[tilespmem:s12], [sflag:$0x1] =	stream.indirect_vreg.gather [hbm4b:s6+s2], $0x80, v4, vm0, $0xb8;
	[tilespmem:$0x18080] =	vst v63  }
0x120: {  	s12 =	simm.s32 $0x16080  }
0x121: {  	[tilespmem:s12], [sflag:$0x1] =	stream.indirect_vreg.gather [hbm4b:s3+s2], $0x80, v3, vm0, $0xb8;
	[tilespmem:$0x18080] =	vst v63  }
0x122: {  	s12 =	simm.s32 $0x16880  }
0x123: {  	[tilespmem:s12], [sflag:$0x1] =	stream.indirect_vreg.gather [hbm4b:s4+s2], $0x80, v3, vm0, $0xb8;
	[tilespmem:$0x18080] =	vst v63  }
0x124: {  	s12 =	simm.s32 $0x17080  }
0x125: {  	[tilespmem:s12], [sflag:$0x1] =	stream.indirect_vreg.gather [hbm4b:s5+s2], $0x80, v3, vm0, $0xb8;
	[tilespmem:$0x18080] =	vst v63  }
0x126: {  	s12 =	simm.s32 $0x17880  }
0x127: {  	[tilespmem:s12], [sflag:$0x1] =	stream.indirect_vreg.gather [hbm4b:s6+s2], $0x80, v3, vm0, $0xb8;
	[tilespmem:$0x18080] =	vst v63  }
0x128: {  	_ =	swait.ge [sflag:s11], $0x18000  }
0x129: {  	p0 =	sne.s32 s7, $0x1;
	s0 =	simm.s32 $0x80;
	[sflag:s11] =	ssyncset.done $0x0  }
.Ltmp0:
0x12a: {  	s12 =	rddreg [dreg:$0x6];
	[sflag:s11] =	ssyncadd.s32 $0xFFFE8000;
	(pc) =	sbr.rel @p0 .LBB2_1-.Ltmp0, $4  }
0x12b: {  	[hbm4b:s12+s2] =	stream.linear.scatter [tilespmem:s0], [sflag:$0x2], $0x18000, $0x38;
	[tilespmem:$0x18080] =	vst v63  }
0x12c: {  	_ =	swait.ge [sflag:s8], $0x18000  }
0x12d: {  	[sflag:s8] =	ssyncset.done $0x0  }
0x12e: {  	s7 =	sadd.s32 $0xFFFFFFFF, s7;
	[sflag:s8] =	ssyncadd.s32 $0xFFFE8000  }
0x12f: {  	_ =	sfence.sel $0x180000  }
0x130: {  	[bflag:$0x0] =	sbarrier.arrive $0xFFFF  }
0x131: {  	_ =	strace $0x9000004A  }
0x132: {  	s0 =	stileid.u32;
	[bflag:$0x2] =	sbarrier.arrive $0xFFFF  }
0x133: {  	p0 =	sne.s32 s0, $0x0;
	s0 =	rddreg [dreg:$0x2]  }
0x134: {  	s0 =	sadd.s32 @!p0 $0x100000, s0  }
0x135: {  	[sflag:s0] =	ssyncadd.tile.s32 @!p0 $0x1;
	_ =	shalt  }
.Lfunc_end2:
_tile_overlayer_lowered:
.L_overlay_start_2:
0x136: {  	(tag) =	ssettag $0x2  }
0x137: {  	s0 =	rddreg [dreg:$0x0];
	s2 =	stileid.u32  }
0x138: {  	s1 =	rddreg [dreg:$0x1];
	p0 =	sne.s32 s2, $0x0  }
0x139: {  	s3 =	rddreg [dreg:$0x2];
	[bflag:$0x3] =	sbarrier.arrive $0xFFFF;
	s2 =	simm.s32 @!p0 $0x1C02  }
0x13a: {  	[timem:s3], [sflag:s2] =	dma.local @!p0 [hbm:s0], s1  }
0x13b: {  	s0 =	simm.s32 @!p0 $0x2  }
0x13c: {  	_ =	swait.ge @!p0 [sflag:s0], s1  }
0x13d: {  	s1 =	ssub.s32 @!p0 $0x0, s1;
	[sflag:s0] =	ssyncset.done @!p0 $0x0  }
0x13e: {  	[sflag:s0] =	ssyncadd.s32 @!p0 s1  }
0x13f: {  	[bflag:$0x3] =	sbarrier.arrive $0xFFFF  }
0x140: {  	_ =	shalt  }

// kernel: kernel.14.cloned.1.call-start
scs
__scs_entry_jumppad:
0x0: {  	(pc) =	sbr.rel $0x88, $3  }
0x1: {  	(tag) =	ssettag $0x0;
	lr =	simm.s32 $0x1  }
0x2: {  	[smem:$0x3F97] =	sst lr;
	_ =	strace $0xD0000000  }
0x3: {  	_ = 	snop  }
0x4: {  	_ = 	snop  }
0x5: {  	_ = 	snop  }
0x6: {  	_ = 	snop  }
0x7: {  	_ = 	snop  }
__scs_overlays_trampoline_lowered:
0x8: {  	[smem:$0x3FA6] =	sst s0  }
0x9: {  	[smem:$0x3FA7] =	sst s1  }
0xa: {  	[smem:$0x3FA8] =	sst s2  }
0xb: {  	[smem:$0x3FA9] =	sst s3  }
0xc: {  	[smem:$0x3FAA] =	sst s4  }
0xd: {  	[smem:$0x3FAB] =	sst s5  }
0xe: {  	[smem:$0x3FAC] =	sst s6  }
0xf: {  	[smem:$0x3FAD] =	sst s7  }
0x10: {  	[smem:$0x3FAE] =	sst s8  }
0x11: {  	[smem:$0x3FAF] =	sst s9;
	s0 =	simm.s32 @!p0 $0x0  }
0x12: {  	s1 =	sld [smem:$0x3F95];
	s0 =	simm.s32 @p0 $0x1  }
0x13: {  	[smem:$0x3FB0] =	sst s0;
	s0 =	simm.s32 @!p1 $0x0  }
0x14: {  	s2 =	sld [smem:$0x3F94];
	s0 =	simm.s32 @p1 $0x1  }
0x15: {  	[smem:$0x3FB1] =	sst s0;
	s0 =	simm.s32 @!p2 $0x0  }
0x16: {  	s3 =	sld [smem:$0x3FDB];
	s0 =	simm.s32 @p2 $0x1  }
0x17: {  	s4 =	simm.s32 $0x1BF5;
	[smem:$0x3FB3] =	sst s0  }
0x18: {  	s0 =	sld [smem:$0x3F96];
	_ =	swait.ge [sflag:s4], $0x0  }
0x19: {  	s7 =	sld [smem:$0x3F97]  }
0x1a: {  	s8 =	sadd.s32 $0xFFFFE003, lr  }
0x1b: {  	s9 =	sadd.s32 $0xFFFFFEF7, lr;
	s5 =	simm.s32 $0xFFFFFFFF;
	p2 =	slt.u32 s8, $0xFFFFF086  }
0x1c: {  	p1 =	slt.u32 s9, $0xF7A;
	s5 =	simm.s32 @!p2 $0x0  }
0x1d: {  	s5 =	simm.s32 @p1 $0x1;
	p0 =	seq.s32 s7, s2  }
0x1e: {  	s7 =	smul.u32 @!p0 $0xF7A, s2;
	p2 =	seq.s32 @!p0 s5, $0x0  }
0x1f: {  	s9 =	smul.u32 $0xF7A, s1;
	s8 =	simm.s32 @!p0 $0x1BF5;
	p2 =	por !p2, p0  }
0x20: {  	[sflag:s8] =	ssyncset.s32 @!p0 $0xFFFFF086;
	s6 =	sadd.s32 @!p0 s3, s7;
	s7 =	simm.s32 @!p0 $0x108  }
0x21: {  	s3 =	sadd.s32 s3, s9;
	s6 =	sadd.s32 @!p0 $0x88, s6;
	s7 =	simm.s32 @p2 $0x1082  }
0x22: {  	[simem:s7], [sflag:s8] =	dma.local @!p0 [hbm:s6], $0xF7A  }
0x23: {  	s9 =	sor.u32 $0xD0000000, s2;
	s6 =	simm.s32 $0x108;
	_ =	swait.ge @!p0 [sflag:s8], $0x0  }
0x24: {  	s3 =	sadd.s32 $0x88, s3;
	s6 =	simm.s32 @!p1 $0x1082;
	[sflag:s4] =	ssyncset.s32 $0xFFFFF086  }
0x25: {  	[simem:s6], [sflag:s4] =	dma.local [hbm:s3], $0xF7A  }
0x26: {  	[smem:$0x3F97] =	sst s1;
	(tag) =	ssettag s2;
	_ =	strace s9  }
0x27: {  	s1 =	sld [smem:$0x3FA7]  }
0x28: {  	s2 =	sld [smem:$0x3FA8]  }
0x29: {  	s4 =	sld [smem:$0x3FAA]  }
0x2a: {  	p0 =	seq.s32 s5, $0x0;
	s5 =	sld [smem:$0x3FAB]  }
0x2b: {  	s6 =	sld [smem:$0x3FAC]  }
0x2c: {  	s7 =	sld [smem:$0x3FAD]  }
0x2d: {  	s3 =	simm.s32 $0x108;
	s8 =	sld [smem:$0x3FAE]  }
0x2e: {  	s3 =	simm.s32 @!p0 $0x1082;
	s9 =	sld [smem:$0x3FAF]  }
0x2f: {  	lr =	sadd.s32 s0, s3;
	s0 =	sld [smem:$0x3FA6]  }
0x30: {  	s3 =	sld [smem:$0x3FA9]  }
0x31: {  	[smem:$0x3FB2] =	sst s10  }
0x32: {  	s10 =	sld [smem:$0x3FB0];
	_ =	sdelay $0x3  }
0x33: {  	p0 =	seq.s32 s10, $0x1;
	s10 =	sld [smem:$0x3FB2];
	_ =	sdelay $0x3  }
0x34: {  	[smem:$0x3FB2] =	sst s10  }
0x35: {  	s10 =	sld [smem:$0x3FB1];
	_ =	sdelay $0x3  }
0x36: {  	p1 =	seq.s32 s10, $0x1;
	s10 =	sld [smem:$0x3FB2];
	_ =	sdelay $0x3  }
0x37: {  	[smem:$0x3FB2] =	sst s10  }
0x38: {  	s10 =	sld [smem:$0x3FB3]  }
0x39: {  	_ = 	snop;
	(pc) =	sbr.ind lr, $3  }
0x3a: {  	_ = 	snop  }
0x3b: {  	_ = 	snop  }
0x3c: {  	p2 =	seq.s32 s10, $0x1;
	s10 =	sld [smem:$0x3FB2]  }
0x3d: {  	_ =	shalt  }
0x3e: {  	_ =	shalt  }
0x3f: {  	_ =	shalt  }
0x40: {  	_ =	shalt  }
0x41: {  	_ =	shalt  }
0x42: {  	_ =	shalt  }
0x43: {  	_ =	shalt  }
0x44: {  	_ =	shalt  }
0x45: {  	_ =	shalt  }
0x46: {  	_ =	shalt  }
0x47: {  	_ =	shalt  }
0x48: {  	_ =	shalt  }
0x49: {  	_ =	shalt  }
0x4a: {  	_ =	shalt  }
0x4b: {  	_ =	shalt  }
0x4c: {  	_ =	shalt  }
0x4d: {  	_ =	shalt  }
0x4e: {  	_ =	shalt  }
0x4f: {  	_ =	shalt  }
0x50: {  	_ =	shalt  }
0x51: {  	_ =	shalt  }
0x52: {  	_ =	shalt  }
0x53: {  	_ =	shalt  }
0x54: {  	_ =	shalt  }
0x55: {  	_ =	shalt  }
0x56: {  	_ =	shalt  }
0x57: {  	_ =	shalt  }
0x58: {  	_ =	shalt  }
0x59: {  	_ =	shalt  }
0x5a: {  	_ =	shalt  }
0x5b: {  	_ =	shalt  }
0x5c: {  	_ =	shalt  }
0x5d: {  	_ =	shalt  }
0x5e: {  	_ =	shalt  }
0x5f: {  	_ =	shalt  }
0x60: {  	_ =	shalt  }
0x61: {  	_ =	shalt  }
0x62: {  	_ =	shalt  }
0x63: {  	_ =	shalt  }
0x64: {  	_ =	shalt  }
0x65: {  	_ =	shalt  }
0x66: {  	_ =	shalt  }
0x67: {  	_ =	shalt  }
0x68: {  	_ =	shalt  }
0x69: {  	_ =	shalt  }
0x6a: {  	_ =	shalt  }
0x6b: {  	_ =	shalt  }
0x6c: {  	_ =	shalt  }
0x6d: {  	_ =	shalt  }
0x6e: {  	_ =	shalt  }
0x6f: {  	_ =	shalt  }
0x70: {  	_ =	shalt  }
0x71: {  	_ =	shalt  }
0x72: {  	_ =	shalt  }
0x73: {  	_ =	shalt  }
0x74: {  	_ =	shalt  }
0x75: {  	_ =	shalt  }
0x76: {  	_ =	shalt  }
0x77: {  	_ =	shalt  }
0x78: {  	_ =	shalt  }
0x79: {  	_ =	shalt  }
0x7a: {  	_ =	shalt  }
0x7b: {  	_ =	shalt  }
0x7c: {  	_ =	shalt  }
0x7d: {  	_ =	shalt  }
0x7e: {  	_ =	shalt  }
0x7f: {  	_ =	shalt  }
0x80: {  	_ =	shalt  }
0x81: {  	_ =	shalt  }
0x82: {  	_ =	shalt  }
0x83: {  	_ =	shalt  }
0x84: {  	_ =	shalt  }
0x85: {  	_ =	shalt  }
0x86: {  	_ =	shalt  }
0x87: {  	_ =	shalt  }
.Lfunc_end0:
.L_simem_size_0:
called_computation.2_lowered:
.L_overlay_start_0:
0x88: {  	s2 =	sld [smem:$0x3FD9]  }
0x89: {  	s3 =	sld [smem:$0x3FFE];
	_ =	sdelay $0x1  }
0x8a: {  	s1 =	srdreg.scid  }
0x8b: {  	s0 =	sand.u32 $0x1, s1  }
0x8c: {  	s16 =	sshll.u32 s0, $0xA;
	s2 =	sadd.s32 s3, s2  }
0x8d: {  	s2 =	sadd.s32 s2, s16  }
0x8e: {  	[smem:$0x3FBE] =	sst s2  }
0x8f: {  	_ = 	snop  }
0x90: {  	(tm) =	ssettm $0x1  }
0x91: {  	s17 =	sld [smem:$0x3FFB];
	_ =	sdelay $0x3  }
0x92: {  	_ =	strace s17  }
0x93: {  	s2 =	sld [smem:$0x3FFC];
	_ =	sdelay $0x3  }
0x94: {  	_ =	strace s2  }
0x95: {  	s2 =	sld [smem:$0x3FFD];
	_ =	sdelay $0x3  }
0x96: {  	_ =	strace s2  }
0x97: {  	_ =	strace $0x8FFFFFFF  }
0x98: {  	s18 =	sld [smem:$0x3FDB];
	_ =	sdelay $0x1  }
0x99: {  	s19 =	simm.s32 $_scs_section_size  }
0x9a: {  	s4 =	simm.s32 $_size__tile_overlayer_lowered;
	s5 =	simm.s32 $_tile_overlayer_lowered  }
0x9b: {  	s22 =	simm.s32 $0x1BFF;
	s21 =	sshll.u32 s5, $0x1;
	s2 =	sadd.s32 s19, s18  }
0x9c: {  	s6 =	simm.s32 $0x0;
	s20 =	sshll.u32 s4, $0x1;
	s4 =	sadd.s32 s21, s2  }
0x9d: {  	[timem:s6], [sflag:s22] =	dma.local [hbm:s4], s20  }
0x9e: {  	_ =	swait.ge [sflag:s22], s20  }
0x9f: {  	s3 =	ssub.s32 $0x0, s20;
	[sflag:s22] =	ssyncset.done $0x0  }
0xa0: {  	[sflag:s22] =	ssyncadd.s32 s3;
	_ =	sdelay $0x1  }
0xa1: {  	s23 =	simm.s32 $0x1B8B  }
0xa2: {  	_ =	swait.ge [sflag:s23], $0x1  }
0xa3: {  	[sflag:s23] =	ssyncset.done $0x0  }
0xa4: {  	s25 =	simm.s32 $0x1B8E;
	s24 =	sld [smem:$0x3FFE];
	[sflag:s23] =	ssyncadd.s32 $0xFFFFFFFF  }
0xa5: {  	s26 =	simm.s32 $execute0_lowered;
	[smem:$0x3FD2] =	sst s25  }
0xa6: {  	s4 =	sshll.u32 s26, $0x1;
	_ =	strace $0x8000004C;
	[dreg:$0x1] =	wrdreg $0xFFFFFFFF  }
0xa7: {  	s28 =	simm.s32 $_size_execute0_lowered;
	s2 =	sadd.s32 s2, s4;
	[dreg:$0x0] =	wrdreg $0x0  }
0xa8: {  	s4 =	sshll.u32 s28, $0x1;
	[dreg:$0x2] =	wrdreg s2  }
0xa9: {  	[dreg:$0x3] =	wrdreg s4  }
0xaa: {  	[dreg:$0x4] =	wrdreg $0xC0  }
0xab: {  	_ =	task [dreg:s6], $0x5FFFF  }
0xac: {  	[dreg:$0x1] =	wrdreg $0xFFFFFFFF  }
0xad: {  	[dreg:$0x0] =	wrdreg $0x60  }
0xae: {  	[dreg:$0x2] =	wrdreg s24  }
0xaf: {  	[dreg:$0x3] =	wrdreg $0x9  }
0xb0: {  	_ =	task.clear_ibuf [dreg:s6], $0x4FFFF;
	_ =	strace $0x9000004C  }
0xb1: {  	s29 =	simm.s32 $0x9;
	_ =	strace $0x8000004E  }
0xb2: {  	_ =	swait.ge [sflag:s29], $0x1  }
0xb3: {  	[sflag:s29] =	ssyncadd.s32 $0xFFFFFFFF  }
0xb4: {  	_ =	strace $0x9000004E  }
0xb5: {  	_ =	sfence  }
0xb6: {  	s30 =	sld [smem:$0x0];
	_ =	sdelay $0x2  }
0xb7: {  	s31 =	sshll.u32 s1, $0xD;
	s1 =	sshrl.u32 s1, $0x2  }
0xb8: {  	s3 =	sand.u32 $0x4000, s31;
	s1 =	sadd.s32 s1, s30  }
0xb9: {  	s0 =	sor.u32 s3, s0;
	s1 =	sshll.u32 s1, $0x11  }
0xba: {  	s0 =	sor.u32 s1, s0  }
0xbb: {  	s0 =	sadd.s32 $0x8F2B, s0  }
0xbc: {  	[sflag:s0] =	ssyncadd.remote.s32 $0x1  }
0xbd: {  	_ =	sfence.sel $0xFFFF  }
0xbe: {  	[dreg:$0x0] =	wrdreg $0xFFFFFFFF;
	(pc) =	sbr.abs _section_cstart, $3  }
0xbf: {  	[dreg:$0x1] =	wrdreg $0xFFFFFFFF  }
0xc0: {  	_ =	task.clear_ibuf [dreg:s6], $0x2FFFF;
	_ =	strace $0x9FFFFFFF  }
0xc1: {  	(tm) =	ssettm $0x7FFFFFFF  }
tec
execute0_lowered:
.L_overlay_start_1:
0x0: {  	(tag) =	ssettag $0x1  }
0x1: {  	s0 =	rddreg [dreg:$0x0];
	s1 =	srdreg.scid  }
0x2: {  	s2 =	simm.s32 $0x0;
	s3 =	stileid.u32;
	s18 =	simm.s32 $0x1  }
0x3: {  	s20 =	simm.s32 $0x880;
	s21 =	simm.s32 $0x1080;
	s22 =	simm.s32 $0x1880  }
0x4: {  	s23 =	simm.s32 $0x2080;
	s28 =	simm.s32 $0x4080;
	s29 =	simm.s32 $0x4880  }
0x5: {  	s30 =	simm.s32 $0x5080;
	s31 =	simm.s32 $0x5880;
	s11 =	simm.s32 $0x7880  }
0x6: {  	s12 =	simm.s32 $0x8080;
	s13 =	simm.s32 $0x8880;
	s14 =	simm.s32 $0x9080  }
0x7: {  	s15 =	simm.s32 $0x9880;
	s16 =	simm.s32 $0xA080;
	s17 =	simm.s32 $0xA880  }
0x8: {  	s1 =	sand.u32 $0x1, s1;
	[smem:$0x7FF] =	sst s2;
	s3 =	sshll.u32 s3, $0x8  }
0x9: {  	s6 =	sadd.s32 $0x10A800, s0;
	s8 =	sadd.s32 $0x4A800, s0;
	s4 =	sshll.u32 s1, $0x7  }
0xa: {  	_ =	strace $0x8000004D;
	s1 =	ssub.s32 $0x2, s1;
	s5 =	sor.u32 s4, s3  }
0xb: {  	s3 =	sadd.s32 $0x10AA00, s0;
	s7 =	sshrl.u32 s1, $0x1;
	s4 =	sshrl.u32 s5, $0x3  }
0xc: {  	s1 =	ssub.s32 s1, s7;
	s24 =	sshll.u32 s5, $0x7;
	s9 =	sor.u32 $0x40, s5  }
0xd: {  	s5 =	sadd.s32 $0x10AC00, s0;
	s4 =	sadd.s32 s6, s4;
	s7 =	sadd.s32 s8, s24  }
0xe: {  	s10 =	sshrl.u32 s9, $0x3;
	s9 =	sshll.u32 s9, $0x7;
	[dreg:$0x2] =	wrdreg s4  }
0xf: {  	s24 =	simm.s32 $0x2880;
	s4 =	sadd.s32 $0x10AB00, s0;
	[dreg:$0x3] =	wrdreg s7  }
0x10: {  	s25 =	sadd.s32 s6, s10;
	s6 =	sadd.s32 $0x10AD00, s0;
	s26 =	sadd.s32 s8, s9  }
0x11: {  	v2 =	vlaneseq.u32;
	s7 =	smax.u32 s1, $0x1;
	s8 =	simm.s32 $0x2;
	s0 =	simm.s32 $0x80  }
0x12: {  	vm0 =	vmmov $0xffff;
	v1 =	vshrl.u32 v2, $0x3;
	s10 =	simm.s32 $0x7080;
	s9 =	simm.s32 $0xB080;
	[dreg:$0x4] =	wrdreg s25  }
0x13: {  	v0 =	vand.u32 $0x7, v2;
	v2 =	vor.u32 $0x8, v2;
	v1 =	vmul.u32 $0x8, v1;
	[dreg:$0x5] =	wrdreg s26;
	s25 =	simm.s32 $0x3080;
	s26 =	simm.s32 $0x3880  }
.LBB2_1:
0x14: {  	s19 =	rddreg [dreg:$0x2]  }
0x15: {  	[tilespmem:s2], [sflag:$0x2] =	stream.linear.gather [hbm4b:s19+s2], $0x40, $0x38;
	[tilespmem:$0x10080] =	vst v63  }
0x16: {  	_ =	swait.ge [sflag:s8], $0x40  }
0x17: {  	[sflag:s8] =	ssyncset.done $0x0  }
0x18: {  	[sflag:s8] =	ssyncadd.s32 $0xFFFFFFC0  }
0x19: {  	v3 =	vld [tilespmem:$0x0];
	_ =	sdelay $0x4  }
0x1a: {  	v4 =	vshll.u32 v3, $0x3  }
0x1b: {  	v3 =	vand.u32 $0x7, v3;
	v4 =	vand.u32 $0xFFFFFFC0, v4  }
0x1c: {  	v3 =	vor.u32 v3, v4  }
0x1d: {  	v4 =	vperm.xlane v3, v0;
	_ =	sdelay $0x1  }
0x1e: {  	v4 =	vadd.s32 v1, v4;
	_ =	sdelay $0x4  }
0x1f: {  	[tilespmem:s0], [sflag:$0x1] =	stream.indirect_vreg.gather [hbm4b:s3+s2], $0x80, v4, vm0, $0xb8;
	[tilespmem:$0x10080] =	vst v63  }
0x20: {  	v3 =	vperm.xlane v3, v2  }
0x21: {  	[tilespmem:s20], [sflag:$0x1] =	stream.indirect_vreg.gather [hbm4b:s4+s2], $0x80, v4, vm0, $0xb8;
	[tilespmem:$0x10080] =	vst v63  }
0x22: {  	v3 =	vadd.s32 v1, v3  }
0x23: {  	[tilespmem:s21], [sflag:$0x1] =	stream.indirect_vreg.gather [hbm4b:s5+s2], $0x80, v4, vm0, $0xb8;
	[tilespmem:$0x10080] =	vst v63  }
0x24: {  	_ = 	snop  }
0x25: {  	[tilespmem:s22], [sflag:$0x1] =	stream.indirect_vreg.gather [hbm4b:s6+s2], $0x80, v4, vm0, $0xb8;
	[tilespmem:$0x10080] =	vst v63  }
0x26: {  	_ = 	snop  }
0x27: {  	[tilespmem:s23], [sflag:$0x1] =	stream.indirect_vreg.gather [hbm4b:s3+s2], $0x80, v3, vm0, $0xb8;
	[tilespmem:$0x10080] =	vst v63  }
0x28: {  	_ = 	snop  }
0x29: {  	[tilespmem:s24], [sflag:$0x1] =	stream.indirect_vreg.gather [hbm4b:s4+s2], $0x80, v3, vm0, $0xb8;
	[tilespmem:$0x10080] =	vst v63  }
0x2a: {  	_ = 	snop  }
0x2b: {  	[tilespmem:s25], [sflag:$0x1] =	stream.indirect_vreg.gather [hbm4b:s5+s2], $0x80, v3, vm0, $0xb8;
	[tilespmem:$0x10080] =	vst v63  }
0x2c: {  	_ = 	snop  }
0x2d: {  	[tilespmem:s26], [sflag:$0x1] =	stream.indirect_vreg.gather [hbm4b:s6+s2], $0x80, v3, vm0, $0xb8;
	[tilespmem:$0x10080] =	vst v63  }
0x2e: {  	v3 =	vld [tilespmem:$0x10];
	_ =	sdelay $0x4  }
0x2f: {  	v57 =	vshll.u32 v3, $0x3  }
0x30: {  	v3 =	vand.u32 $0x7, v3;
	v4 =	vand.u32 $0xFFFFFFC0, v57  }
0x31: {  	v3 =	vor.u32 v3, v4  }
0x32: {  	v4 =	vperm.xlane v3, v0;
	_ =	sdelay $0x1  }
0x33: {  	v4 =	vadd.s32 v1, v4;
	_ =	sdelay $0x4  }
0x34: {  	[tilespmem:s28], [sflag:$0x1] =	stream.indirect_vreg.gather [hbm4b:s3+s2], $0x80, v4, vm0, $0xb8;
	[tilespmem:$0x10080] =	vst v63  }
0x35: {  	v3 =	vperm.xlane v3, v2  }
0x36: {  	[tilespmem:s29], [sflag:$0x1] =	stream.indirect_vreg.gather [hbm4b:s4+s2], $0x80, v4, vm0, $0xb8;
	[tilespmem:$0x10080] =	vst v63  }
0x37: {  	v3 =	vadd.s32 v1, v3  }
0x38: {  	[tilespmem:s30], [sflag:$0x1] =	stream.indirect_vreg.gather [hbm4b:s5+s2], $0x80, v4, vm0, $0xb8;
	[tilespmem:$0x10080] =	vst v63  }
0x39: {  	_ = 	snop  }
0x3a: {  	[tilespmem:s31], [sflag:$0x1] =	stream.indirect_vreg.gather [hbm4b:s6+s2], $0x80, v4, vm0, $0xb8;
	[tilespmem:$0x10080] =	vst v63  }
0x3b: {  	s1 =	simm.s32 $0x6080  }
0x3c: {  	[tilespmem:s1], [sflag:$0x1] =	stream.indirect_vreg.gather [hbm4b:s3+s2], $0x80, v3, vm0, $0xb8;
	[tilespmem:$0x10080] =	vst v63  }
0x3d: {  	s1 =	simm.s32 $0x6880  }
0x3e: {  	[tilespmem:s1], [sflag:$0x1] =	stream.indirect_vreg.gather [hbm4b:s4+s2], $0x80, v3, vm0, $0xb8;
	[tilespmem:$0x10080] =	vst v63  }
0x3f: {  	_ = 	snop  }
0x40: {  	[tilespmem:s10], [sflag:$0x1] =	stream.indirect_vreg.gather [hbm4b:s5+s2], $0x80, v3, vm0, $0xb8;
	[tilespmem:$0x10080] =	vst v63  }
0x41: {  	_ = 	snop  }
0x42: {  	[tilespmem:s11], [sflag:$0x1] =	stream.indirect_vreg.gather [hbm4b:s6+s2], $0x80, v3, vm0, $0xb8;
	[tilespmem:$0x10080] =	vst v63  }
0x43: {  	v3 =	vld [tilespmem:$0x20];
	_ =	sdelay $0x4  }
0x44: {  	v58 =	vshll.u32 v3, $0x3  }
0x45: {  	v3 =	vand.u32 $0x7, v3;
	v4 =	vand.u32 $0xFFFFFFC0, v58  }
0x46: {  	v3 =	vor.u32 v3, v4  }
0x47: {  	v4 =	vperm.xlane v3, v0;
	_ =	sdelay $0x1  }
0x48: {  	v4 =	vadd.s32 v1, v4;
	_ =	sdelay $0x4  }
0x49: {  	[tilespmem:s12], [sflag:$0x1] =	stream.indirect_vreg.gather [hbm4b:s3+s2], $0x80, v4, vm0, $0xb8;
	[tilespmem:$0x10080] =	vst v63  }
0x4a: {  	v3 =	vperm.xlane v3, v2  }
0x4b: {  	[tilespmem:s13], [sflag:$0x1] =	stream.indirect_vreg.gather [hbm4b:s4+s2], $0x80, v4, vm0, $0xb8;
	[tilespmem:$0x10080] =	vst v63  }
0x4c: {  	v3 =	vadd.s32 v1, v3  }
0x4d: {  	[tilespmem:s14], [sflag:$0x1] =	stream.indirect_vreg.gather [hbm4b:s5+s2], $0x80, v4, vm0, $0xb8;
	[tilespmem:$0x10080] =	vst v63  }
0x4e: {  	_ = 	snop  }
0x4f: {  	[tilespmem:s15], [sflag:$0x1] =	stream.indirect_vreg.gather [hbm4b:s6+s2], $0x80, v4, vm0, $0xb8;
	[tilespmem:$0x10080] =	vst v63  }
0x50: {  	_ = 	snop  }
0x51: {  	[tilespmem:s16], [sflag:$0x1] =	stream.indirect_vreg.gather [hbm4b:s3+s2], $0x80, v3, vm0, $0xb8;
	[tilespmem:$0x10080] =	vst v63  }
0x52: {  	_ = 	snop  }
0x53: {  	[tilespmem:s17], [sflag:$0x1] =	stream.indirect_vreg.gather [hbm4b:s4+s2], $0x80, v3, vm0, $0xb8;
	[tilespmem:$0x10080] =	vst v63  }
0x54: {  	_ = 	snop  }
0x55: {  	[tilespmem:s9], [sflag:$0x1] =	stream.indirect_vreg.gather [hbm4b:s5+s2], $0x80, v3, vm0, $0xb8;
	[tilespmem:$0x10080] =	vst v63  }
0x56: {  	s19 =	simm.s32 $0xB880  }
0x57: {  	[tilespmem:s19], [sflag:$0x1] =	stream.indirect_vreg.gather [hbm4b:s6+s2], $0x80, v3, vm0, $0xb8;
	[tilespmem:$0x10080] =	vst v63  }
0x58: {  	v3 =	vld [tilespmem:$0x30];
	_ =	sdelay $0x4  }
0x59: {  	v59 =	vshll.u32 v3, $0x3  }
0x5a: {  	v3 =	vand.u32 $0x7, v3;
	v4 =	vand.u32 $0xFFFFFFC0, v59  }
0x5b: {  	v3 =	vor.u32 v3, v4  }
0x5c: {  	v4 =	vperm.xlane v3, v0;
	_ =	sdelay $0x1  }
0x5d: {  	v4 =	vadd.s32 v1, v4;
	_ =	sdelay $0x3  }
0x5e: {  	s19 =	simm.s32 $0xC080  }
0x5f: {  	[tilespmem:s19], [sflag:$0x1] =	stream.indirect_vreg.gather [hbm4b:s3+s2], $0x80, v4, vm0, $0xb8;
	[tilespmem:$0x10080] =	vst v63  }
0x60: {  	v3 =	vperm.xlane v3, v2;
	s19 =	simm.s32 $0xC880  }
0x61: {  	[tilespmem:s19], [sflag:$0x1] =	stream.indirect_vreg.gather [hbm4b:s4+s2], $0x80, v4, vm0, $0xb8;
	[tilespmem:$0x10080] =	vst v63  }
0x62: {  	v3 =	vadd.s32 v1, v3;
	s19 =	simm.s32 $0xD080  }
0x63: {  	[tilespmem:s19], [sflag:$0x1] =	stream.indirect_vreg.gather [hbm4b:s5+s2], $0x80, v4, vm0, $0xb8;
	[tilespmem:$0x10080] =	vst v63  }
0x64: {  	s19 =	simm.s32 $0xD880  }
0x65: {  	[tilespmem:s19], [sflag:$0x1] =	stream.indirect_vreg.gather [hbm4b:s6+s2], $0x80, v4, vm0, $0xb8;
	[tilespmem:$0x10080] =	vst v63  }
0x66: {  	s19 =	simm.s32 $0xE080  }
0x67: {  	[tilespmem:s19], [sflag:$0x1] =	stream.indirect_vreg.gather [hbm4b:s3+s2], $0x80, v3, vm0, $0xb8;
	[tilespmem:$0x10080] =	vst v63  }
0x68: {  	s19 =	simm.s32 $0xE880  }
0x69: {  	[tilespmem:s19], [sflag:$0x1] =	stream.indirect_vreg.gather [hbm4b:s4+s2], $0x80, v3, vm0, $0xb8;
	[tilespmem:$0x10080] =	vst v63  }
0x6a: {  	s19 =	simm.s32 $0xF080  }
0x6b: {  	[tilespmem:s19], [sflag:$0x1] =	stream.indirect_vreg.gather [hbm4b:s5+s2], $0x80, v3, vm0, $0xb8;
	[tilespmem:$0x10080] =	vst v63  }
0x6c: {  	s19 =	simm.s32 $0xF880  }
0x6d: {  	[tilespmem:s19], [sflag:$0x1] =	stream.indirect_vreg.gather [hbm4b:s6+s2], $0x80, v3, vm0, $0xb8;
	[tilespmem:$0x10080] =	vst v63  }
0x6e: {  	_ =	swait.ge [sflag:s18], $0x10000  }
0x6f: {  	[sflag:s18] =	ssyncset.done $0x0  }
0x70: {  	s19 =	rddreg [dreg:$0x3];
	[sflag:s18] =	ssyncadd.s32 $0xFFFF0000  }
0x71: {  	[hbm4b:s19+s2] =	stream.linear.scatter [tilespmem:s0], [sflag:$0x2], $0x10000, $0x38;
	[tilespmem:$0x10080] =	vst v63  }
0x72: {  	_ =	swait.ge [sflag:s8], $0x10000  }
0x73: {  	[sflag:s8] =	ssyncset.done $0x0  }
0x74: {  	s19 =	rddreg [dreg:$0x4];
	[sflag:s8] =	ssyncadd.s32 $0xFFFF0000  }
0x75: {  	[tilespmem:s2], [sflag:$0x2] =	stream.linear.gather [hbm4b:s19+s2], $0x40, $0x38;
	[tilespmem:$0x10080] =	vst v63  }
0x76: {  	_ =	swait.ge [sflag:s8], $0x40  }
0x77: {  	[sflag:s8] =	ssyncset.done $0x0  }
0x78: {  	[sflag:s8] =	ssyncadd.s32 $0xFFFFFFC0  }
0x79: {  	v3 =	vld [tilespmem:$0x0];
	_ =	sdelay $0x4  }
0x7a: {  	v60 =	vshll.u32 v3, $0x3  }
0x7b: {  	v3 =	vand.u32 $0x7, v3;
	v4 =	vand.u32 $0xFFFFFFC0, v60  }
0x7c: {  	v3 =	vor.u32 v3, v4  }
0x7d: {  	v4 =	vperm.xlane v3, v0;
	_ =	sdelay $0x1  }
0x7e: {  	v4 =	vadd.s32 v1, v4;
	_ =	sdelay $0x4  }
0x7f: {  	[tilespmem:s0], [sflag:$0x1] =	stream.indirect_vreg.gather [hbm4b:s3+s2], $0x80, v4, vm0, $0xb8;
	[tilespmem:$0x10080] =	vst v63  }
0x80: {  	v3 =	vperm.xlane v3, v2  }
0x81: {  	[tilespmem:s20], [sflag:$0x1] =	stream.indirect_vreg.gather [hbm4b:s4+s2], $0x80, v4, vm0, $0xb8;
	[tilespmem:$0x10080] =	vst v63  }
0x82: {  	v3 =	vadd.s32 v1, v3  }
0x83: {  	[tilespmem:s21], [sflag:$0x1] =	stream.indirect_vreg.gather [hbm4b:s5+s2], $0x80, v4, vm0, $0xb8;
	[tilespmem:$0x10080] =	vst v63  }
0x84: {  	_ = 	snop  }
0x85: {  	[tilespmem:s22], [sflag:$0x1] =	stream.indirect_vreg.gather [hbm4b:s6+s2], $0x80, v4, vm0, $0xb8;
	[tilespmem:$0x10080] =	vst v63  }
0x86: {  	_ = 	snop  }
0x87: {  	[tilespmem:s23], [sflag:$0x1] =	stream.indirect_vreg.gather [hbm4b:s3+s2], $0x80, v3, vm0, $0xb8;
	[tilespmem:$0x10080] =	vst v63  }
0x88: {  	_ = 	snop  }
0x89: {  	[tilespmem:s24], [sflag:$0x1] =	stream.indirect_vreg.gather [hbm4b:s4+s2], $0x80, v3, vm0, $0xb8;
	[tilespmem:$0x10080] =	vst v63  }
0x8a: {  	_ = 	snop  }
0x8b: {  	[tilespmem:s25], [sflag:$0x1] =	stream.indirect_vreg.gather [hbm4b:s5+s2], $0x80, v3, vm0, $0xb8;
	[tilespmem:$0x10080] =	vst v63  }
0x8c: {  	_ = 	snop  }
0x8d: {  	[tilespmem:s26], [sflag:$0x1] =	stream.indirect_vreg.gather [hbm4b:s6+s2], $0x80, v3, vm0, $0xb8;
	[tilespmem:$0x10080] =	vst v63  }
0x8e: {  	v3 =	vld [tilespmem:$0x10];
	_ =	sdelay $0x4  }
0x8f: {  	v61 =	vshll.u32 v3, $0x3  }
0x90: {  	v3 =	vand.u32 $0x7, v3;
	v4 =	vand.u32 $0xFFFFFFC0, v61  }
0x91: {  	v3 =	vor.u32 v3, v4  }
0x92: {  	v4 =	vperm.xlane v3, v0;
	_ =	sdelay $0x1  }
0x93: {  	v4 =	vadd.s32 v1, v4;
	_ =	sdelay $0x4  }
0x94: {  	[tilespmem:s28], [sflag:$0x1] =	stream.indirect_vreg.gather [hbm4b:s3+s2], $0x80, v4, vm0, $0xb8;
	[tilespmem:$0x10080] =	vst v63  }
0x95: {  	v3 =	vperm.xlane v3, v2  }
0x96: {  	[tilespmem:s29], [sflag:$0x1] =	stream.indirect_vreg.gather [hbm4b:s4+s2], $0x80, v4, vm0, $0xb8;
	[tilespmem:$0x10080] =	vst v63  }
0x97: {  	v3 =	vadd.s32 v1, v3  }
0x98: {  	[tilespmem:s30], [sflag:$0x1] =	stream.indirect_vreg.gather [hbm4b:s5+s2], $0x80, v4, vm0, $0xb8;
	[tilespmem:$0x10080] =	vst v63  }
0x99: {  	_ = 	snop  }
0x9a: {  	[tilespmem:s31], [sflag:$0x1] =	stream.indirect_vreg.gather [hbm4b:s6+s2], $0x80, v4, vm0, $0xb8;
	[tilespmem:$0x10080] =	vst v63  }
0x9b: {  	s19 =	simm.s32 $0x6080  }
0x9c: {  	[tilespmem:s19], [sflag:$0x1] =	stream.indirect_vreg.gather [hbm4b:s3+s2], $0x80, v3, vm0, $0xb8;
	[tilespmem:$0x10080] =	vst v63  }
0x9d: {  	_ = 	snop  }
0x9e: {  	[tilespmem:s1], [sflag:$0x1] =	stream.indirect_vreg.gather [hbm4b:s4+s2], $0x80, v3, vm0, $0xb8;
	[tilespmem:$0x10080] =	vst v63  }
0x9f: {  	_ = 	snop  }
0xa0: {  	[tilespmem:s10], [sflag:$0x1] =	stream.indirect_vreg.gather [hbm4b:s5+s2], $0x80, v3, vm0, $0xb8;
	[tilespmem:$0x10080] =	vst v63  }
0xa1: {  	_ = 	snop  }
0xa2: {  	[tilespmem:s11], [sflag:$0x1] =	stream.indirect_vreg.gather [hbm4b:s6+s2], $0x80, v3, vm0, $0xb8;
	[tilespmem:$0x10080] =	vst v63  }
0xa3: {  	v3 =	vld [tilespmem:$0x20];
	_ =	sdelay $0x4  }
0xa4: {  	v62 =	vshll.u32 v3, $0x3  }
0xa5: {  	v3 =	vand.u32 $0x7, v3;
	v4 =	vand.u32 $0xFFFFFFC0, v62  }
0xa6: {  	v3 =	vor.u32 v3, v4  }
0xa7: {  	v4 =	vperm.xlane v3, v0;
	_ =	sdelay $0x1  }
0xa8: {  	v4 =	vadd.s32 v1, v4;
	_ =	sdelay $0x4  }
0xa9: {  	[tilespmem:s12], [sflag:$0x1] =	stream.indirect_vreg.gather [hbm4b:s3+s2], $0x80, v4, vm0, $0xb8;
	[tilespmem:$0x10080] =	vst v63  }
0xaa: {  	v3 =	vperm.xlane v3, v2  }
0xab: {  	[tilespmem:s13], [sflag:$0x1] =	stream.indirect_vreg.gather [hbm4b:s4+s2], $0x80, v4, vm0, $0xb8;
	[tilespmem:$0x10080] =	vst v63  }
0xac: {  	v3 =	vadd.s32 v1, v3  }
0xad: {  	[tilespmem:s14], [sflag:$0x1] =	stream.indirect_vreg.gather [hbm4b:s5+s2], $0x80, v4, vm0, $0xb8;
	[tilespmem:$0x10080] =	vst v63  }
0xae: {  	_ = 	snop  }
0xaf: {  	[tilespmem:s15], [sflag:$0x1] =	stream.indirect_vreg.gather [hbm4b:s6+s2], $0x80, v4, vm0, $0xb8;
	[tilespmem:$0x10080] =	vst v63  }
0xb0: {  	_ = 	snop  }
0xb1: {  	[tilespmem:s16], [sflag:$0x1] =	stream.indirect_vreg.gather [hbm4b:s3+s2], $0x80, v3, vm0, $0xb8;
	[tilespmem:$0x10080] =	vst v63  }
0xb2: {  	_ = 	snop  }
0xb3: {  	[tilespmem:s17], [sflag:$0x1] =	stream.indirect_vreg.gather [hbm4b:s4+s2], $0x80, v3, vm0, $0xb8;
	[tilespmem:$0x10080] =	vst v63  }
0xb4: {  	_ = 	snop  }
0xb5: {  	[tilespmem:s9], [sflag:$0x1] =	stream.indirect_vreg.gather [hbm4b:s5+s2], $0x80, v3, vm0, $0xb8;
	[tilespmem:$0x10080] =	vst v63  }
0xb6: {  	s19 =	simm.s32 $0xB880  }
0xb7: {  	[tilespmem:s19], [sflag:$0x1] =	stream.indirect_vreg.gather [hbm4b:s6+s2], $0x80, v3, vm0, $0xb8;
	[tilespmem:$0x10080] =	vst v63  }
0xb8: {  	v3 =	vld [tilespmem:$0x30];
	_ =	sdelay $0x4  }
0xb9: {  	v63 =	vshll.u32 v3, $0x3  }
0xba: {  	v3 =	vand.u32 $0x7, v3;
	v4 =	vand.u32 $0xFFFFFFC0, v63  }
0xbb: {  	v3 =	vor.u32 v3, v4  }
0xbc: {  	v4 =	vperm.xlane v3, v0;
	_ =	sdelay $0x1  }
0xbd: {  	v4 =	vadd.s32 v1, v4;
	_ =	sdelay $0x3  }
0xbe: {  	s19 =	simm.s32 $0xC080  }
0xbf: {  	[tilespmem:s19], [sflag:$0x1] =	stream.indirect_vreg.gather [hbm4b:s3+s2], $0x80, v4, vm0, $0xb8;
	[tilespmem:$0x10080] =	vst v63  }
0xc0: {  	v3 =	vperm.xlane v3, v2;
	s19 =	simm.s32 $0xC880  }
0xc1: {  	[tilespmem:s19], [sflag:$0x1] =	stream.indirect_vreg.gather [hbm4b:s4+s2], $0x80, v4, vm0, $0xb8;
	[tilespmem:$0x10080] =	vst v63  }
0xc2: {  	v3 =	vadd.s32 v1, v3;
	s19 =	simm.s32 $0xD080  }
0xc3: {  	[tilespmem:s19], [sflag:$0x1] =	stream.indirect_vreg.gather [hbm4b:s5+s2], $0x80, v4, vm0, $0xb8;
	[tilespmem:$0x10080] =	vst v63  }
0xc4: {  	s19 =	simm.s32 $0xD880  }
0xc5: {  	[tilespmem:s19], [sflag:$0x1] =	stream.indirect_vreg.gather [hbm4b:s6+s2], $0x80, v4, vm0, $0xb8;
	[tilespmem:$0x10080] =	vst v63  }
0xc6: {  	s19 =	simm.s32 $0xE080  }
0xc7: {  	[tilespmem:s19], [sflag:$0x1] =	stream.indirect_vreg.gather [hbm4b:s3+s2], $0x80, v3, vm0, $0xb8;
	[tilespmem:$0x10080] =	vst v63  }
0xc8: {  	s19 =	simm.s32 $0xE880  }
0xc9: {  	[tilespmem:s19], [sflag:$0x1] =	stream.indirect_vreg.gather [hbm4b:s4+s2], $0x80, v3, vm0, $0xb8;
	[tilespmem:$0x10080] =	vst v63  }
0xca: {  	s19 =	simm.s32 $0xF080  }
0xcb: {  	[tilespmem:s19], [sflag:$0x1] =	stream.indirect_vreg.gather [hbm4b:s5+s2], $0x80, v3, vm0, $0xb8;
	[tilespmem:$0x10080] =	vst v63  }
0xcc: {  	s19 =	simm.s32 $0xF880  }
0xcd: {  	[tilespmem:s19], [sflag:$0x1] =	stream.indirect_vreg.gather [hbm4b:s6+s2], $0x80, v3, vm0, $0xb8;
	[tilespmem:$0x10080] =	vst v63  }
0xce: {  	_ =	swait.ge [sflag:s18], $0x10000  }
0xcf: {  	p0 =	sne.s32 s7, $0x1;
	[sflag:s18] =	ssyncset.done $0x0  }
.Ltmp0:
0xd0: {  	s1 =	rddreg [dreg:$0x5];
	[sflag:s18] =	ssyncadd.s32 $0xFFFF0000;
	(pc) =	sbr.rel @p0 .LBB2_1-.Ltmp0, $4  }
0xd1: {  	[hbm4b:s1+s2] =	stream.linear.scatter [tilespmem:s0], [sflag:$0x2], $0x10000, $0x38;
	[tilespmem:$0x10080] =	vst v63  }
0xd2: {  	_ =	swait.ge [sflag:s8], $0x10000  }
0xd3: {  	[sflag:s8] =	ssyncset.done $0x0  }
0xd4: {  	s7 =	sadd.s32 $0xFFFFFFFF, s7;
	[sflag:s8] =	ssyncadd.s32 $0xFFFF0000  }
0xd5: {  	_ =	sfence.sel $0x180000  }
0xd6: {  	[bflag:$0x0] =	sbarrier.arrive $0xFFFF  }
0xd7: {  	_ =	strace $0x9000004D  }
0xd8: {  	s0 =	stileid.u32;
	[bflag:$0x2] =	sbarrier.arrive $0xFFFF  }
0xd9: {  	p0 =	sne.s32 s0, $0x0;
	s0 =	rddreg [dreg:$0x1]  }
0xda: {  	s0 =	sadd.s32 @!p0 $0x100000, s0  }
0xdb: {  	[sflag:s0] =	ssyncadd.tile.s32 @!p0 $0x1;
	_ =	shalt  }
.Lfunc_end2:
_tile_overlayer_lowered:
.L_overlay_start_2:
0xdc: {  	(tag) =	ssettag $0x2  }
0xdd: {  	s0 =	rddreg [dreg:$0x0];
	s2 =	stileid.u32  }
0xde: {  	s1 =	rddreg [dreg:$0x1];
	p0 =	sne.s32 s2, $0x0  }
0xdf: {  	s3 =	rddreg [dreg:$0x2];
	[bflag:$0x3] =	sbarrier.arrive $0xFFFF;
	s2 =	simm.s32 @!p0 $0x1C02  }
0xe0: {  	[timem:s3], [sflag:s2] =	dma.local @!p0 [hbm:s0], s1  }
0xe1: {  	s0 =	simm.s32 @!p0 $0x2  }
0xe2: {  	_ =	swait.ge @!p0 [sflag:s0], s1  }
0xe3: {  	s1 =	ssub.s32 @!p0 $0x0, s1;
	[sflag:s0] =	ssyncset.done @!p0 $0x0  }
0xe4: {  	[sflag:s0] =	ssyncadd.s32 @!p0 s1  }
0xe5: {  	[bflag:$0x3] =	sbarrier.arrive $0xFFFF  }
0xe6: {  	_ =	shalt  }

// kernel: kernel.8.cloned.1.call-start
scs
__scs_entry_jumppad:
0x0: {  	(pc) =	sbr.rel $0x88, $3  }
0x1: {  	(tag) =	ssettag $0x0;
	lr =	simm.s32 $0x1  }
0x2: {  	[smem:$0x3F97] =	sst lr;
	_ =	strace $0xD0000000  }
0x3: {  	_ = 	snop  }
0x4: {  	_ = 	snop  }
0x5: {  	_ = 	snop  }
0x6: {  	_ = 	snop  }
0x7: {  	_ = 	snop  }
__scs_overlays_trampoline_lowered:
0x8: {  	[smem:$0x3FA6] =	sst s0  }
0x9: {  	[smem:$0x3FA7] =	sst s1  }
0xa: {  	[smem:$0x3FA8] =	sst s2  }
0xb: {  	[smem:$0x3FA9] =	sst s3  }
0xc: {  	[smem:$0x3FAA] =	sst s4  }
0xd: {  	[smem:$0x3FAB] =	sst s5  }
0xe: {  	[smem:$0x3FAC] =	sst s6  }
0xf: {  	[smem:$0x3FAD] =	sst s7  }
0x10: {  	[smem:$0x3FAE] =	sst s8  }
0x11: {  	[smem:$0x3FAF] =	sst s9;
	s0 =	simm.s32 @!p0 $0x0  }
0x12: {  	s1 =	sld [smem:$0x3F95];
	s0 =	simm.s32 @p0 $0x1  }
0x13: {  	[smem:$0x3FB0] =	sst s0;
	s0 =	simm.s32 @!p1 $0x0  }
0x14: {  	s2 =	sld [smem:$0x3F94];
	s0 =	simm.s32 @p1 $0x1  }
0x15: {  	[smem:$0x3FB1] =	sst s0;
	s0 =	simm.s32 @!p2 $0x0  }
0x16: {  	s3 =	sld [smem:$0x3FDB];
	s0 =	simm.s32 @p2 $0x1  }
0x17: {  	s4 =	simm.s32 $0x1BF5;
	[smem:$0x3FB3] =	sst s0  }
0x18: {  	s0 =	sld [smem:$0x3F96];
	_ =	swait.ge [sflag:s4], $0x0  }
0x19: {  	s7 =	sld [smem:$0x3F97]  }
0x1a: {  	s8 =	sadd.s32 $0xFFFFE003, lr  }
0x1b: {  	s9 =	sadd.s32 $0xFFFFFEF7, lr;
	s5 =	simm.s32 $0xFFFFFFFF;
	p2 =	slt.u32 s8, $0xFFFFF086  }
0x1c: {  	p1 =	slt.u32 s9, $0xF7A;
	s5 =	simm.s32 @!p2 $0x0  }
0x1d: {  	s5 =	simm.s32 @p1 $0x1;
	p0 =	seq.s32 s7, s2  }
0x1e: {  	s7 =	smul.u32 @!p0 $0xF7A, s2;
	p2 =	seq.s32 @!p0 s5, $0x0  }
0x1f: {  	s9 =	smul.u32 $0xF7A, s1;
	s8 =	simm.s32 @!p0 $0x1BF5;
	p2 =	por !p2, p0  }
0x20: {  	[sflag:s8] =	ssyncset.s32 @!p0 $0xFFFFF086;
	s6 =	sadd.s32 @!p0 s3, s7;
	s7 =	simm.s32 @!p0 $0x108  }
0x21: {  	s3 =	sadd.s32 s3, s9;
	s6 =	sadd.s32 @!p0 $0x88, s6;
	s7 =	simm.s32 @p2 $0x1082  }
0x22: {  	[simem:s7], [sflag:s8] =	dma.local @!p0 [hbm:s6], $0xF7A  }
0x23: {  	s9 =	sor.u32 $0xD0000000, s2;
	s6 =	simm.s32 $0x108;
	_ =	swait.ge @!p0 [sflag:s8], $0x0  }
0x24: {  	s3 =	sadd.s32 $0x88, s3;
	s6 =	simm.s32 @!p1 $0x1082;
	[sflag:s4] =	ssyncset.s32 $0xFFFFF086  }
0x25: {  	[simem:s6], [sflag:s4] =	dma.local [hbm:s3], $0xF7A  }
0x26: {  	[smem:$0x3F97] =	sst s1;
	(tag) =	ssettag s2;
	_ =	strace s9  }
0x27: {  	s1 =	sld [smem:$0x3FA7]  }
0x28: {  	s2 =	sld [smem:$0x3FA8]  }
0x29: {  	s4 =	sld [smem:$0x3FAA]  }
0x2a: {  	p0 =	seq.s32 s5, $0x0;
	s5 =	sld [smem:$0x3FAB]  }
0x2b: {  	s6 =	sld [smem:$0x3FAC]  }
0x2c: {  	s7 =	sld [smem:$0x3FAD]  }
0x2d: {  	s3 =	simm.s32 $0x108;
	s8 =	sld [smem:$0x3FAE]  }
0x2e: {  	s3 =	simm.s32 @!p0 $0x1082;
	s9 =	sld [smem:$0x3FAF]  }
0x2f: {  	lr =	sadd.s32 s0, s3;
	s0 =	sld [smem:$0x3FA6]  }
0x30: {  	s3 =	sld [smem:$0x3FA9]  }
0x31: {  	[smem:$0x3FB2] =	sst s10  }
0x32: {  	s10 =	sld [smem:$0x3FB0];
	_ =	sdelay $0x3  }
0x33: {  	p0 =	seq.s32 s10, $0x1;
	s10 =	sld [smem:$0x3FB2];
	_ =	sdelay $0x3  }
0x34: {  	[smem:$0x3FB2] =	sst s10  }
0x35: {  	s10 =	sld [smem:$0x3FB1];
	_ =	sdelay $0x3  }
0x36: {  	p1 =	seq.s32 s10, $0x1;
	s10 =	sld [smem:$0x3FB2];
	_ =	sdelay $0x3  }
0x37: {  	[smem:$0x3FB2] =	sst s10  }
0x38: {  	s10 =	sld [smem:$0x3FB3]  }
0x39: {  	_ = 	snop;
	(pc) =	sbr.ind lr, $3  }
0x3a: {  	_ = 	snop  }
0x3b: {  	_ = 	snop  }
0x3c: {  	p2 =	seq.s32 s10, $0x1;
	s10 =	sld [smem:$0x3FB2]  }
0x3d: {  	_ =	shalt  }
0x3e: {  	_ =	shalt  }
0x3f: {  	_ =	shalt  }
0x40: {  	_ =	shalt  }
0x41: {  	_ =	shalt  }
0x42: {  	_ =	shalt  }
0x43: {  	_ =	shalt  }
0x44: {  	_ =	shalt  }
0x45: {  	_ =	shalt  }
0x46: {  	_ =	shalt  }
0x47: {  	_ =	shalt  }
0x48: {  	_ =	shalt  }
0x49: {  	_ =	shalt  }
0x4a: {  	_ =	shalt  }
0x4b: {  	_ =	shalt  }
0x4c: {  	_ =	shalt  }
0x4d: {  	_ =	shalt  }
0x4e: {  	_ =	shalt  }
0x4f: {  	_ =	shalt  }
0x50: {  	_ =	shalt  }
0x51: {  	_ =	shalt  }
0x52: {  	_ =	shalt  }
0x53: {  	_ =	shalt  }
0x54: {  	_ =	shalt  }
0x55: {  	_ =	shalt  }
0x56: {  	_ =	shalt  }
0x57: {  	_ =	shalt  }
0x58: {  	_ =	shalt  }
0x59: {  	_ =	shalt  }
0x5a: {  	_ =	shalt  }
0x5b: {  	_ =	shalt  }
0x5c: {  	_ =	shalt  }
0x5d: {  	_ =	shalt  }
0x5e: {  	_ =	shalt  }
0x5f: {  	_ =	shalt  }
0x60: {  	_ =	shalt  }
0x61: {  	_ =	shalt  }
0x62: {  	_ =	shalt  }
0x63: {  	_ =	shalt  }
0x64: {  	_ =	shalt  }
0x65: {  	_ =	shalt  }
0x66: {  	_ =	shalt  }
0x67: {  	_ =	shalt  }
0x68: {  	_ =	shalt  }
0x69: {  	_ =	shalt  }
0x6a: {  	_ =	shalt  }
0x6b: {  	_ =	shalt  }
0x6c: {  	_ =	shalt  }
0x6d: {  	_ =	shalt  }
0x6e: {  	_ =	shalt  }
0x6f: {  	_ =	shalt  }
0x70: {  	_ =	shalt  }
0x71: {  	_ =	shalt  }
0x72: {  	_ =	shalt  }
0x73: {  	_ =	shalt  }
0x74: {  	_ =	shalt  }
0x75: {  	_ =	shalt  }
0x76: {  	_ =	shalt  }
0x77: {  	_ =	shalt  }
0x78: {  	_ =	shalt  }
0x79: {  	_ =	shalt  }
0x7a: {  	_ =	shalt  }
0x7b: {  	_ =	shalt  }
0x7c: {  	_ =	shalt  }
0x7d: {  	_ =	shalt  }
0x7e: {  	_ =	shalt  }
0x7f: {  	_ =	shalt  }
0x80: {  	_ =	shalt  }
0x81: {  	_ =	shalt  }
0x82: {  	_ =	shalt  }
0x83: {  	_ =	shalt  }
0x84: {  	_ =	shalt  }
0x85: {  	_ =	shalt  }
0x86: {  	_ =	shalt  }
0x87: {  	_ =	shalt  }
.Lfunc_end0:
.L_simem_size_0:
called_computation_lowered:
.L_overlay_start_0:
0x88: {  	s2 =	sld [smem:$0x3FD9]  }
0x89: {  	s3 =	sld [smem:$0x3FFE];
	_ =	sdelay $0x1  }
0x8a: {  	s1 =	srdreg.scid  }
0x8b: {  	s0 =	sand.u32 $0x1, s1  }
0x8c: {  	s17 =	sshll.u32 s0, $0xA;
	s2 =	sadd.s32 s3, s2  }
0x8d: {  	s2 =	sadd.s32 s2, s17  }
0x8e: {  	[smem:$0x3FBE] =	sst s2  }
0x8f: {  	_ = 	snop  }
0x90: {  	s2 =	sld [smem:$0x3FC9]  }
0x91: {  	s18 =	sld [smem:$0x3FC8];
	(tm) =	ssettm $0x1  }
0x92: {  	s4 =	sld [smem:$0x3FFB];
	_ =	sdelay $0x3  }
0x93: {  	_ =	strace s4  }
0x94: {  	s4 =	sld [smem:$0x3FFC];
	_ =	sdelay $0x3  }
0x95: {  	_ =	strace s4  }
0x96: {  	s4 =	sld [smem:$0x3FFD];
	_ =	sdelay $0x3  }
0x97: {  	_ =	strace s4  }
0x98: {  	_ =	strace $0x8FFFFFFF  }
0x99: {  	s19 =	sld [smem:$0x3FDB];
	_ =	sdelay $0x1  }
0x9a: {  	s5 =	simm.s32 $_scs_section_size  }
0x9b: {  	s6 =	simm.s32 $_size__tile_overlayer_lowered;
	s7 =	simm.s32 $_tile_overlayer_lowered  }
0x9c: {  	s22 =	simm.s32 $0x1BFF;
	s21 =	sshll.u32 s7, $0x1;
	s4 =	sadd.s32 s5, s19  }
0x9d: {  	s8 =	simm.s32 $0x0;
	s20 =	sshll.u32 s6, $0x1;
	s6 =	sadd.s32 s21, s4  }
0x9e: {  	[timem:s8], [sflag:s22] =	dma.local [hbm:s6], s20  }
0x9f: {  	_ =	swait.ge [sflag:s22], s20  }
0xa0: {  	s5 =	ssub.s32 $0x0, s20;
	[sflag:s22] =	ssyncset.done $0x0  }
0xa1: {  	[sflag:s22] =	ssyncadd.s32 s5;
	_ =	sdelay $0x1  }
0xa2: {  	s23 =	simm.s32 $0x1B8B  }
0xa3: {  	_ =	swait.ge [sflag:s23], $0x1  }
0xa4: {  	[sflag:s23] =	ssyncset.done $0x0  }
0xa5: {  	s25 =	simm.s32 $0x1B8E;
	s24 =	sld [smem:$0x3FFE];
	[sflag:s23] =	ssyncadd.s32 $0xFFFFFFFF  }
0xa6: {  	s26 =	simm.s32 $execute0_lowered;
	[smem:$0x3FD2] =	sst s25  }
0xa7: {  	s6 =	sshll.u32 s26, $0x1;
	_ =	strace $0x80000046;
	[dreg:$0x1] =	wrdreg $0xFFFFFFFF  }
0xa8: {  	s28 =	simm.s32 $_size_execute0_lowered;
	s4 =	sadd.s32 s4, s6;
	[dreg:$0x0] =	wrdreg $0x0  }
0xa9: {  	s6 =	sshll.u32 s28, $0x1;
	[dreg:$0x2] =	wrdreg s4  }
0xaa: {  	[dreg:$0x3] =	wrdreg s6  }
0xab: {  	[dreg:$0x4] =	wrdreg $0xC0  }
0xac: {  	_ =	task [dreg:s8], $0x5FFFF  }
0xad: {  	[dreg:$0x1] =	wrdreg $0xFFFFFFFF  }
0xae: {  	[dreg:$0x0] =	wrdreg $0x60  }
0xaf: {  	[dreg:$0x2] =	wrdreg s18  }
0xb0: {  	[dreg:$0x3] =	wrdreg s2  }
0xb1: {  	[dreg:$0x4] =	wrdreg s24  }
0xb2: {  	[dreg:$0x5] =	wrdreg $0x9  }
0xb3: {  	_ =	task.clear_ibuf [dreg:s8], $0x6FFFF;
	_ =	strace $0x90000046  }
0xb4: {  	s29 =	simm.s32 $0x9;
	_ =	strace $0x80000048  }
0xb5: {  	_ =	swait.ge [sflag:s29], $0x1  }
0xb6: {  	[sflag:s29] =	ssyncadd.s32 $0xFFFFFFFF  }
0xb7: {  	_ =	strace $0x90000048  }
0xb8: {  	_ =	sfence  }
0xb9: {  	s30 =	sld [smem:$0x0];
	_ =	sdelay $0x2  }
0xba: {  	s31 =	sshll.u32 s1, $0xD;
	s1 =	sshrl.u32 s1, $0x2  }
0xbb: {  	s3 =	sand.u32 $0x4000, s31;
	s1 =	sadd.s32 s1, s30  }
0xbc: {  	s0 =	sor.u32 s3, s0;
	s1 =	sshll.u32 s1, $0x11  }
0xbd: {  	s0 =	sor.u32 s1, s0  }
0xbe: {  	s0 =	sadd.s32 $0x8F2B, s0  }
0xbf: {  	[sflag:s0] =	ssyncadd.remote.s32 $0x1  }
0xc0: {  	_ =	sfence.sel $0xFFFF  }
0xc1: {  	[dreg:$0x0] =	wrdreg $0xFFFFFFFF;
	(pc) =	sbr.abs _section_cstart, $3  }
0xc2: {  	[dreg:$0x1] =	wrdreg $0xFFFFFFFF  }
0xc3: {  	_ =	task.clear_ibuf [dreg:s8], $0x2FFFF;
	_ =	strace $0x9FFFFFFF  }
0xc4: {  	(tm) =	ssettm $0x7FFFFFFF  }
0xc5: {  	_ =	shalt  }
tec
execute0_lowered:
.L_overlay_start_1:
0x0: {  	(tag) =	ssettag $0x1  }
0x1: {  	s1 =	rddreg [dreg:$0x0]  }
0x2: {  	s2 =	srdreg.scid;
	s4 =	rddreg [dreg:$0x1]  }
0x3: {  	s0 =	stileid.u32;
	s5 =	rddreg [dreg:$0x2];
	s3 =	simm.s32 $0x0  }
0x4: {  	s17 =	simm.s32 $0x880;
	s18 =	simm.s32 $0x1080;
	s19 =	simm.s32 $0x1880  }
0x5: {  	s21 =	simm.s32 $0x2080;
	s22 =	simm.s32 $0x2880;
	s23 =	simm.s32 $0x3080  }
0x6: {  	s24 =	simm.s32 $0x3880;
	s8 =	simm.s32 $0x4080;
	[smem:$0x7FF] =	sst s3  }
0x7: {  	s25 =	simm.s32 $0x4880;
	_ =	strace $0x80000047;
	[dreg:$0x6] =	wrdreg s17  }
0x8: {  	s26 =	simm.s32 $0x5080;
	s9 =	simm.s32 $0x80;
	[dreg:$0x7] =	wrdreg s18  }
0x9: {  	s11 =	simm.s32 $0x6080;
	s12 =	simm.s32 $0x6880;
	[dreg:$0x8] =	wrdreg s19  }
0xa: {  	s13 =	simm.s32 $0x7080;
	s14 =	simm.s32 $0x7880;
	[dreg:$0x9] =	wrdreg s21  }
0xb: {  	s15 =	simm.s32 $0x8080;
	s28 =	simm.s32 $0xE080;
	[dreg:$0xa] =	wrdreg s22  }
0xc: {  	s29 =	simm.s32 $0xE880;
	s30 =	simm.s32 $0xF080;
	[dreg:$0xb] =	wrdreg s23  }
0xd: {  	s31 =	simm.s32 $0xF880;
	s2 =	sand.u32 $0x1, s2;
	[dreg:$0xc] =	wrdreg s24  }
0xe: {  	s6 =	sshll.u32 s0, $0x7;
	s7 =	sshll.u32 s2, $0x6;
	[dreg:$0xd] =	wrdreg s8  }
0xf: {  	s2 =	ssub.s32 $0x2, s2;
	s8 =	simm.s32 $0x2;
	[dreg:$0xe] =	wrdreg s25  }
0x10: {  	[dreg:$0xf] =	wrdreg s26;
	s17 =	simm.s32 $0x9080;
	s18 =	simm.s32 $0x9880  }
0x11: {  	s19 =	simm.s32 $0xA080;
	s21 =	simm.s32 $0xB080;
	s22 =	simm.s32 $0xB880  }
0x12: {  	s23 =	simm.s32 $0xC080;
	s24 =	simm.s32 $0xC880;
	s25 =	simm.s32 $0xD080  }
0x13: {  	s26 =	simm.s32 $0xD880;
	s6 =	sor.u32 s7, s6;
	s20 =	sshrl.u32 s2, $0x1  }
0x14: {  	s7 =	sshll.u32 s6, $0x7;
	s6 =	sshrl.u32 s6, $0x3;
	s2 =	ssub.s32 s2, s20  }
0x15: {  	s20 =	simm.s32 $0xA880;
	s5 =	sadd.s32 s7, s5;
	s4 =	sadd.s32 s4, s6  }
0x16: {  	v2 =	vlaneseq.u32;
	s6 =	sadd.s32 $0x300, s1;
	s7 =	smax.u32 s2, $0x1;
	s2 =	simm.s32 $0x1  }
0x17: {  	vm0 =	vmmov $0xffff;
	v1 =	vshrl.u32 v2, $0x3;
	[dreg:$0x4] =	wrdreg s4;
	s16 =	sadd.s32 $0x2800, s5;
	s4 =	sadd.s32 $0x100, s1  }
0x18: {  	v0 =	vand.u32 $0x7, v2;
	v2 =	vor.u32 $0x8, v2;
	v1 =	vmul.u32 $0x8, v1;
	s5 =	sadd.s32 $0x200, s1;
	[dreg:$0x5] =	wrdreg s16;
	s16 =	simm.s32 $0x8880  }
.LBB2_1:
0x19: {  	s0 =	rddreg [dreg:$0x4]  }
0x1a: {  	[tilespmem:s3], [sflag:$0x2] =	stream.linear.gather [hbm4b:s0+s3], $0x40, $0x38;
	[tilespmem:$0x10080] =	vst v63  }
0x1b: {  	_ =	swait.ge [sflag:s8], $0x40  }
0x1c: {  	[sflag:s8] =	ssyncset.done $0x0  }
0x1d: {  	[sflag:s8] =	ssyncadd.s32 $0xFFFFFFC0  }
0x1e: {  	v3 =	vld [tilespmem:$0x0];
	_ =	sdelay $0x4  }
0x1f: {  	v4 =	vshll.u32 v3, $0x3  }
0x20: {  	v3 =	vand.u32 $0x7, v3;
	v4 =	vand.u32 $0xFFFFFFC0, v4  }
0x21: {  	v3 =	vor.u32 v3, v4  }
0x22: {  	v4 =	vperm.xlane v3, v0;
	_ =	sdelay $0x1  }
0x23: {  	v4 =	vadd.s32 v1, v4;
	_ =	sdelay $0x4  }
0x24: {  	[tilespmem:s9], [sflag:$0x1] =	stream.indirect_vreg.gather [hbm4b:s1+s3], $0x80, v4, vm0, $0xb8;
	[tilespmem:$0x10080] =	vst v63  }
0x25: {  	s0 =	rddreg [dreg:$0x6];
	v3 =	vperm.xlane v3, v2  }
0x26: {  	[tilespmem:s0], [sflag:$0x1] =	stream.indirect_vreg.gather [hbm4b:s4+s3], $0x80, v4, vm0, $0xb8;
	[tilespmem:$0x10080] =	vst v63  }
0x27: {  	s10 =	rddreg [dreg:$0x7];
	v3 =	vadd.s32 v1, v3  }
0x28: {  	[tilespmem:s10], [sflag:$0x1] =	stream.indirect_vreg.gather [hbm4b:s5+s3], $0x80, v4, vm0, $0xb8;
	[tilespmem:$0x10080] =	vst v63  }
0x29: {  	s0 =	rddreg [dreg:$0x8]  }
0x2a: {  	[tilespmem:s0], [sflag:$0x1] =	stream.indirect_vreg.gather [hbm4b:s6+s3], $0x80, v4, vm0, $0xb8;
	[tilespmem:$0x10080] =	vst v63  }
0x2b: {  	s10 =	rddreg [dreg:$0x9]  }
0x2c: {  	[tilespmem:s10], [sflag:$0x1] =	stream.indirect_vreg.gather [hbm4b:s1+s3], $0x80, v3, vm0, $0xb8;
	[tilespmem:$0x10080] =	vst v63  }
0x2d: {  	s0 =	rddreg [dreg:$0xa]  }
0x2e: {  	[tilespmem:s0], [sflag:$0x1] =	stream.indirect_vreg.gather [hbm4b:s4+s3], $0x80, v3, vm0, $0xb8;
	[tilespmem:$0x10080] =	vst v63  }
0x2f: {  	s10 =	rddreg [dreg:$0xb]  }
0x30: {  	[tilespmem:s10], [sflag:$0x1] =	stream.indirect_vreg.gather [hbm4b:s5+s3], $0x80, v3, vm0, $0xb8;
	[tilespmem:$0x10080] =	vst v63  }
0x31: {  	s0 =	rddreg [dreg:$0xc]  }
0x32: {  	[tilespmem:s0], [sflag:$0x1] =	stream.indirect_vreg.gather [hbm4b:s6+s3], $0x80, v3, vm0, $0xb8;
	[tilespmem:$0x10080] =	vst v63  }
0x33: {  	v3 =	vld [tilespmem:$0x10];
	_ =	sdelay $0x4  }
0x34: {  	v61 =	vshll.u32 v3, $0x3  }
0x35: {  	v3 =	vand.u32 $0x7, v3;
	v4 =	vand.u32 $0xFFFFFFC0, v61  }
0x36: {  	v3 =	vor.u32 v3, v4  }
0x37: {  	v4 =	vperm.xlane v3, v0;
	_ =	sdelay $0x1  }
0x38: {  	v4 =	vadd.s32 v1, v4;
	_ =	sdelay $0x3  }
0x39: {  	s0 =	rddreg [dreg:$0xd]  }
0x3a: {  	[tilespmem:s0], [sflag:$0x1] =	stream.indirect_vreg.gather [hbm4b:s1+s3], $0x80, v4, vm0, $0xb8;
	[tilespmem:$0x10080] =	vst v63  }
0x3b: {  	s10 =	rddreg [dreg:$0xe];
	v3 =	vperm.xlane v3, v2  }
0x3c: {  	[tilespmem:s10], [sflag:$0x1] =	stream.indirect_vreg.gather [hbm4b:s4+s3], $0x80, v4, vm0, $0xb8;
	[tilespmem:$0x10080] =	vst v63  }
0x3d: {  	v3 =	vadd.s32 v1, v3;
	s0 =	rddreg [dreg:$0xf]  }
0x3e: {  	[tilespmem:s0], [sflag:$0x1] =	stream.indirect_vreg.gather [hbm4b:s5+s3], $0x80, v4, vm0, $0xb8;
	[tilespmem:$0x10080] =	vst v63  }
0x3f: {  	s10 =	simm.s32 $0x5880  }
0x40: {  	[tilespmem:s10], [sflag:$0x1] =	stream.indirect_vreg.gather [hbm4b:s6+s3], $0x80, v4, vm0, $0xb8;
	[tilespmem:$0x10080] =	vst v63  }
0x41: {  	_ = 	snop  }
0x42: {  	[tilespmem:s11], [sflag:$0x1] =	stream.indirect_vreg.gather [hbm4b:s1+s3], $0x80, v3, vm0, $0xb8;
	[tilespmem:$0x10080] =	vst v63  }
0x43: {  	_ = 	snop  }
0x44: {  	[tilespmem:s12], [sflag:$0x1] =	stream.indirect_vreg.gather [hbm4b:s4+s3], $0x80, v3, vm0, $0xb8;
	[tilespmem:$0x10080] =	vst v63  }
0x45: {  	_ = 	snop  }
0x46: {  	[tilespmem:s13], [sflag:$0x1] =	stream.indirect_vreg.gather [hbm4b:s5+s3], $0x80, v3, vm0, $0xb8;
	[tilespmem:$0x10080] =	vst v63  }
0x47: {  	_ = 	snop  }
0x48: {  	[tilespmem:s14], [sflag:$0x1] =	stream.indirect_vreg.gather [hbm4b:s6+s3], $0x80, v3, vm0, $0xb8;
	[tilespmem:$0x10080] =	vst v63  }
0x49: {  	v3 =	vld [tilespmem:$0x20];
	_ =	sdelay $0x4  }
0x4a: {  	v62 =	vshll.u32 v3, $0x3  }
0x4b: {  	v3 =	vand.u32 $0x7, v3;
	v4 =	vand.u32 $0xFFFFFFC0, v62  }
0x4c: {  	v3 =	vor.u32 v3, v4  }
0x4d: {  	v4 =	vperm.xlane v3, v0;
	_ =	sdelay $0x1  }
0x4e: {  	v4 =	vadd.s32 v1, v4;
	_ =	sdelay $0x4  }
0x4f: {  	[tilespmem:s15], [sflag:$0x1] =	stream.indirect_vreg.gather [hbm4b:s1+s3], $0x80, v4, vm0, $0xb8;
	[tilespmem:$0x10080] =	vst v63  }
0x50: {  	v3 =	vperm.xlane v3, v2  }
0x51: {  	[tilespmem:s16], [sflag:$0x1] =	stream.indirect_vreg.gather [hbm4b:s4+s3], $0x80, v4, vm0, $0xb8;
	[tilespmem:$0x10080] =	vst v63  }
0x52: {  	v3 =	vadd.s32 v1, v3  }
0x53: {  	[tilespmem:s17], [sflag:$0x1] =	stream.indirect_vreg.gather [hbm4b:s5+s3], $0x80, v4, vm0, $0xb8;
	[tilespmem:$0x10080] =	vst v63  }
0x54: {  	_ = 	snop  }
0x55: {  	[tilespmem:s18], [sflag:$0x1] =	stream.indirect_vreg.gather [hbm4b:s6+s3], $0x80, v4, vm0, $0xb8;
	[tilespmem:$0x10080] =	vst v63  }
0x56: {  	_ = 	snop  }
0x57: {  	[tilespmem:s19], [sflag:$0x1] =	stream.indirect_vreg.gather [hbm4b:s1+s3], $0x80, v3, vm0, $0xb8;
	[tilespmem:$0x10080] =	vst v63  }
0x58: {  	_ = 	snop  }
0x59: {  	[tilespmem:s20], [sflag:$0x1] =	stream.indirect_vreg.gather [hbm4b:s4+s3], $0x80, v3, vm0, $0xb8;
	[tilespmem:$0x10080] =	vst v63  }
0x5a: {  	_ = 	snop  }
0x5b: {  	[tilespmem:s21], [sflag:$0x1] =	stream.indirect_vreg.gather [hbm4b:s5+s3], $0x80, v3, vm0, $0xb8;
	[tilespmem:$0x10080] =	vst v63  }
0x5c: {  	_ = 	snop  }
0x5d: {  	[tilespmem:s22], [sflag:$0x1] =	stream.indirect_vreg.gather [hbm4b:s6+s3], $0x80, v3, vm0, $0xb8;
	[tilespmem:$0x10080] =	vst v63  }
0x5e: {  	v3 =	vld [tilespmem:$0x30];
	_ =	sdelay $0x4  }
0x5f: {  	v63 =	vshll.u32 v3, $0x3  }
0x60: {  	v3 =	vand.u32 $0x7, v3;
	v4 =	vand.u32 $0xFFFFFFC0, v63  }
0x61: {  	v3 =	vor.u32 v3, v4  }
0x62: {  	v4 =	vperm.xlane v3, v0;
	_ =	sdelay $0x1  }
0x63: {  	v4 =	vadd.s32 v1, v4;
	_ =	sdelay $0x4  }
0x64: {  	[tilespmem:s23], [sflag:$0x1] =	stream.indirect_vreg.gather [hbm4b:s1+s3], $0x80, v4, vm0, $0xb8;
	[tilespmem:$0x10080] =	vst v63  }
0x65: {  	v3 =	vperm.xlane v3, v2  }
0x66: {  	[tilespmem:s24], [sflag:$0x1] =	stream.indirect_vreg.gather [hbm4b:s4+s3], $0x80, v4, vm0, $0xb8;
	[tilespmem:$0x10080] =	vst v63  }
0x67: {  	v3 =	vadd.s32 v1, v3  }
0x68: {  	[tilespmem:s25], [sflag:$0x1] =	stream.indirect_vreg.gather [hbm4b:s5+s3], $0x80, v4, vm0, $0xb8;
	[tilespmem:$0x10080] =	vst v63  }
0x69: {  	_ = 	snop  }
0x6a: {  	[tilespmem:s26], [sflag:$0x1] =	stream.indirect_vreg.gather [hbm4b:s6+s3], $0x80, v4, vm0, $0xb8;
	[tilespmem:$0x10080] =	vst v63  }
0x6b: {  	_ = 	snop  }
0x6c: {  	[tilespmem:s28], [sflag:$0x1] =	stream.indirect_vreg.gather [hbm4b:s1+s3], $0x80, v3, vm0, $0xb8;
	[tilespmem:$0x10080] =	vst v63  }
0x6d: {  	_ = 	snop  }
0x6e: {  	[tilespmem:s29], [sflag:$0x1] =	stream.indirect_vreg.gather [hbm4b:s4+s3], $0x80, v3, vm0, $0xb8;
	[tilespmem:$0x10080] =	vst v63  }
0x6f: {  	_ = 	snop  }
0x70: {  	[tilespmem:s30], [sflag:$0x1] =	stream.indirect_vreg.gather [hbm4b:s5+s3], $0x80, v3, vm0, $0xb8;
	[tilespmem:$0x10080] =	vst v63  }
0x71: {  	_ = 	snop  }
0x72: {  	[tilespmem:s31], [sflag:$0x1] =	stream.indirect_vreg.gather [hbm4b:s6+s3], $0x80, v3, vm0, $0xb8;
	[tilespmem:$0x10080] =	vst v63  }
0x73: {  	_ =	swait.ge [sflag:s2], $0x10000  }
0x74: {  	p0 =	sne.s32 s7, $0x1;
	[sflag:s2] =	ssyncset.done $0x0  }
.Ltmp0:
0x75: {  	s10 =	rddreg [dreg:$0x5];
	[sflag:s2] =	ssyncadd.s32 $0xFFFF0000;
	(pc) =	sbr.rel @p0 .LBB2_1-.Ltmp0, $4  }
0x76: {  	[hbm4b:s10+s3] =	stream.linear.scatter [tilespmem:s9], [sflag:$0x2], $0x10000, $0x38;
	[tilespmem:$0x10080] =	vst v63  }
0x77: {  	_ =	swait.ge [sflag:s8], $0x10000  }
0x78: {  	[sflag:s8] =	ssyncset.done $0x0  }
0x79: {  	s7 =	sadd.s32 $0xFFFFFFFF, s7;
	[sflag:s8] =	ssyncadd.s32 $0xFFFF0000  }
0x7a: {  	_ =	sfence.sel $0x180000  }
0x7b: {  	[bflag:$0x0] =	sbarrier.arrive $0xFFFF  }
0x7c: {  	_ =	strace $0x90000047  }
0x7d: {  	s0 =	stileid.u32;
	[bflag:$0x2] =	sbarrier.arrive $0xFFFF  }
0x7e: {  	p0 =	sne.s32 s0, $0x0;
	s0 =	rddreg [dreg:$0x3]  }
0x7f: {  	s0 =	sadd.s32 @!p0 $0x100000, s0  }
0x80: {  	[sflag:s0] =	ssyncadd.tile.s32 @!p0 $0x1;
	_ =	shalt  }
.Lfunc_end2:
_tile_overlayer_lowered:
.L_overlay_start_2:
0x81: {  	(tag) =	ssettag $0x2  }
0x82: {  	s0 =	rddreg [dreg:$0x0];
	s2 =	stileid.u32  }
0x83: {  	s1 =	rddreg [dreg:$0x1];
	p0 =	sne.s32 s2, $0x0  }
0x84: {  	s3 =	rddreg [dreg:$0x2];
	[bflag:$0x3] =	sbarrier.arrive $0xFFFF;
	s2 =	simm.s32 @!p0 $0x1C02  }
0x85: {  	[timem:s3], [sflag:s2] =	dma.local @!p0 [hbm:s0], s1  }
0x86: {  	s0 =	simm.s32 @!p0 $0x2  }
0x87: {  	_ =	swait.ge @!p0 [sflag:s0], s1  }
0x88: {  	s1 =	ssub.s32 @!p0 $0x0, s1;
	[sflag:s0] =	ssyncset.done @!p0 $0x0  }
0x89: {  	[sflag:s0] =	ssyncadd.s32 @!p0 s1  }
0x8a: {  	[bflag:$0x3] =	sbarrier.arrive $0xFFFF  }
0x8b: {  	_ =	shalt  }

</sc_bundles>
